<compile_context>
chip_gen: v7x
topology: tpu7x:2x2x1
jax: 0.10.2.dev20260603
libtpu: 0.0.44.dev20260713+nightly
codegen_flags: <defaults>
</compile_context>

<pallas_src>
import functools

import jax
import jax.numpy as jnp
from jax import lax
from jax.experimental import pallas as pl
from jax.experimental.pallas import tpu as pltpu
from jax.experimental.pallas import tpu_sc as plsc

_N = 10000
_E = 320000
_D = 128
_DP = 16
_NC = 2
_NS = 16
_B = 128
_NCH = 80
_NCH0 = 122
_NCH1 = 38
_EP = _NC * _NS * _NCH * _B
_R = 10240
_ZR = _R // _NS
_MB = 2000


def _mesh():
    return plsc.VectorSubcoreMesh(core_axis_name="c", subcore_axis_name="s")


def _zero_rows(rows_v, nrows, d):
    nv = d // 16

    def body(t, carry):
        i = t // nv
        j = t % nv
        rows_v[i, pl.ds(pl.multiple_of(j * 16, 16), 16)] = jnp.zeros((16,), jnp.float32)
        return carry

    lax.fori_loop(0, nrows * nv, body, 0)


def _zero_acc(rows_v, nrows, acc_sh, s):
    def body(i, carry):
        r0 = pl.multiple_of(s * _ZR + i * nrows, nrows)
        pltpu.sync_copy(rows_v, acc_sh.at[pl.ds(r0, nrows)])
        return carry

    lax.fori_loop(0, _ZR // nrows, body, 0)


def _make_scatter_add(d):

    @functools.partial(
        pl.kernel,
        out_type=jax.ShapeDtypeStruct((_NC, _R, d), jnp.float32),
        mesh=_mesh(),
        scratch_types=[
            pltpu.VMEM((_B,), jnp.int32),
            pltpu.VMEM((_B,), jnp.int32),
            pltpu.VMEM((_B,), jnp.int32),
            pltpu.VMEM((_B,), jnp.int32),
            pltpu.VMEM((_B, d), jnp.float32),
            pltpu.VMEM((_B, d), jnp.float32),
            pltpu.SemaphoreType.DMA,
            pltpu.SemaphoreType.DMA,
            pltpu.SemaphoreType.DMA,
            pltpu.SemaphoreType.DMA,
            pltpu.VMEM_SHARED((_R, d), jnp.float32),
        ],
    )
    def k(src_hbm, dst_hbm, tbl_hbm, out_hbm,
          src_a, dst_a, src_b, dst_b, rows_a, rows_b,
          isem_a, isem_b, gsem_a, gsem_b, acc_sh):
        c = lax.axis_index("c")
        s = lax.axis_index("s")
        nch = jnp.where(c == 0, _NCH0, _NCH1)
        base = jnp.where(c == 0, s * _NCH0, _NS * _NCH0 + s * _NCH1) * _B

        def idx_start(src_v, dst_v, isem, i):
            off = pl.multiple_of(base + i * _B, _B)
            pltpu.make_async_copy(src_hbm.at[pl.ds(off, _B)], src_v, isem).start()
            pltpu.make_async_copy(dst_hbm.at[pl.ds(off, _B)], dst_v, isem).start()

        def idx_wait(src_v, dst_v, isem):
            pltpu.make_async_copy(src_hbm.at[pl.ds(0, _B)], src_v, isem).wait()
            pltpu.make_async_copy(dst_hbm.at[pl.ds(0, _B)], dst_v, isem).wait()

        def gather_start(src_v, rows_v, gsem):
            pltpu.make_async_copy(tbl_hbm.at[src_v], rows_v, gsem).start()

        def gather_wait(src_v, rows_v, gsem):
            pltpu.make_async_copy(tbl_hbm.at[src_v], rows_v, gsem).wait()

        _zero_rows(rows_a, _B, d)
        _zero_acc(rows_a, _B, acc_sh, s)

        idx_start(src_a, dst_a, isem_a, 0)
        idx_start(src_b, dst_b, isem_b, 1)
        plsc.subcore_barrier()
        idx_wait(src_a, dst_a, isem_a)
        gather_start(src_a, rows_a, gsem_a)

        def body(k_, carry):
            c0 = 2 * k_
            c1 = c0 + 1
            idx_wait(src_b, dst_b, isem_b)
            gather_start(src_b, rows_b, gsem_b)
            gather_wait(src_a, rows_a, gsem_a)
            pltpu.sync_copy(rows_a, acc_sh.at[dst_a], add=True)

            @pl.when(c0 + 2 < nch)
            def _():
                idx_start(src_a, dst_a, isem_a, c0 + 2)
                idx_wait(src_a, dst_a, isem_a)
                gather_start(src_a, rows_a, gsem_a)

            gather_wait(src_b, rows_b, gsem_b)
            pltpu.sync_copy(rows_b, acc_sh.at[dst_b], add=True)

            @pl.when(c1 + 2 < nch)
            def _():
                idx_start(src_b, dst_b, isem_b, c1 + 2)

            return carry

        lax.fori_loop(0, nch // 2, body, 0)

        plsc.subcore_barrier()

        r0 = pl.multiple_of(s * _ZR, _B)
        pltpu.sync_copy(acc_sh.at[pl.ds(r0, _ZR)], out_hbm.at[c, pl.ds(r0, _ZR)])

    return k


_EPT = _NCH * _B
_CW = _R // _NS


def _zero_1d(ref, n):
    def body(t, carry):
        ref[pl.ds(pl.multiple_of(t * 16, 16), 16)] = jnp.zeros((16,), jnp.float32)
        return carry

    lax.fori_loop(0, n // 16, body, 0)


def _reduce_cols(shared, j, tmp_v, racc_v, out_hbm, c, s):
    c0 = pl.multiple_of(s * _CW, 8)
    _zero_1d(racc_v, _CW)

    def per_tile(t, carry):
        pltpu.sync_copy(shared.at[t, j, pl.ds(c0, _CW)], tmp_v)

        def add(k, carry2):
            o = pl.ds(pl.multiple_of(k * 16, 16), 16)
            racc_v[o] = racc_v[o] + tmp_v[o]
            return carry2

        lax.fori_loop(0, _CW // 16, add, 0)
        return carry

    lax.fori_loop(0, _NS, per_tile, 0)
    pltpu.sync_copy(racc_v, out_hbm.at[c, j, pl.ds(c0, _CW)])


def _make_degree():

    @functools.partial(
        pl.kernel,
        out_type=jax.ShapeDtypeStruct((_NC, 1, _R), jnp.float32),
        mesh=_mesh(),
        compiler_params=pltpu.CompilerParams(needs_layout_passes=False),
        scratch_types=[
            pltpu.VMEM((_EPT,), jnp.int32),
            pltpu.VMEM((_R,), jnp.float32),
            pltpu.VMEM((_CW,), jnp.float32),
            pltpu.VMEM((_CW,), jnp.float32),
            pltpu.VMEM_SHARED((_NS, 1, _R), jnp.float32),
        ],
    )
    def k(dst_hbm, out_hbm, dst_v, acc_v, tmp_v, racc_v, shared):
        c = lax.axis_index("c")
        s = lax.axis_index("s")
        wid = c * _NS + s

        pltpu.sync_copy(dst_hbm.at[pl.ds(pl.multiple_of(wid * _EPT, 8), _EPT)],
                        dst_v)
        _zero_1d(acc_v, _R)
        ones = jnp.ones((16,), jnp.float32)

        def body(t, carry):
            d16 = dst_v[pl.ds(pl.multiple_of(t * 16, 16), 16)]
            plsc.addupdate_scatter(acc_v, [d16], ones)
            return carry

        lax.fori_loop(0, _EPT // 16, body, 0)

        pltpu.sync_copy(acc_v, shared.at[s, 0])
        plsc.subcore_barrier()
        _reduce_cols(shared, 0, tmp_v, racc_v, out_hbm, c, s)

    return k


def _make_scatter_cols():

    @functools.partial(
        pl.kernel,
        out_type=jax.ShapeDtypeStruct((_NC, 2, _R), jnp.float32),
        mesh=_mesh(),
        compiler_params=pltpu.CompilerParams(needs_layout_passes=False),
        scratch_types=[
            pltpu.VMEM((_EPT,), jnp.int32),
            pltpu.VMEM((_EPT,), jnp.int32),
            pltpu.VMEM((_N,), jnp.float32),
            pltpu.VMEM((_N,), jnp.float32),
            pltpu.VMEM((_R,), jnp.float32),
            pltpu.VMEM((_R,), jnp.float32),
            pltpu.VMEM((_CW,), jnp.float32),
            pltpu.VMEM((_CW,), jnp.float32),
            pltpu.VMEM_SHARED((_NS, 2, _R), jnp.float32),
        ],
    )
    def k(src_hbm, dst_hbm, ps_hbm, out_hbm,
          src_v, dst_v, p0_v, p1_v, a0_v, a1_v, tmp_v, racc_v, shared):
        c = lax.axis_index("c")
        s = lax.axis_index("s")
        wid = c * _NS + s

        off = pl.multiple_of(wid * _EPT, 8)
        pltpu.sync_copy(src_hbm.at[pl.ds(off, _EPT)], src_v)
        pltpu.sync_copy(dst_hbm.at[pl.ds(off, _EPT)], dst_v)
        pltpu.sync_copy(ps_hbm.at[0], p0_v)
        pltpu.sync_copy(ps_hbm.at[1], p1_v)
        _zero_1d(a0_v, _R)
        _zero_1d(a1_v, _R)

        def body(t, carry):
            o = pl.ds(pl.multiple_of(t * 16, 16), 16)
            s16 = src_v[o]
            d16 = dst_v[o]
            plsc.addupdate_scatter(a0_v, [d16], plsc.load_gather(p0_v, [s16]))
            plsc.addupdate_scatter(a1_v, [d16], plsc.load_gather(p1_v, [s16]))
            return carry

        lax.fori_loop(0, _EPT // 16, body, 0)

        pltpu.sync_copy(a0_v, shared.at[s, 0])
        pltpu.sync_copy(a1_v, shared.at[s, 1])
        plsc.subcore_barrier()
        _reduce_cols(shared, 0, tmp_v, racc_v, out_hbm, c, s)
        _reduce_cols(shared, 1, tmp_v, racc_v, out_hbm, c, s)

    return k



def _k1_body(x_ref, w_ref, d0_ref, d1_ref, xw_ref, xs_ref, dis_ref, inv_ref):
    deg = d0_ref[...] + d1_ref[...] + 1.0
    dis = lax.rsqrt(deg)
    inv = 1.0 / deg
    xw = jnp.dot(x_ref[...], w_ref[...], preferred_element_type=jnp.float32)
    xw_ref[...] = xw
    xs_ref[...] = xw * dis
    dis_ref[...] = dis
    inv_ref[...] = inv


def _k2_body(acc_ref, xw_ref, dis_ref, inv_ref, b_ref, w2_ref,
             h_ref, xw2_ref, xs2_ref):
    a = acc_ref[0] + acc_ref[1]
    h = jax.nn.relu(dis_ref[...] * a + xw_ref[...] * inv_ref[...] + b_ref[...])
    xw2 = jnp.dot(h, w2_ref[...], preferred_element_type=jnp.float32)
    h_ref[...] = h
    xw2_ref[...] = xw2
    xs2_ref[...] = xw2 * dis_ref[...]


def _k3_body(acc_ref, xw2_ref, dis_ref, inv_ref, b2_ref, h1_ref,
             wp1_ref, wp2_ref, p_ref, xs3_ref):
    a = acc_ref[0] + acc_ref[1]
    h2 = jax.nn.relu(dis_ref[...] * a + xw2_ref[...] * inv_ref[...] + b2_ref[...])
    p = (jnp.dot(h1_ref[...], wp1_ref[...], preferred_element_type=jnp.float32)
         + jnp.dot(h2, wp2_ref[...], preferred_element_type=jnp.float32))
    p_ref[...] = p
    xs3_ref[...] = p * dis_ref[...]


def _k4_body(acc_ref, p_ref, dis_ref, inv_ref, bp_ref, out_ref):
    a = acc_ref[0] + acc_ref[1]
    y = dis_ref[...] * a + p_ref[...] * inv_ref[...] + bp_ref[...]
    col = lax.broadcasted_iota(jnp.int32, y.shape, 1)
    ym = jnp.where(col < 2, y, -1e30)
    m = jnp.max(ym, axis=1, keepdims=True)
    e = jnp.exp(ym - m)
    out_ref[...] = e / jnp.sum(e, axis=1, keepdims=True)


def _col_spec():
    return pl.BlockSpec((_MB, 1), lambda i: (i, 0))


def _mat_spec(d=_D):
    return pl.BlockSpec((_MB, d), lambda i: (i, 0))


def _acc_spec(d=_D):
    return pl.BlockSpec((_NC, _MB, d), lambda i: (0, i, 0))


def _full_spec(r, c):
    return pl.BlockSpec((r, c), lambda i: (0, 0))


_G = _N // _MB


def _tc1(x, w1, d0, d1):
    return pl.pallas_call(
        _k1_body,
        grid=(_G,),
        in_specs=[_mat_spec(), _full_spec(_D, _D), _col_spec(), _col_spec()],
        out_specs=[_mat_spec(), _mat_spec(), _col_spec(), _col_spec()],
        out_shape=[
            jax.ShapeDtypeStruct((_N, _D), jnp.float32),
            jax.ShapeDtypeStruct((_N, _D), jnp.float32),
            jax.ShapeDtypeStruct((_N, 1), jnp.float32),
            jax.ShapeDtypeStruct((_N, 1), jnp.float32),
        ],
    )(x, w1, d0, d1)


def _tc2(acc, xw, dis, inv, b, w2):
    return pl.pallas_call(
        _k2_body,
        grid=(_G,),
        in_specs=[_acc_spec(), _mat_spec(), _col_spec(), _col_spec(),
                  _full_spec(1, _D), _full_spec(_D, _D)],
        out_specs=[_mat_spec(), _mat_spec(), _mat_spec()],
        out_shape=[
            jax.ShapeDtypeStruct((_N, _D), jnp.float32),
            jax.ShapeDtypeStruct((_N, _D), jnp.float32),
            jax.ShapeDtypeStruct((_N, _D), jnp.float32),
        ],
    )(acc, xw, dis, inv, b, w2)


def _tc3(acc, xw2, dis, inv, b2, h1, wp1, wp2):
    return pl.pallas_call(
        _k3_body,
        grid=(_G,),
        in_specs=[_acc_spec(), _mat_spec(), _col_spec(), _col_spec(),
                  _full_spec(1, _D), _mat_spec(), _full_spec(_D, _DP),
                  _full_spec(_D, _DP)],
        out_specs=[_mat_spec(_DP), _mat_spec(_DP)],
        out_shape=[
            jax.ShapeDtypeStruct((_N, _DP), jnp.float32),
            jax.ShapeDtypeStruct((_N, _DP), jnp.float32),
        ],
    )(acc, xw2, dis, inv, b2, h1, wp1, wp2)


def _tc4(acc, p, dis, inv, bp):
    return pl.pallas_call(
        _k4_body,
        grid=(_G,),
        in_specs=[_acc_spec(_DP), _mat_spec(_DP), _col_spec(), _col_spec(),
                  _full_spec(1, _DP)],
        out_specs=pl.BlockSpec((_MB, _DP), lambda i: (i, 0)),
        out_shape=jax.ShapeDtypeStruct((_N, _DP), jnp.float32),
    )(acc, p, dis, inv, bp)


_deg_kernel = _make_degree()
_scat_d = _make_scatter_add(_D)
_scat_p = _make_scatter_cols()


def kernel(x, edge_index, W1, b1, W2, b2, Wp, bp):
    src = edge_index[0]
    dst = edge_index[1]
    pad = _EP - _E
    srcp = jnp.concatenate([src, jnp.zeros((pad,), jnp.int32)])
    dstp = jnp.concatenate(
        [dst, _N + (jnp.arange(pad, dtype=jnp.int32) % (_R - _N))])

    degacc = _deg_kernel(dstp)
    d0 = degacc[0, 0, :_N].reshape(_N, 1)
    d1 = degacc[1, 0, :_N].reshape(_N, 1)

    xw1, xs1, dis, inv = _tc1(x, W1, d0, d1)
    acc1 = _scat_d(srcp, dstp, xs1)
    h1, xw2, xs2 = _tc2(acc1, xw1, dis, inv, b1.reshape(1, _D), W2)
    acc2 = _scat_d(srcp, dstp, xs2)

    wp1 = jnp.pad(Wp[:_D], ((0, 0), (0, _DP - 2)))
    wp2 = jnp.pad(Wp[_D:], ((0, 0), (0, _DP - 2)))
    p, xs3 = _tc3(acc2, xw2, dis, inv, b2.reshape(1, _D), h1, wp1, wp2)
    ps_t = xs3[:, :2].T
    acc3 = _scat_p(srcp, dstp, ps_t)

    acc3p = jnp.pad(jnp.moveaxis(acc3[:, :, :_N], 1, 2),
                    ((0, 0), (0, 0), (0, _DP - 2)))
    bpp = jnp.pad(bp.reshape(1, 2), ((0, 0), (0, _DP - 2)))
    sm = _tc4(acc3p, p, dis, inv, bpp)
    return sm[:, :2]

# --- scband reference (transcript-rebuilt; emitter-appended) ---
"""Pipeline reference for scband-jawsnetwork-3908420239529 (READ-ONLY COPY).

The authoritative reference and input builder live on the scoring server;
editing this copy changes nothing except your own understanding.
"""

import jax, jax.numpy as jnp
import numpy as np

N = 10000
E = 320000
D = 128
H = [128, 128]


def _gcn_conv(x, src, dst, W, b, n):
    loops = jnp.arange(n, dtype=src.dtype)
    s = jnp.concatenate([src, loops])
    d = jnp.concatenate([dst, loops])
    deg = jnp.zeros((n,), x.dtype).at[d].add(1.0)
    dis = jnp.where(deg > 0, 1.0 / jnp.sqrt(deg), 0.0)
    norm = dis[s] * dis[d]
    xw = x @ W
    msg = xw[s] * norm[:, None]
    out = jnp.zeros((n, W.shape[1]), x.dtype).at[d].add(msg)
    return out + b


def setup_inputs(seed: int = 0) -> dict:
    key = jax.random.key(seed)
    ks = jax.random.split(key, 8)
    x = jax.random.normal(ks[0], (N, D), dtype=jnp.float32)
    edge_index = jax.random.randint(ks[1], (2, E), 0, N, dtype=jnp.int32)
    W1 = jax.random.normal(ks[2], (D, H[0]), dtype=jnp.float32) * 0.05
    b1 = jnp.zeros((H[0],), dtype=jnp.float32)
    W2 = jax.random.normal(ks[3], (H[0], H[1]), dtype=jnp.float32) * 0.05
    b2 = jnp.zeros((H[1],), dtype=jnp.float32)
    Wp = jax.random.normal(ks[4], (H[0] + H[1], 2), dtype=jnp.float32) * 0.05
    bp = jnp.zeros((2,), dtype=jnp.float32)
    return {"x": x, "edge_index": edge_index, "W1": W1, "b1": b1, "W2": W2, "b2": b2, "Wp": Wp, "bp": bp}


def reference(x, edge_index, W1, b1, W2, b2, Wp, bp):
    src = edge_index[0]
    dst = edge_index[1]
    h1 = jax.nn.relu(_gcn_conv(x, src, dst, W1, b1, N))
    h2 = jax.nn.relu(_gcn_conv(h1, src, dst, W2, b2, N))
    hc = jnp.concatenate([h1, h2], axis=-1)
    y = _gcn_conv(hc, src, dst, Wp, bp, N)
    return jax.nn.softmax(y, axis=1)

if __name__ == "__main__":
    import jax
    _d = setup_inputs()
    print(jax.jit(kernel)(*tuple(_d.values())))

</pallas_src>

<mosaic_0001>
#map = affine_map<(d0, d1) -> (0)>
#map1 = affine_map<(d0, d1) -> (0, 0)>
#map2 = affine_map<(d0, d1) -> (0, 0, 0)>
module attributes {stable_mosaic.version = 14 : i64} {
  func.func @k(%arg0: i32, %arg1: i32, %arg2: memref<327680xi32, #tpu.memory_space<hbm>>, %arg3: memref<327680xi32, #tpu.memory_space<hbm>>, %arg4: memref<10000x128xf32, #tpu.memory_space<hbm>>, %arg5: memref<2x10240x128xf32, #tpu.memory_space<hbm>>, %arg6: memref<128xi32, #tpu.memory_space<vmem>>, %arg7: memref<128xi32, #tpu.memory_space<vmem>>, %arg8: memref<128xi32, #tpu.memory_space<vmem>>, %arg9: memref<128xi32, #tpu.memory_space<vmem>>, %arg10: memref<128x128xf32, #tpu.memory_space<vmem>>, %arg11: memref<128x128xf32, #tpu.memory_space<vmem>>, %arg12: memref<!tpu.dma_semaphore, #tpu.memory_space<semaphore_mem>>, %arg13: memref<!tpu.dma_semaphore, #tpu.memory_space<semaphore_mem>>, %arg14: memref<!tpu.dma_semaphore, #tpu.memory_space<semaphore_mem>>, %arg15: memref<!tpu.dma_semaphore, #tpu.memory_space<semaphore_mem>>, %arg16: memref<10240x128xf32, #tpu.memory_space<vmem_shared>>) attributes {dimension_semantics = [#tpu.dimension_semantics<core_parallel>, #tpu.dimension_semantics<subcore_parallel>], iteration_bounds = array<i64: 2, 16>, scalar_prefetch = 0 : i64, scratch_operands = 11 : i64, tpu.core_type = #tpu.core_type<sc_vector_subcore>, window_params = [{transform_indices = #map}, {transform_indices = #map}, {transform_indices = #map1}, {transform_indices = #map2}]} {
    %eq3A = arith.constant 0 : i32
    %eq3A_0 = arith.cmpi eq, %arg0, %eq3A : i32
    %jit3A = arith.constant 122 : i32
    %jit3A_1 = arith.constant 38 : i32
    %select_n3A = arith.select %eq3A_0, %jit3A, %jit3A_1 : i32
    %eq3A_2 = arith.constant 0 : i32
    %eq3A_3 = arith.cmpi eq, %arg0, %eq3A_2 : i32
    %mul3A = arith.constant 122 : i32
    %mul3A_4 = arith.muli %arg1, %mul3A : i32
    %mul3A_5 = arith.constant 38 : i32
    %mul3A_6 = arith.muli %arg1, %mul3A_5 : i32
    %add3A = arith.constant 1952 : i32
    %add3A_7 = arith.addi %add3A, %mul3A_6 : i32
    %select_n3A_8 = arith.select %eq3A_3, %mul3A_4, %add3A_7 : i32
    %mul3A_9 = arith.constant 128 : i32
    %mul3A_10 = arith.muli %select_n3A_8, %mul3A_9 : i32
    %scan3A = arith.constant 0 : i32
    %scan3A_11 = arith.constant 0 : i32
    %scan3A_12 = arith.constant 1024 : i32
    %scan3A_13 = arith.addi %scan3A_11, %scan3A_12 : i32
    %scan3A_14 = arith.constant 1 : i32
    scf.for %scan3A_75 = %scan3A_11 to %scan3A_13 step %scan3A_14  : i32 {
      %jit3A_76 = arith.constant 8 : i32
      %div3A_77 = arith.divsi %scan3A_75, %jit3A_76 : i32
      %sign3A_78 = arith.constant 0 : i32
      %sign3A_79 = arith.cmpi sgt, %scan3A_75, %sign3A_78 : i32
      %sign3A_80 = arith.extui %sign3A_79 : i1 to i32
      %sign3A_81 = arith.constant 0 : i32
      %sign3A_82 = arith.cmpi slt, %scan3A_75, %sign3A_81 : i32
      %sign3A_83 = arith.extui %sign3A_82 : i1 to i32
      %sign3A_84 = arith.subi %sign3A_80, %sign3A_83 : i32
      %sign3A_85 = arith.constant 0 : i32
      %sign3A_86 = arith.cmpi sgt, %jit3A_76, %sign3A_85 : i32
      %sign3A_87 = arith.extui %sign3A_86 : i1 to i32
      %sign3A_88 = arith.constant 0 : i32
      %sign3A_89 = arith.cmpi slt, %jit3A_76, %sign3A_88 : i32
      %sign3A_90 = arith.extui %sign3A_89 : i1 to i32
      %sign3A_91 = arith.subi %sign3A_87, %sign3A_90 : i32
      %ne3A_92 = arith.cmpi ne, %sign3A_84, %sign3A_91 : i32
      %rem3A_93 = arith.remsi %scan3A_75, %jit3A_76 : i32
      %ne3A_94 = arith.constant 0 : i32
      %ne3A_95 = arith.cmpi ne, %rem3A_93, %ne3A_94 : i32
      %and3A_96 = arith.andi %ne3A_92, %ne3A_95 : i1
      %sub3A_97 = arith.constant 1 : i32
      %sub3A_98 = arith.subi %div3A_77, %sub3A_97 : i32
      %select_n3A_99 = arith.select %and3A_96, %sub3A_98, %div3A_77 : i32
      %jit3A_100 = arith.constant 8 : i32
      %eq3A_101 = arith.constant 0 : i32
      %eq3A_102 = arith.cmpi eq, %jit3A_100, %eq3A_101 : i32
      %jit3A_103 = arith.constant 1 : i32
      %select_n3A_104 = arith.select %eq3A_102, %jit3A_103, %jit3A_100 : i32
      %rem3A_105 = arith.remsi %scan3A_75, %select_n3A_104 : i32
      %ne3A_106 = arith.constant 0 : i32
      %ne3A_107 = arith.cmpi ne, %rem3A_105, %ne3A_106 : i32
      %lt3A = arith.constant 0 : i32
      %lt3A_108 = arith.cmpi slt, %rem3A_105, %lt3A : i32
      %lt3A_109 = arith.constant 0 : i32
      %lt3A_110 = arith.cmpi slt, %select_n3A_104, %lt3A_109 : i32
      %ne3A_111 = arith.xori %lt3A_108, %lt3A_110 : i1
      %and3A_112 = arith.andi %ne3A_111, %ne3A_107 : i1
      %add3A_113 = arith.addi %rem3A_105, %select_n3A_104 : i32
      %select_n3A_114 = arith.select %and3A_112, %add3A_113, %rem3A_105 : i32
      %broadcast_in_dim3A = arith.constant 0.000000e+00 : f32
      %broadcast_in_dim3A_115 = vector.broadcast %broadcast_in_dim3A : f32 to vector<16xf32>
      %mul3A_116 = arith.constant 16 : i32
      %mul3A_117 = arith.muli %select_n3A_114, %mul3A_116 : i32
      %multiple_of3A_118 = tpu.assume_multiple %mul3A_117, 16 : i32
      %swap3A = arith.index_cast %select_n3A_99 : i32 to index
      %swap3A_119 = arith.index_cast %multiple_of3A_118 : i32 to index
      %swap3A_120 = tpu.vector_load %arg10[%swap3A, %swap3A_119] {strides = array<i32>} : memref<128x128xf32, #tpu.memory_space<vmem>>, vector<1x16xf32>,
      %swap3A_121 = vector.shape_cast %swap3A_120 : vector<1x16xf32> to vector<16xf32>
      %swap3A_122 = vector.shape_cast %broadcast_in_dim3A_115 : vector<16xf32> to vector<1x16xf32>
      tpu.vector_store %arg10[%swap3A, %swap3A_119], %swap3A_122 {strides = array<i32>} : memref<128x128xf32, #tpu.memory_space<vmem>>, vector<1x16xf32>,
    }
    %scan3A_15 = arith.constant 1024 : i32
    %scan3A_16 = arith.constant 0 : i32
    %scan3A_17 = arith.constant 0 : i32
    %scan3A_18 = arith.constant 5 : i32
    %scan3A_19 = arith.addi %scan3A_17, %scan3A_18 : i32
    %scan3A_20 = arith.constant 1 : i32
    scf.for %scan3A_75 = %scan3A_17 to %scan3A_19 step %scan3A_20  : i32 {
      %mul3A_76 = arith.constant 640 : i32
      %mul3A_77 = arith.muli %arg1, %mul3A_76 : i32
      %mul3A_78 = arith.constant 128 : i32
      %mul3A_79 = arith.muli %scan3A_75, %mul3A_78 : i32
      %add3A_80 = arith.addi %mul3A_77, %mul3A_79 : i32
      %multiple_of3A_81 = tpu.assume_multiple %add3A_80, 128 : i32
      "tpu.region"() ({
        %run_scoped3A = tpu.sem_alloc : memref<!tpu.dma_semaphore, #tpu.memory_space<semaphore_mem>>
        %dma_start3A_82 = arith.constant 0 : i32
        %dma_start3A_83 = tpu.memref_slice %arg16[%multiple_of3A_81, %dma_start3A_82] : memref<10240x128xf32, #tpu.memory_space<vmem_shared>> -> memref<128x128xf32, #tpu.memory_space<vmem_shared>>
        %dma_start3A_84 = arith.constant 0 : i32
        %dma_start3A_85 = tpu.memref_slice %arg16[%multiple_of3A_81, %dma_start3A_84] : memref<10240x128xf32, #tpu.memory_space<vmem_shared>> -> memref<128x128xf32, #tpu.memory_space<vmem_shared>>
        tpu.enqueue_dma source(%arg10 : memref<128x128xf32, #tpu.memory_space<vmem>>) target(%dma_start3A_85 : memref<128x128xf32, #tpu.memory_space<vmem_shared>>) target_semaphore(%run_scoped3A : memref<!tpu.dma_semaphore, #tpu.memory_space<semaphore_mem>>)
        %dma_wait3A_86 = arith.constant 0 : i32
        %dma_wait3A_87 = tpu.memref_slice %arg16[%multiple_of3A_81, %dma_wait3A_86] : memref<10240x128xf32, #tpu.memory_space<vmem_shared>> -> memref<128x128xf32, #tpu.memory_space<vmem_shared>>
        %dma_wait3A_88 = arith.constant 0 : i32
        %dma_wait3A_89 = tpu.memref_slice %arg16[%multiple_of3A_81, %dma_wait3A_88] : memref<10240x128xf32, #tpu.memory_space<vmem_shared>> -> memref<128x128xf32, #tpu.memory_space<vmem_shared>>
        tpu.wait_dma2 semaphore(%run_scoped3A : memref<!tpu.dma_semaphore, #tpu.memory_space<semaphore_mem>>) src(%arg10 : memref<128x128xf32, #tpu.memory_space<vmem>>) dst(%dma_wait3A_89 : memref<128x128xf32, #tpu.memory_space<vmem_shared>>)
        tpu.yield
      }) : () -> ()
    }
    %scan3A_21 = arith.constant 5 : i32
    %add3A_22 = arith.constant 0 : i32
    %add3A_23 = arith.addi %mul3A_10, %add3A_22 : i32
    %multiple_of3A = tpu.assume_multiple %add3A_23, 128 : i32
    %dma_start3A = tpu.memref_slice %arg2[%multiple_of3A] : memref<327680xi32, #tpu.memory_space<hbm>> -> memref<128xi32, #tpu.memory_space<hbm>>
    %dma_start3A_24 = tpu.memref_slice %arg2[%multiple_of3A] : memref<327680xi32, #tpu.memory_space<hbm>> -> memref<128xi32, #tpu.memory_space<hbm>>
    tpu.enqueue_dma source(%dma_start3A_24 : memref<128xi32, #tpu.memory_space<hbm>>) target(%arg6 : memref<128xi32, #tpu.memory_space<vmem>>) target_semaphore(%arg12 : memref<!tpu.dma_semaphore, #tpu.memory_space<semaphore_mem>>)
    %dma_start3A_25 = tpu.memref_slice %arg3[%multiple_of3A] : memref<327680xi32, #tpu.memory_space<hbm>> -> memref<128xi32, #tpu.memory_space<hbm>>
    %dma_start3A_26 = tpu.memref_slice %arg3[%multiple_of3A] : memref<327680xi32, #tpu.memory_space<hbm>> -> memref<128xi32, #tpu.memory_space<hbm>>
    tpu.enqueue_dma source(%dma_start3A_26 : memref<128xi32, #tpu.memory_space<hbm>>) target(%arg7 : memref<128xi32, #tpu.memory_space<vmem>>) target_semaphore(%arg12 : memref<!tpu.dma_semaphore, #tpu.memory_space<semaphore_mem>>)
    %add3A_27 = arith.constant 128 : i32
    %add3A_28 = arith.addi %mul3A_10, %add3A_27 : i32
    %multiple_of3A_29 = tpu.assume_multiple %add3A_28, 128 : i32
    %dma_start3A_30 = tpu.memref_slice %arg2[%multiple_of3A_29] : memref<327680xi32, #tpu.memory_space<hbm>> -> memref<128xi32, #tpu.memory_space<hbm>>
    %dma_start3A_31 = tpu.memref_slice %arg2[%multiple_of3A_29] : memref<327680xi32, #tpu.memory_space<hbm>> -> memref<128xi32, #tpu.memory_space<hbm>>
    tpu.enqueue_dma source(%dma_start3A_31 : memref<128xi32, #tpu.memory_space<hbm>>) target(%arg8 : memref<128xi32, #tpu.memory_space<vmem>>) target_semaphore(%arg13 : memref<!tpu.dma_semaphore, #tpu.memory_space<semaphore_mem>>)
    %dma_start3A_32 = tpu.memref_slice %arg3[%multiple_of3A_29] : memref<327680xi32, #tpu.memory_space<hbm>> -> memref<128xi32, #tpu.memory_space<hbm>>
    %dma_start3A_33 = tpu.memref_slice %arg3[%multiple_of3A_29] : memref<327680xi32, #tpu.memory_space<hbm>> -> memref<128xi32, #tpu.memory_space<hbm>>
    tpu.enqueue_dma source(%dma_start3A_33 : memref<128xi32, #tpu.memory_space<hbm>>) target(%arg9 : memref<128xi32, #tpu.memory_space<vmem>>) target_semaphore(%arg13 : memref<!tpu.dma_semaphore, #tpu.memory_space<semaphore_mem>>)
    %barrier3A = arith.constant 0 : index
    tpu.barrier barrier_id(%barrier3A)
    %dma_wait3A = arith.constant 0 : i32
    %dma_wait3A_34 = tpu.memref_slice %arg2[%dma_wait3A] : memref<327680xi32, #tpu.memory_space<hbm>> -> memref<128xi32, #tpu.memory_space<hbm>>
    %dma_wait3A_35 = arith.constant 0 : i32
    %dma_wait3A_36 = tpu.memref_slice %arg2[%dma_wait3A_35] : memref<327680xi32, #tpu.memory_space<hbm>> -> memref<128xi32, #tpu.memory_space<hbm>>
    tpu.wait_dma2 semaphore(%arg12 : memref<!tpu.dma_semaphore, #tpu.memory_space<semaphore_mem>>) src(%dma_wait3A_36 : memref<128xi32, #tpu.memory_space<hbm>>) dst(%arg6 : memref<128xi32, #tpu.memory_space<vmem>>)
    %dma_wait3A_37 = arith.constant 0 : i32
    %dma_wait3A_38 = tpu.memref_slice %arg3[%dma_wait3A_37] : memref<327680xi32, #tpu.memory_space<hbm>> -> memref<128xi32, #tpu.memory_space<hbm>>
    %dma_wait3A_39 = arith.constant 0 : i32
    %dma_wait3A_40 = tpu.memref_slice %arg3[%dma_wait3A_39] : memref<327680xi32, #tpu.memory_space<hbm>> -> memref<128xi32, #tpu.memory_space<hbm>>
    tpu.wait_dma2 semaphore(%arg12 : memref<!tpu.dma_semaphore, #tpu.memory_space<semaphore_mem>>) src(%dma_wait3A_40 : memref<128xi32, #tpu.memory_space<hbm>>) dst(%arg7 : memref<128xi32, #tpu.memory_space<vmem>>)
    %dma_start3A_41 = arith.constant 0 : i32
    %dma_start3A_42 = arith.constant 0 : i32
    %dma_start3A_43 = tpu.memref_slice %arg4[%dma_start3A_41, %dma_start3A_42] : memref<10000x128xf32, #tpu.memory_space<hbm>> -> memref<10000x128xf32, #tpu.memory_space<hbm>>
    tpu.enqueue_indirect_dma source(%dma_start3A_43 : memref<10000x128xf32, #tpu.memory_space<hbm>>) target(%arg10 : memref<128x128xf32, #tpu.memory_space<vmem>>) offsets(%arg6 : memref<128xi32, #tpu.memory_space<vmem>>) semaphore(%arg14 : memref<!tpu.dma_semaphore, #tpu.memory_space<semaphore_mem>>)
    %jit3A_44 = arith.constant 2 : i32
    %div3A = arith.divsi %select_n3A, %jit3A_44 : i32
    %sign3A = arith.constant 0 : i32
    %sign3A_45 = arith.cmpi sgt, %select_n3A, %sign3A : i32
    %sign3A_46 = arith.extui %sign3A_45 : i1 to i32
    %sign3A_47 = arith.constant 0 : i32
    %sign3A_48 = arith.cmpi slt, %select_n3A, %sign3A_47 : i32
    %sign3A_49 = arith.extui %sign3A_48 : i1 to i32
    %sign3A_50 = arith.subi %sign3A_46, %sign3A_49 : i32
    %sign3A_51 = arith.constant 0 : i32
    %sign3A_52 = arith.cmpi sgt, %jit3A_44, %sign3A_51 : i32
    %sign3A_53 = arith.extui %sign3A_52 : i1 to i32
    %sign3A_54 = arith.constant 0 : i32
    %sign3A_55 = arith.cmpi slt, %jit3A_44, %sign3A_54 : i32
    %sign3A_56 = arith.extui %sign3A_55 : i1 to i32
    %sign3A_57 = arith.subi %sign3A_53, %sign3A_56 : i32
    %ne3A = arith.cmpi ne, %sign3A_50, %sign3A_57 : i32
    %rem3A = arith.remsi %select_n3A, %jit3A_44 : i32
    %ne3A_58 = arith.constant 0 : i32
    %ne3A_59 = arith.cmpi ne, %rem3A, %ne3A_58 : i32
    %and3A = arith.andi %ne3A, %ne3A_59 : i1
    %sub3A = arith.constant 1 : i32
    %sub3A_60 = arith.subi %div3A, %sub3A : i32
    %select_n3A_61 = arith.select %and3A, %sub3A_60, %div3A : i32
    %while3A = arith.constant 0 : i32
    %while3A_62 = arith.constant 0 : i32
    %while3A_63 = arith.subi %select_n3A_61, %while3A_62 : i32
    %while3A_64 = arith.addi %while3A_62, %while3A_63 : i32
    %while3A_65 = arith.constant 1 : i32
    %while3A_66 = arith.divsi %while3A_63, %while3A_65 : i32
    %while3A_67 = arith.muli %while3A_66, %while3A_65 : i32
    %while3A_68 = arith.addi %while3A_62, %while3A_67 : i32
    %while3A_69 = arith.constant 1 : i32
    scf.for %while3A_75 = %while3A_62 to %while3A_68 step %while3A_69  : i32 {
      %mul3A_76 = arith.constant 2 : i32
      %mul3A_77 = arith.muli %mul3A_76, %while3A_75 : i32
      %add3A_78 = arith.constant 1 : i32
      %add3A_79 = arith.addi %mul3A_77, %add3A_78 : i32
      %dma_wait3A_80 = arith.constant 0 : i32
      %dma_wait3A_81 = tpu.memref_slice %arg2[%dma_wait3A_80] : memref<327680xi32, #tpu.memory_space<hbm>> -> memref<128xi32, #tpu.memory_space<hbm>>
      %dma_wait3A_82 = arith.constant 0 : i32
      %dma_wait3A_83 = tpu.memref_slice %arg2[%dma_wait3A_82] : memref<327680xi32, #tpu.memory_space<hbm>> -> memref<128xi32, #tpu.memory_space<hbm>>
      tpu.wait_dma2 semaphore(%arg13 : memref<!tpu.dma_semaphore, #tpu.memory_space<semaphore_mem>>) src(%dma_wait3A_83 : memref<128xi32, #tpu.memory_space<hbm>>) dst(%arg8 : memref<128xi32, #tpu.memory_space<vmem>>)
      %dma_wait3A_84 = arith.constant 0 : i32
      %dma_wait3A_85 = tpu.memref_slice %arg3[%dma_wait3A_84] : memref<327680xi32, #tpu.memory_space<hbm>> -> memref<128xi32, #tpu.memory_space<hbm>>
      %dma_wait3A_86 = arith.constant 0 : i32
      %dma_wait3A_87 = tpu.memref_slice %arg3[%dma_wait3A_86] : memref<327680xi32, #tpu.memory_space<hbm>> -> memref<128xi32, #tpu.memory_space<hbm>>
      tpu.wait_dma2 semaphore(%arg13 : memref<!tpu.dma_semaphore, #tpu.memory_space<semaphore_mem>>) src(%dma_wait3A_87 : memref<128xi32, #tpu.memory_space<hbm>>) dst(%arg9 : memref<128xi32, #tpu.memory_space<vmem>>)
      %dma_start3A_88 = arith.constant 0 : i32
      %dma_start3A_89 = arith.constant 0 : i32
      %dma_start3A_90 = tpu.memref_slice %arg4[%dma_start3A_88, %dma_start3A_89] : memref<10000x128xf32, #tpu.memory_space<hbm>> -> memref<10000x128xf32, #tpu.memory_space<hbm>>
      tpu.enqueue_indirect_dma source(%dma_start3A_90 : memref<10000x128xf32, #tpu.memory_space<hbm>>) target(%arg11 : memref<128x128xf32, #tpu.memory_space<vmem>>) offsets(%arg8 : memref<128xi32, #tpu.memory_space<vmem>>) semaphore(%arg15 : memref<!tpu.dma_semaphore, #tpu.memory_space<semaphore_mem>>)
      %dma_wait3A_91 = arith.constant 0 : i32
      %dma_wait3A_92 = arith.constant 0 : i32
      %dma_wait3A_93 = tpu.memref_slice %arg4[%dma_wait3A_91, %dma_wait3A_92] : memref<10000x128xf32, #tpu.memory_space<hbm>> -> memref<10000x128xf32, #tpu.memory_space<hbm>>
      tpu.wait_indirect_dma semaphore(%arg14 : memref<!tpu.dma_semaphore, #tpu.memory_space<semaphore_mem>>) src(%dma_wait3A_93 : memref<10000x128xf32, #tpu.memory_space<hbm>>) dst(%arg10 : memref<128x128xf32, #tpu.memory_space<vmem>>)
      "tpu.region"() ({
        %run_scoped3A = tpu.sem_alloc : memref<!tpu.dma_semaphore, #tpu.memory_space<semaphore_mem>>
        %dma_start3A_106 = arith.constant 0 : i32
        %dma_start3A_107 = arith.constant 0 : i32
        %dma_start3A_108 = tpu.memref_slice %arg16[%dma_start3A_106, %dma_start3A_107] : memref<10240x128xf32, #tpu.memory_space<vmem_shared>> -> memref<10240x128xf32, #tpu.memory_space<vmem_shared>>
        tpu.enqueue_indirect_dma source(%arg10 : memref<128x128xf32, #tpu.memory_space<vmem>>) target(%dma_start3A_108 : memref<10240x128xf32, #tpu.memory_space<vmem_shared>>) offsets(%arg7 : memref<128xi32, #tpu.memory_space<vmem>>) semaphore(%run_scoped3A : memref<!tpu.dma_semaphore, #tpu.memory_space<semaphore_mem>>) {add = true}
        %dma_wait3A_109 = arith.constant 0 : i32
        %dma_wait3A_110 = arith.constant 0 : i32
        %dma_wait3A_111 = tpu.memref_slice %arg16[%dma_wait3A_109, %dma_wait3A_110] : memref<10240x128xf32, #tpu.memory_space<vmem_shared>> -> memref<10240x128xf32, #tpu.memory_space<vmem_shared>>
        tpu.wait_indirect_dma semaphore(%run_scoped3A : memref<!tpu.dma_semaphore, #tpu.memory_space<semaphore_mem>>) src(%arg10 : memref<128x128xf32, #tpu.memory_space<vmem>>) dst(%dma_wait3A_111 : memref<10240x128xf32, #tpu.memory_space<vmem_shared>>)
        tpu.yield
      }) : () -> ()
      %add3A_94 = arith.constant 2 : i32
      %add3A_95 = arith.addi %mul3A_77, %add3A_94 : i32
      %lt3A = arith.cmpi slt, %add3A_95, %select_n3A : i32
      %convert_element_type3A = arith.extui %lt3A : i1 to i32
      %cond3A = arith.constant 0 : i32
      %cond3A_96 = arith.cmpi ne, %convert_element_type3A, %cond3A : i32
      scf.if %cond3A_96 {
        %add3A_106 = arith.constant 2 : i32
        %add3A_107 = arith.addi %mul3A_77, %add3A_106 : i32
        %mul3A_108 = arith.constant 128 : i32
        %mul3A_109 = arith.muli %add3A_107, %mul3A_108 : i32
        %add3A_110 = arith.addi %mul3A_10, %mul3A_109 : i32
        %multiple_of3A_111 = tpu.assume_multiple %add3A_110, 128 : i32
        %dma_start3A_112 = tpu.memref_slice %arg2[%multiple_of3A_111] : memref<327680xi32, #tpu.memory_space<hbm>> -> memref<128xi32, #tpu.memory_space<hbm>>
        %dma_start3A_113 = tpu.memref_slice %arg2[%multiple_of3A_111] : memref<327680xi32, #tpu.memory_space<hbm>> -> memref<128xi32, #tpu.memory_space<hbm>>
        tpu.enqueue_dma source(%dma_start3A_113 : memref<128xi32, #tpu.memory_space<hbm>>) target(%arg6 : memref<128xi32, #tpu.memory_space<vmem>>) target_semaphore(%arg12 : memref<!tpu.dma_semaphore, #tpu.memory_space<semaphore_mem>>)
        %dma_start3A_114 = tpu.memref_slice %arg3[%multiple_of3A_111] : memref<327680xi32, #tpu.memory_space<hbm>> -> memref<128xi32, #tpu.memory_space<hbm>>
        %dma_start3A_115 = tpu.memref_slice %arg3[%multiple_of3A_111] : memref<327680xi32, #tpu.memory_space<hbm>> -> memref<128xi32, #tpu.memory_space<hbm>>
        tpu.enqueue_dma source(%dma_start3A_115 : memref<128xi32, #tpu.memory_space<hbm>>) target(%arg7 : memref<128xi32, #tpu.memory_space<vmem>>) target_semaphore(%arg12 : memref<!tpu.dma_semaphore, #tpu.memory_space<semaphore_mem>>)
        %dma_wait3A_116 = arith.constant 0 : i32
        %dma_wait3A_117 = tpu.memref_slice %arg2[%dma_wait3A_116] : memref<327680xi32, #tpu.memory_space<hbm>> -> memref<128xi32, #tpu.memory_space<hbm>>
        %dma_wait3A_118 = arith.constant 0 : i32
        %dma_wait3A_119 = tpu.memref_slice %arg2[%dma_wait3A_118] : memref<327680xi32, #tpu.memory_space<hbm>> -> memref<128xi32, #tpu.memory_space<hbm>>
        tpu.wait_dma2 semaphore(%arg12 : memref<!tpu.dma_semaphore, #tpu.memory_space<semaphore_mem>>) src(%dma_wait3A_119 : memref<128xi32, #tpu.memory_space<hbm>>) dst(%arg6 : memref<128xi32, #tpu.memory_space<vmem>>)
        %dma_wait3A_120 = arith.constant 0 : i32
        %dma_wait3A_121 = tpu.memref_slice %arg3[%dma_wait3A_120] : memref<327680xi32, #tpu.memory_space<hbm>> -> memref<128xi32, #tpu.memory_space<hbm>>
        %dma_wait3A_122 = arith.constant 0 : i32
        %dma_wait3A_123 = tpu.memref_slice %arg3[%dma_wait3A_122] : memref<327680xi32, #tpu.memory_space<hbm>> -> memref<128xi32, #tpu.memory_space<hbm>>
        tpu.wait_dma2 semaphore(%arg12 : memref<!tpu.dma_semaphore, #tpu.memory_space<semaphore_mem>>) src(%dma_wait3A_123 : memref<128xi32, #tpu.memory_space<hbm>>) dst(%arg7 : memref<128xi32, #tpu.memory_space<vmem>>)
        %dma_start3A_124 = arith.constant 0 : i32
        %dma_start3A_125 = arith.constant 0 : i32
        %dma_start3A_126 = tpu.memref_slice %arg4[%dma_start3A_124, %dma_start3A_125] : memref<10000x128xf32, #tpu.memory_space<hbm>> -> memref<10000x128xf32, #tpu.memory_space<hbm>>
        tpu.enqueue_indirect_dma source(%dma_start3A_126 : memref<10000x128xf32, #tpu.memory_space<hbm>>) target(%arg10 : memref<128x128xf32, #tpu.memory_space<vmem>>) offsets(%arg6 : memref<128xi32, #tpu.memory_space<vmem>>) semaphore(%arg14 : memref<!tpu.dma_semaphore, #tpu.memory_space<semaphore_mem>>)
      } else {
      }
      %dma_wait3A_97 = arith.constant 0 : i32
      %dma_wait3A_98 = arith.constant 0 : i32
      %dma_wait3A_99 = tpu.memref_slice %arg4[%dma_wait3A_97, %dma_wait3A_98] : memref<10000x128xf32, #tpu.memory_space<hbm>> -> memref<10000x128xf32, #tpu.memory_space<hbm>>
      tpu.wait_indirect_dma semaphore(%arg15 : memref<!tpu.dma_semaphore, #tpu.memory_space<semaphore_mem>>) src(%dma_wait3A_99 : memref<10000x128xf32, #tpu.memory_space<hbm>>) dst(%arg11 : memref<128x128xf32, #tpu.memory_space<vmem>>)
      "tpu.region"() ({
        %run_scoped3A = tpu.sem_alloc : memref<!tpu.dma_semaphore, #tpu.memory_space<semaphore_mem>>
        %dma_start3A_106 = arith.constant 0 : i32
        %dma_start3A_107 = arith.constant 0 : i32
        %dma_start3A_108 = tpu.memref_slice %arg16[%dma_start3A_106, %dma_start3A_107] : memref<10240x128xf32, #tpu.memory_space<vmem_shared>> -> memref<10240x128xf32, #tpu.memory_space<vmem_shared>>
        tpu.enqueue_indirect_dma source(%arg11 : memref<128x128xf32, #tpu.memory_space<vmem>>) target(%dma_start3A_108 : memref<10240x128xf32, #tpu.memory_space<vmem_shared>>) offsets(%arg9 : memref<128xi32, #tpu.memory_space<vmem>>) semaphore(%run_scoped3A : memref<!tpu.dma_semaphore, #tpu.memory_space<semaphore_mem>>) {add = true}
        %dma_wait3A_109 = arith.constant 0 : i32
        %dma_wait3A_110 = arith.constant 0 : i32
        %dma_wait3A_111 = tpu.memref_slice %arg16[%dma_wait3A_109, %dma_wait3A_110] : memref<10240x128xf32, #tpu.memory_space<vmem_shared>> -> memref<10240x128xf32, #tpu.memory_space<vmem_shared>>
        tpu.wait_indirect_dma semaphore(%run_scoped3A : memref<!tpu.dma_semaphore, #tpu.memory_space<semaphore_mem>>) src(%arg11 : memref<128x128xf32, #tpu.memory_space<vmem>>) dst(%dma_wait3A_111 : memref<10240x128xf32, #tpu.memory_space<vmem_shared>>)
        tpu.yield
      }) : () -> ()
      %add3A_100 = arith.constant 2 : i32
      %add3A_101 = arith.addi %add3A_79, %add3A_100 : i32
      %lt3A_102 = arith.cmpi slt, %add3A_101, %select_n3A : i32
      %convert_element_type3A_103 = arith.extui %lt3A_102 : i1 to i32
      %cond3A_104 = arith.constant 0 : i32
      %cond3A_105 = arith.cmpi ne, %convert_element_type3A_103, %cond3A_104 : i32
      scf.if %cond3A_105 {
        %add3A_106 = arith.constant 2 : i32
        %add3A_107 = arith.addi %add3A_79, %add3A_106 : i32
        %mul3A_108 = arith.constant 128 : i32
        %mul3A_109 = arith.muli %add3A_107, %mul3A_108 : i32
        %add3A_110 = arith.addi %mul3A_10, %mul3A_109 : i32
        %multiple_of3A_111 = tpu.assume_multiple %add3A_110, 128 : i32
        %dma_start3A_112 = tpu.memref_slice %arg2[%multiple_of3A_111] : memref<327680xi32, #tpu.memory_space<hbm>> -> memref<128xi32, #tpu.memory_space<hbm>>
        %dma_start3A_113 = tpu.memref_slice %arg2[%multiple_of3A_111] : memref<327680xi32, #tpu.memory_space<hbm>> -> memref<128xi32, #tpu.memory_space<hbm>>
        tpu.enqueue_dma source(%dma_start3A_113 : memref<128xi32, #tpu.memory_space<hbm>>) target(%arg8 : memref<128xi32, #tpu.memory_space<vmem>>) target_semaphore(%arg13 : memref<!tpu.dma_semaphore, #tpu.memory_space<semaphore_mem>>)
        %dma_start3A_114 = tpu.memref_slice %arg3[%multiple_of3A_111] : memref<327680xi32, #tpu.memory_space<hbm>> -> memref<128xi32, #tpu.memory_space<hbm>>
        %dma_start3A_115 = tpu.memref_slice %arg3[%multiple_of3A_111] : memref<327680xi32, #tpu.memory_space<hbm>> -> memref<128xi32, #tpu.memory_space<hbm>>
        tpu.enqueue_dma source(%dma_start3A_115 : memref<128xi32, #tpu.memory_space<hbm>>) target(%arg9 : memref<128xi32, #tpu.memory_space<vmem>>) target_semaphore(%arg13 : memref<!tpu.dma_semaphore, #tpu.memory_space<semaphore_mem>>)
      } else {
      }
    }
    %while3A_70 = arith.constant 1 : i32
    scf.for %while3A_75 = %while3A_68 to %while3A_64 step %while3A_70  : i32 {
      %mul3A_76 = arith.constant 2 : i32
      %mul3A_77 = arith.muli %mul3A_76, %while3A_75 : i32
      %add3A_78 = arith.constant 1 : i32
      %add3A_79 = arith.addi %mul3A_77, %add3A_78 : i32
      %dma_wait3A_80 = arith.constant 0 : i32
      %dma_wait3A_81 = tpu.memref_slice %arg2[%dma_wait3A_80] : memref<327680xi32, #tpu.memory_space<hbm>> -> memref<128xi32, #tpu.memory_space<hbm>>
      %dma_wait3A_82 = arith.constant 0 : i32
      %dma_wait3A_83 = tpu.memref_slice %arg2[%dma_wait3A_82] : memref<327680xi32, #tpu.memory_space<hbm>> -> memref<128xi32, #tpu.memory_space<hbm>>
      tpu.wait_dma2 semaphore(%arg13 : memref<!tpu.dma_semaphore, #tpu.memory_space<semaphore_mem>>) src(%dma_wait3A_83 : memref<128xi32, #tpu.memory_space<hbm>>) dst(%arg8 : memref<128xi32, #tpu.memory_space<vmem>>)
      %dma_wait3A_84 = arith.constant 0 : i32
      %dma_wait3A_85 = tpu.memref_slice %arg3[%dma_wait3A_84] : memref<327680xi32, #tpu.memory_space<hbm>> -> memref<128xi32, #tpu.memory_space<hbm>>
      %dma_wait3A_86 = arith.constant 0 : i32
      %dma_wait3A_87 = tpu.memref_slice %arg3[%dma_wait3A_86] : memref<327680xi32, #tpu.memory_space<hbm>> -> memref<128xi32, #tpu.memory_space<hbm>>
      tpu.wait_dma2 semaphore(%arg13 : memref<!tpu.dma_semaphore, #tpu.memory_space<semaphore_mem>>) src(%dma_wait3A_87 : memref<128xi32, #tpu.memory_space<hbm>>) dst(%arg9 : memref<128xi32, #tpu.memory_space<vmem>>)
      %dma_start3A_88 = arith.constant 0 : i32
      %dma_start3A_89 = arith.constant 0 : i32
      %dma_start3A_90 = tpu.memref_slice %arg4[%dma_start3A_88, %dma_start3A_89] : memref<10000x128xf32, #tpu.memory_space<hbm>> -> memref<10000x128xf32, #tpu.memory_space<hbm>>
      tpu.enqueue_indirect_dma source(%dma_start3A_90 : memref<10000x128xf32, #tpu.memory_space<hbm>>) target(%arg11 : memref<128x128xf32, #tpu.memory_space<vmem>>) offsets(%arg8 : memref<128xi32, #tpu.memory_space<vmem>>) semaphore(%arg15 : memref<!tpu.dma_semaphore, #tpu.memory_space<semaphore_mem>>)
      %dma_wait3A_91 = arith.constant 0 : i32
      %dma_wait3A_92 = arith.constant 0 : i32
      %dma_wait3A_93 = tpu.memref_slice %arg4[%dma_wait3A_91, %dma_wait3A_92] : memref<10000x128xf32, #tpu.memory_space<hbm>> -> memref<10000x128xf32, #tpu.memory_space<hbm>>
      tpu.wait_indirect_dma semaphore(%arg14 : memref<!tpu.dma_semaphore, #tpu.memory_space<semaphore_mem>>) src(%dma_wait3A_93 : memref<10000x128xf32, #tpu.memory_space<hbm>>) dst(%arg10 : memref<128x128xf32, #tpu.memory_space<vmem>>)
      "tpu.region"() ({
        %run_scoped3A = tpu.sem_alloc : memref<!tpu.dma_semaphore, #tpu.memory_space<semaphore_mem>>
        %dma_start3A_106 = arith.constant 0 : i32
        %dma_start3A_107 = arith.constant 0 : i32
        %dma_start3A_108 = tpu.memref_slice %arg16[%dma_start3A_106, %dma_start3A_107] : memref<10240x128xf32, #tpu.memory_space<vmem_shared>> -> memref<10240x128xf32, #tpu.memory_space<vmem_shared>>
        tpu.enqueue_indirect_dma source(%arg10 : memref<128x128xf32, #tpu.memory_space<vmem>>) target(%dma_start3A_108 : memref<10240x128xf32, #tpu.memory_space<vmem_shared>>) offsets(%arg7 : memref<128xi32, #tpu.memory_space<vmem>>) semaphore(%run_scoped3A : memref<!tpu.dma_semaphore, #tpu.memory_space<semaphore_mem>>) {add = true}
        %dma_wait3A_109 = arith.constant 0 : i32
        %dma_wait3A_110 = arith.constant 0 : i32
        %dma_wait3A_111 = tpu.memref_slice %arg16[%dma_wait3A_109, %dma_wait3A_110] : memref<10240x128xf32, #tpu.memory_space<vmem_shared>> -> memref<10240x128xf32, #tpu.memory_space<vmem_shared>>
        tpu.wait_indirect_dma semaphore(%run_scoped3A : memref<!tpu.dma_semaphore, #tpu.memory_space<semaphore_mem>>) src(%arg10 : memref<128x128xf32, #tpu.memory_space<vmem>>) dst(%dma_wait3A_111 : memref<10240x128xf32, #tpu.memory_space<vmem_shared>>)
        tpu.yield
      }) : () -> ()
      %add3A_94 = arith.constant 2 : i32
      %add3A_95 = arith.addi %mul3A_77, %add3A_94 : i32
      %lt3A = arith.cmpi slt, %add3A_95, %select_n3A : i32
      %convert_element_type3A = arith.extui %lt3A : i1 to i32
      %cond3A = arith.constant 0 : i32
      %cond3A_96 = arith.cmpi ne, %convert_element_type3A, %cond3A : i32
      scf.if %cond3A_96 {
        %add3A_106 = arith.constant 2 : i32
        %add3A_107 = arith.addi %mul3A_77, %add3A_106 : i32
        %mul3A_108 = arith.constant 128 : i32
        %mul3A_109 = arith.muli %add3A_107, %mul3A_108 : i32
        %add3A_110 = arith.addi %mul3A_10, %mul3A_109 : i32
        %multiple_of3A_111 = tpu.assume_multiple %add3A_110, 128 : i32
        %dma_start3A_112 = tpu.memref_slice %arg2[%multiple_of3A_111] : memref<327680xi32, #tpu.memory_space<hbm>> -> memref<128xi32, #tpu.memory_space<hbm>>
        %dma_start3A_113 = tpu.memref_slice %arg2[%multiple_of3A_111] : memref<327680xi32, #tpu.memory_space<hbm>> -> memref<128xi32, #tpu.memory_space<hbm>>
        tpu.enqueue_dma source(%dma_start3A_113 : memref<128xi32, #tpu.memory_space<hbm>>) target(%arg6 : memref<128xi32, #tpu.memory_space<vmem>>) target_semaphore(%arg12 : memref<!tpu.dma_semaphore, #tpu.memory_space<semaphore_mem>>)
        %dma_start3A_114 = tpu.memref_slice %arg3[%multiple_of3A_111] : memref<327680xi32, #tpu.memory_space<hbm>> -> memref<128xi32, #tpu.memory_space<hbm>>
        %dma_start3A_115 = tpu.memref_slice %arg3[%multiple_of3A_111] : memref<327680xi32, #tpu.memory_space<hbm>> -> memref<128xi32, #tpu.memory_space<hbm>>
        tpu.enqueue_dma source(%dma_start3A_115 : memref<128xi32, #tpu.memory_space<hbm>>) target(%arg7 : memref<128xi32, #tpu.memory_space<vmem>>) target_semaphore(%arg12 : memref<!tpu.dma_semaphore, #tpu.memory_space<semaphore_mem>>)
        %dma_wait3A_116 = arith.constant 0 : i32
        %dma_wait3A_117 = tpu.memref_slice %arg2[%dma_wait3A_116] : memref<327680xi32, #tpu.memory_space<hbm>> -> memref<128xi32, #tpu.memory_space<hbm>>
        %dma_wait3A_118 = arith.constant 0 : i32
        %dma_wait3A_119 = tpu.memref_slice %arg2[%dma_wait3A_118] : memref<327680xi32, #tpu.memory_space<hbm>> -> memref<128xi32, #tpu.memory_space<hbm>>
        tpu.wait_dma2 semaphore(%arg12 : memref<!tpu.dma_semaphore, #tpu.memory_space<semaphore_mem>>) src(%dma_wait3A_119 : memref<128xi32, #tpu.memory_space<hbm>>) dst(%arg6 : memref<128xi32, #tpu.memory_space<vmem>>)
        %dma_wait3A_120 = arith.constant 0 : i32
        %dma_wait3A_121 = tpu.memref_slice %arg3[%dma_wait3A_120] : memref<327680xi32, #tpu.memory_space<hbm>> -> memref<128xi32, #tpu.memory_space<hbm>>
        %dma_wait3A_122 = arith.constant 0 : i32
        %dma_wait3A_123 = tpu.memref_slice %arg3[%dma_wait3A_122] : memref<327680xi32, #tpu.memory_space<hbm>> -> memref<128xi32, #tpu.memory_space<hbm>>
        tpu.wait_dma2 semaphore(%arg12 : memref<!tpu.dma_semaphore, #tpu.memory_space<semaphore_mem>>) src(%dma_wait3A_123 : memref<128xi32, #tpu.memory_space<hbm>>) dst(%arg7 : memref<128xi32, #tpu.memory_space<vmem>>)
        %dma_start3A_124 = arith.constant 0 : i32
        %dma_start3A_125 = arith.constant 0 : i32
        %dma_start3A_126 = tpu.memref_slice %arg4[%dma_start3A_124, %dma_start3A_125] : memref<10000x128xf32, #tpu.memory_space<hbm>> -> memref<10000x128xf32, #tpu.memory_space<hbm>>
        tpu.enqueue_indirect_dma source(%dma_start3A_126 : memref<10000x128xf32, #tpu.memory_space<hbm>>) target(%arg10 : memref<128x128xf32, #tpu.memory_space<vmem>>) offsets(%arg6 : memref<128xi32, #tpu.memory_space<vmem>>) semaphore(%arg14 : memref<!tpu.dma_semaphore, #tpu.memory_space<semaphore_mem>>)
      } else {
      }
      %dma_wait3A_97 = arith.constant 0 : i32
      %dma_wait3A_98 = arith.constant 0 : i32
      %dma_wait3A_99 = tpu.memref_slice %arg4[%dma_wait3A_97, %dma_wait3A_98] : memref<10000x128xf32, #tpu.memory_space<hbm>> -> memref<10000x128xf32, #tpu.memory_space<hbm>>
      tpu.wait_indirect_dma semaphore(%arg15 : memref<!tpu.dma_semaphore, #tpu.memory_space<semaphore_mem>>) src(%dma_wait3A_99 : memref<10000x128xf32, #tpu.memory_space<hbm>>) dst(%arg11 : memref<128x128xf32, #tpu.memory_space<vmem>>)
      "tpu.region"() ({
        %run_scoped3A = tpu.sem_alloc : memref<!tpu.dma_semaphore, #tpu.memory_space<semaphore_mem>>
        %dma_start3A_106 = arith.constant 0 : i32
        %dma_start3A_107 = arith.constant 0 : i32
        %dma_start3A_108 = tpu.memref_slice %arg16[%dma_start3A_106, %dma_start3A_107] : memref<10240x128xf32, #tpu.memory_space<vmem_shared>> -> memref<10240x128xf32, #tpu.memory_space<vmem_shared>>
        tpu.enqueue_indirect_dma source(%arg11 : memref<128x128xf32, #tpu.memory_space<vmem>>) target(%dma_start3A_108 : memref<10240x128xf32, #tpu.memory_space<vmem_shared>>) offsets(%arg9 : memref<128xi32, #tpu.memory_space<vmem>>) semaphore(%run_scoped3A : memref<!tpu.dma_semaphore, #tpu.memory_space<semaphore_mem>>) {add = true}
        %dma_wait3A_109 = arith.constant 0 : i32
        %dma_wait3A_110 = arith.constant 0 : i32
        %dma_wait3A_111 = tpu.memref_slice %arg16[%dma_wait3A_109, %dma_wait3A_110] : memref<10240x128xf32, #tpu.memory_space<vmem_shared>> -> memref<10240x128xf32, #tpu.memory_space<vmem_shared>>
        tpu.wait_indirect_dma semaphore(%run_scoped3A : memref<!tpu.dma_semaphore, #tpu.memory_space<semaphore_mem>>) src(%arg11 : memref<128x128xf32, #tpu.memory_space<vmem>>) dst(%dma_wait3A_111 : memref<10240x128xf32, #tpu.memory_space<vmem_shared>>)
        tpu.yield
      }) : () -> ()
      %add3A_100 = arith.constant 2 : i32
      %add3A_101 = arith.addi %add3A_79, %add3A_100 : i32
      %lt3A_102 = arith.cmpi slt, %add3A_101, %select_n3A : i32
      %convert_element_type3A_103 = arith.extui %lt3A_102 : i1 to i32
      %cond3A_104 = arith.constant 0 : i32
      %cond3A_105 = arith.cmpi ne, %convert_element_type3A_103, %cond3A_104 : i32
      scf.if %cond3A_105 {
        %add3A_106 = arith.constant 2 : i32
        %add3A_107 = arith.addi %add3A_79, %add3A_106 : i32
        %mul3A_108 = arith.constant 128 : i32
        %mul3A_109 = arith.muli %add3A_107, %mul3A_108 : i32
        %add3A_110 = arith.addi %mul3A_10, %mul3A_109 : i32
        %multiple_of3A_111 = tpu.assume_multiple %add3A_110, 128 : i32
        %dma_start3A_112 = tpu.memref_slice %arg2[%multiple_of3A_111] : memref<327680xi32, #tpu.memory_space<hbm>> -> memref<128xi32, #tpu.memory_space<hbm>>
        %dma_start3A_113 = tpu.memref_slice %arg2[%multiple_of3A_111] : memref<327680xi32, #tpu.memory_space<hbm>> -> memref<128xi32, #tpu.memory_space<hbm>>
        tpu.enqueue_dma source(%dma_start3A_113 : memref<128xi32, #tpu.memory_space<hbm>>) target(%arg8 : memref<128xi32, #tpu.memory_space<vmem>>) target_semaphore(%arg13 : memref<!tpu.dma_semaphore, #tpu.memory_space<semaphore_mem>>)
        %dma_start3A_114 = tpu.memref_slice %arg3[%multiple_of3A_111] : memref<327680xi32, #tpu.memory_space<hbm>> -> memref<128xi32, #tpu.memory_space<hbm>>
        %dma_start3A_115 = tpu.memref_slice %arg3[%multiple_of3A_111] : memref<327680xi32, #tpu.memory_space<hbm>> -> memref<128xi32, #tpu.memory_space<hbm>>
        tpu.enqueue_dma source(%dma_start3A_115 : memref<128xi32, #tpu.memory_space<hbm>>) target(%arg9 : memref<128xi32, #tpu.memory_space<vmem>>) target_semaphore(%arg13 : memref<!tpu.dma_semaphore, #tpu.memory_space<semaphore_mem>>)
      } else {
      }
    }
    %barrier3A_71 = arith.constant 0 : index
    tpu.barrier barrier_id(%barrier3A_71)
    %mul3A_72 = arith.constant 640 : i32
    %mul3A_73 = arith.muli %arg1, %mul3A_72 : i32
    %multiple_of3A_74 = tpu.assume_multiple %mul3A_73, 128 : i32
    "tpu.region"() ({
      %run_scoped3A = tpu.sem_alloc : memref<!tpu.dma_semaphore, #tpu.memory_space<semaphore_mem>>
      %dma_start3A_75 = arith.constant 0 : i32
      %dma_start3A_76 = tpu.memref_slice %arg5[%arg0, %multiple_of3A_74, %dma_start3A_75] : memref<2x10240x128xf32, #tpu.memory_space<hbm>> -> memref<1x640x128xf32, #tpu.memory_space<hbm>>
      %dma_start3A_77 = tpu.memref_squeeze %dma_start3A_76 : memref<1x640x128xf32, #tpu.memory_space<hbm>> -> memref<640x128xf32, #tpu.memory_space<hbm>>
      %dma_start3A_78 = arith.constant 0 : i32
      %dma_start3A_79 = tpu.memref_slice %arg16[%multiple_of3A_74, %dma_start3A_78] : memref<10240x128xf32, #tpu.memory_space<vmem_shared>> -> memref<640x128xf32, #tpu.memory_space<vmem_shared>>
      tpu.enqueue_dma source(%dma_start3A_79 : memref<640x128xf32, #tpu.memory_space<vmem_shared>>) target(%dma_start3A_77 : memref<640x128xf32, #tpu.memory_space<hbm>>) target_semaphore(%run_scoped3A : memref<!tpu.dma_semaphore, #tpu.memory_space<semaphore_mem>>)
      %dma_wait3A_80 = arith.constant 0 : i32
      %dma_wait3A_81 = tpu.memref_slice %arg5[%arg0, %multiple_of3A_74, %dma_wait3A_80] : memref<2x10240x128xf32, #tpu.memory_space<hbm>> -> memref<1x640x128xf32, #tpu.memory_space<hbm>>
      %dma_wait3A_82 = tpu.memref_squeeze %dma_wait3A_81 : memref<1x640x128xf32, #tpu.memory_space<hbm>> -> memref<640x128xf32, #tpu.memory_space<hbm>>
      %dma_wait3A_83 = arith.constant 0 : i32
      %dma_wait3A_84 = tpu.memref_slice %arg16[%multiple_of3A_74, %dma_wait3A_83] : memref<10240x128xf32, #tpu.memory_space<vmem_shared>> -> memref<640x128xf32, #tpu.memory_space<vmem_shared>>
      tpu.wait_dma2 semaphore(%run_scoped3A : memref<!tpu.dma_semaphore, #tpu.memory_space<semaphore_mem>>) src(%dma_wait3A_84 : memref<640x128xf32, #tpu.memory_space<vmem_shared>>) dst(%dma_wait3A_82 : memref<640x128xf32, #tpu.memory_space<hbm>>)
      tpu.yield
    }) : () -> ()
    return
  }
}

#map = affine_map<(d0, d1) -> (0)>
#map1 = affine_map<(d0, d1) -> (0, 0, 0)>
module attributes {stable_mosaic.version = 14 : i64} {
  func.func @k(%arg0: i32, %arg1: i32, %arg2: memref<327680xi32, #tpu.memory_space<hbm>>, %arg3: memref<2x1x10240xf32, #tpu.memory_space<hbm>>, %arg4: memref<10240xi32, #tpu.memory_space<vmem>>, %arg5: memref<10240xf32, #tpu.memory_space<vmem>>, %arg6: memref<640xf32, #tpu.memory_space<vmem>>, %arg7: memref<640xf32, #tpu.memory_space<vmem>>, %arg8: memref<16x1x10240xf32, #tpu.memory_space<vmem_shared>>) attributes {dimension_semantics = [#tpu.dimension_semantics<core_parallel>, #tpu.dimension_semantics<subcore_parallel>], iteration_bounds = array<i64: 2, 16>, scalar_prefetch = 0 : i64, scratch_operands = 5 : i64, tpu.core_type = #tpu.core_type<sc_vector_subcore>, window_params = [{transform_indices = #map}, {transform_indices = #map1}]} {
    %mul3A = arith.constant 16 : i32
    %mul3A_0 = arith.muli %arg0, %mul3A : i32
    %add3A = arith.addi %mul3A_0, %arg1 : i32
    %mul3A_1 = arith.constant 10240 : i32
    %mul3A_2 = arith.muli %add3A, %mul3A_1 : i32
    %multiple_of3A = tpu.assume_multiple %mul3A_2, 8 : i32
    "tpu.region"() ({
      %run_scoped3A_31 = tpu.sem_alloc : memref<!tpu.dma_semaphore, #tpu.memory_space<semaphore_mem>>
      %dma_start3A = tpu.memref_slice %arg2[%multiple_of3A] : memref<327680xi32, #tpu.memory_space<hbm>> -> memref<10240xi32, #tpu.memory_space<hbm>>
      %dma_start3A_32 = tpu.memref_slice %arg2[%multiple_of3A] : memref<327680xi32, #tpu.memory_space<hbm>> -> memref<10240xi32, #tpu.memory_space<hbm>>
      tpu.enqueue_dma source(%dma_start3A_32 : memref<10240xi32, #tpu.memory_space<hbm>>) target(%arg4 : memref<10240xi32, #tpu.memory_space<vmem>>) target_semaphore(%run_scoped3A_31 : memref<!tpu.dma_semaphore, #tpu.memory_space<semaphore_mem>>)
      %dma_wait3A = tpu.memref_slice %arg2[%multiple_of3A] : memref<327680xi32, #tpu.memory_space<hbm>> -> memref<10240xi32, #tpu.memory_space<hbm>>
      %dma_wait3A_33 = tpu.memref_slice %arg2[%multiple_of3A] : memref<327680xi32, #tpu.memory_space<hbm>> -> memref<10240xi32, #tpu.memory_space<hbm>>
      tpu.wait_dma2 semaphore(%run_scoped3A_31 : memref<!tpu.dma_semaphore, #tpu.memory_space<semaphore_mem>>) src(%dma_wait3A_33 : memref<10240xi32, #tpu.memory_space<hbm>>) dst(%arg4 : memref<10240xi32, #tpu.memory_space<vmem>>)
      tpu.yield
    }) : () -> ()
    %scan3A = arith.constant 0 : i32
    %scan3A_3 = arith.constant 0 : i32
    %scan3A_4 = arith.constant 640 : i32
    %scan3A_5 = arith.addi %scan3A_3, %scan3A_4 : i32
    %scan3A_6 = arith.constant 1 : i32
    scf.for %scan3A_31 = %scan3A_3 to %scan3A_5 step %scan3A_6  : i32 {
      %broadcast_in_dim3A_32 = arith.constant 0.000000e+00 : f32
      %broadcast_in_dim3A_33 = vector.broadcast %broadcast_in_dim3A_32 : f32 to vector<16xf32>
      %mul3A_34 = arith.constant 16 : i32
      %mul3A_35 = arith.muli %scan3A_31, %mul3A_34 : i32
      %multiple_of3A_36 = tpu.assume_multiple %mul3A_35, 16 : i32
      %swap3A = arith.index_cast %multiple_of3A_36 : i32 to index
      %swap3A_37 = tpu.vector_load %arg5[%swap3A] {strides = array<i32>} : memref<10240xf32, #tpu.memory_space<vmem>>, vector<16xf32>,
      tpu.vector_store %arg5[%swap3A], %broadcast_in_dim3A_33 {strides = array<i32>} : memref<10240xf32, #tpu.memory_space<vmem>>, vector<16xf32>,
    }
    %scan3A_7 = arith.constant 640 : i32
    %broadcast_in_dim3A = arith.constant 1.000000e+00 : f32
    %broadcast_in_dim3A_8 = vector.broadcast %broadcast_in_dim3A : f32 to vector<16xf32>
    %scan3A_9 = arith.constant 0 : i32
    %scan3A_10 = arith.constant 0 : i32
    %scan3A_11 = arith.constant 640 : i32
    %scan3A_12 = arith.addi %scan3A_10, %scan3A_11 : i32
    %scan3A_13 = arith.constant 1 : i32
    scf.for %scan3A_31 = %scan3A_10 to %scan3A_12 step %scan3A_13  : i32 {
      %mul3A_32 = arith.constant 16 : i32
      %mul3A_33 = arith.muli %scan3A_31, %mul3A_32 : i32
      %multiple_of3A_34 = tpu.assume_multiple %mul3A_33, 16 : i32
      %get3A = arith.index_cast %multiple_of3A_34 : i32 to index
      %get3A_35 = tpu.vector_load %arg4[%get3A] {strides = array<i32>} : memref<10240xi32, #tpu.memory_space<vmem>>, vector<16xi32>,
      tpu.vector_store_idx %arg5[%get3A_35], %broadcast_in_dim3A_8 {add = true} : memref<10240xf32, #tpu.memory_space<vmem>>[vector<16xi32>], vector<16xf32>,
    }
    %scan3A_14 = arith.constant 640 : i32
    %run_scoped3A = arith.constant 0 : i32
    "tpu.region"() ({
      %run_scoped3A_31 = tpu.sem_alloc : memref<!tpu.dma_semaphore, #tpu.memory_space<semaphore_mem>>
      %dma_start3A = arith.constant 0 : i32
      %dma_start3A_32 = tpu.memref_slice %arg8[%arg1, %run_scoped3A, %dma_start3A] : memref<16x1x10240xf32, #tpu.memory_space<vmem_shared>> -> memref<1x1x10240xf32, #tpu.memory_space<vmem_shared>>
      %dma_start3A_33 = tpu.memref_squeeze %dma_start3A_32 : memref<1x1x10240xf32, #tpu.memory_space<vmem_shared>> -> memref<10240xf32, #tpu.memory_space<vmem_shared>>
      %dma_start3A_34 = arith.constant 0 : i32
      %dma_start3A_35 = tpu.memref_slice %arg8[%arg1, %run_scoped3A, %dma_start3A_34] : memref<16x1x10240xf32, #tpu.memory_space<vmem_shared>> -> memref<1x1x10240xf32, #tpu.memory_space<vmem_shared>>
      %dma_start3A_36 = tpu.memref_squeeze %dma_start3A_35 : memref<1x1x10240xf32, #tpu.memory_space<vmem_shared>> -> memref<10240xf32, #tpu.memory_space<vmem_shared>>
      tpu.enqueue_dma source(%arg5 : memref<10240xf32, #tpu.memory_space<vmem>>) target(%dma_start3A_36 : memref<10240xf32, #tpu.memory_space<vmem_shared>>) target_semaphore(%run_scoped3A_31 : memref<!tpu.dma_semaphore, #tpu.memory_space<semaphore_mem>>)
      %dma_wait3A = arith.constant 0 : i32
      %dma_wait3A_37 = tpu.memref_slice %arg8[%arg1, %run_scoped3A, %dma_wait3A] : memref<16x1x10240xf32, #tpu.memory_space<vmem_shared>> -> memref<1x1x10240xf32, #tpu.memory_space<vmem_shared>>
      %dma_wait3A_38 = tpu.memref_squeeze %dma_wait3A_37 : memref<1x1x10240xf32, #tpu.memory_space<vmem_shared>> -> memref<10240xf32, #tpu.memory_space<vmem_shared>>
      %dma_wait3A_39 = arith.constant 0 : i32
      %dma_wait3A_40 = tpu.memref_slice %arg8[%arg1, %run_scoped3A, %dma_wait3A_39] : memref<16x1x10240xf32, #tpu.memory_space<vmem_shared>> -> memref<1x1x10240xf32, #tpu.memory_space<vmem_shared>>
      %dma_wait3A_41 = tpu.memref_squeeze %dma_wait3A_40 : memref<1x1x10240xf32, #tpu.memory_space<vmem_shared>> -> memref<10240xf32, #tpu.memory_space<vmem_shared>>
      tpu.wait_dma2 semaphore(%run_scoped3A_31 : memref<!tpu.dma_semaphore, #tpu.memory_space<semaphore_mem>>) src(%arg5 : memref<10240xf32, #tpu.memory_space<vmem>>) dst(%dma_wait3A_41 : memref<10240xf32, #tpu.memory_space<vmem_shared>>)
      tpu.yield
    }) : () -> ()
    %barrier3A = arith.constant 0 : index
    tpu.barrier barrier_id(%barrier3A)
    %mul3A_15 = arith.constant 640 : i32
    %mul3A_16 = arith.muli %arg1, %mul3A_15 : i32
    %multiple_of3A_17 = tpu.assume_multiple %mul3A_16, 8 : i32
    %scan3A_18 = arith.constant 0 : i32
    %scan3A_19 = arith.constant 0 : i32
    %scan3A_20 = arith.constant 40 : i32
    %scan3A_21 = arith.addi %scan3A_19, %scan3A_20 : i32
    %scan3A_22 = arith.constant 1 : i32
    scf.for %scan3A_31 = %scan3A_19 to %scan3A_21 step %scan3A_22  : i32 {
      %broadcast_in_dim3A_32 = arith.constant 0.000000e+00 : f32
      %broadcast_in_dim3A_33 = vector.broadcast %broadcast_in_dim3A_32 : f32 to vector<16xf32>
      %mul3A_34 = arith.constant 16 : i32
      %mul3A_35 = arith.muli %scan3A_31, %mul3A_34 : i32
      %multiple_of3A_36 = tpu.assume_multiple %mul3A_35, 16 : i32
      %swap3A = arith.index_cast %multiple_of3A_36 : i32 to index
      %swap3A_37 = tpu.vector_load %arg7[%swap3A] {strides = array<i32>} : memref<640xf32, #tpu.memory_space<vmem>>, vector<16xf32>,
      tpu.vector_store %arg7[%swap3A], %broadcast_in_dim3A_33 {strides = array<i32>} : memref<640xf32, #tpu.memory_space<vmem>>, vector<16xf32>,
    }
    %scan3A_23 = arith.constant 40 : i32
    %scan3A_24 = arith.constant 0 : i32
    %scan3A_25 = arith.constant 0 : i32
    %scan3A_26 = arith.constant 16 : i32
    %scan3A_27 = arith.addi %scan3A_25, %scan3A_26 : i32
    %scan3A_28 = arith.constant 1 : i32
    scf.for %scan3A_31 = %scan3A_25 to %scan3A_27 step %scan3A_28  : i32 {
      %run_scoped3A_32 = arith.constant 0 : i32
      "tpu.region"() ({
        %run_scoped3A_39 = tpu.sem_alloc : memref<!tpu.dma_semaphore, #tpu.memory_space<semaphore_mem>>
        %dma_start3A = tpu.memref_slice %arg8[%scan3A_31, %run_scoped3A_32, %multiple_of3A_17] : memref<16x1x10240xf32, #tpu.memory_space<vmem_shared>> -> memref<1x1x640xf32, #tpu.memory_space<vmem_shared>>
        %dma_start3A_40 = tpu.memref_squeeze %dma_start3A : memref<1x1x640xf32, #tpu.memory_space<vmem_shared>> -> memref<640xf32, #tpu.memory_space<vmem_shared>>
        %dma_start3A_41 = tpu.memref_slice %arg8[%scan3A_31, %run_scoped3A_32, %multiple_of3A_17] : memref<16x1x10240xf32, #tpu.memory_space<vmem_shared>> -> memref<1x1x640xf32, #tpu.memory_space<vmem_shared>>
        %dma_start3A_42 = tpu.memref_squeeze %dma_start3A_41 : memref<1x1x640xf32, #tpu.memory_space<vmem_shared>> -> memref<640xf32, #tpu.memory_space<vmem_shared>>
        tpu.enqueue_dma source(%dma_start3A_42 : memref<640xf32, #tpu.memory_space<vmem_shared>>) target(%arg6 : memref<640xf32, #tpu.memory_space<vmem>>) target_semaphore(%run_scoped3A_39 : memref<!tpu.dma_semaphore, #tpu.memory_space<semaphore_mem>>)
        %dma_wait3A = tpu.memref_slice %arg8[%scan3A_31, %run_scoped3A_32, %multiple_of3A_17] : memref<16x1x10240xf32, #tpu.memory_space<vmem_shared>> -> memref<1x1x640xf32, #tpu.memory_space<vmem_shared>>
        %dma_wait3A_43 = tpu.memref_squeeze %dma_wait3A : memref<1x1x640xf32, #tpu.memory_space<vmem_shared>> -> memref<640xf32, #tpu.memory_space<vmem_shared>>
        %dma_wait3A_44 = tpu.memref_slice %arg8[%scan3A_31, %run_scoped3A_32, %multiple_of3A_17] : memref<16x1x10240xf32, #tpu.memory_space<vmem_shared>> -> memref<1x1x640xf32, #tpu.memory_space<vmem_shared>>
        %dma_wait3A_45 = tpu.memref_squeeze %dma_wait3A_44 : memref<1x1x640xf32, #tpu.memory_space<vmem_shared>> -> memref<640xf32, #tpu.memory_space<vmem_shared>>
        tpu.wait_dma2 semaphore(%run_scoped3A_39 : memref<!tpu.dma_semaphore, #tpu.memory_space<semaphore_mem>>) src(%dma_wait3A_45 : memref<640xf32, #tpu.memory_space<vmem_shared>>) dst(%arg6 : memref<640xf32, #tpu.memory_space<vmem>>)
        tpu.yield
      }) : () -> ()
      %scan3A_33 = arith.constant 0 : i32
      %scan3A_34 = arith.constant 0 : i32
      %scan3A_35 = arith.constant 40 : i32
      %scan3A_36 = arith.addi %scan3A_34, %scan3A_35 : i32
      %scan3A_37 = arith.constant 1 : i32
      scf.for %scan3A_39 = %scan3A_34 to %scan3A_36 step %scan3A_37  : i32 {
        %mul3A_40 = arith.constant 16 : i32
        %mul3A_41 = arith.muli %scan3A_39, %mul3A_40 : i32
        %multiple_of3A_42 = tpu.assume_multiple %mul3A_41, 16 : i32
        %get3A = arith.index_cast %multiple_of3A_42 : i32 to index
        %get3A_43 = tpu.vector_load %arg7[%get3A] {strides = array<i32>} : memref<640xf32, #tpu.memory_space<vmem>>, vector<16xf32>,
        %get3A_44 = arith.index_cast %multiple_of3A_42 : i32 to index
        %get3A_45 = tpu.vector_load %arg6[%get3A_44] {strides = array<i32>} : memref<640xf32, #tpu.memory_space<vmem>>, vector<16xf32>,
        %add3A_46 = arith.addf %get3A_43, %get3A_45 : vector<16xf32>
        %swap3A = arith.index_cast %multiple_of3A_42 : i32 to index
        %swap3A_47 = tpu.vector_load %arg7[%swap3A] {strides = array<i32>} : memref<640xf32, #tpu.memory_space<vmem>>, vector<16xf32>,
        tpu.vector_store %arg7[%swap3A], %add3A_46 {strides = array<i32>} : memref<640xf32, #tpu.memory_space<vmem>>, vector<16xf32>,
      }
      %scan3A_38 = arith.constant 40 : i32
    }
    %scan3A_29 = arith.constant 16 : i32
    %run_scoped3A_30 = arith.constant 0 : i32
    "tpu.region"() ({
      %run_scoped3A_31 = tpu.sem_alloc : memref<!tpu.dma_semaphore, #tpu.memory_space<semaphore_mem>>
      %dma_start3A = tpu.memref_slice %arg3[%arg0, %run_scoped3A_30, %multiple_of3A_17] : memref<2x1x10240xf32, #tpu.memory_space<hbm>> -> memref<1x1x640xf32, #tpu.memory_space<hbm>>
      %dma_start3A_32 = tpu.memref_squeeze %dma_start3A : memref<1x1x640xf32, #tpu.memory_space<hbm>> -> memref<640xf32, #tpu.memory_space<hbm>>
      %dma_start3A_33 = tpu.memref_slice %arg3[%arg0, %run_scoped3A_30, %multiple_of3A_17] : memref<2x1x10240xf32, #tpu.memory_space<hbm>> -> memref<1x1x640xf32, #tpu.memory_space<hbm>>
      %dma_start3A_34 = tpu.memref_squeeze %dma_start3A_33 : memref<1x1x640xf32, #tpu.memory_space<hbm>> -> memref<640xf32, #tpu.memory_space<hbm>>
      tpu.enqueue_dma source(%arg7 : memref<640xf32, #tpu.memory_space<vmem>>) target(%dma_start3A_34 : memref<640xf32, #tpu.memory_space<hbm>>) target_semaphore(%run_scoped3A_31 : memref<!tpu.dma_semaphore, #tpu.memory_space<semaphore_mem>>)
      %dma_wait3A = tpu.memref_slice %arg3[%arg0, %run_scoped3A_30, %multiple_of3A_17] : memref<2x1x10240xf32, #tpu.memory_space<hbm>> -> memref<1x1x640xf32, #tpu.memory_space<hbm>>
      %dma_wait3A_35 = tpu.memref_squeeze %dma_wait3A : memref<1x1x640xf32, #tpu.memory_space<hbm>> -> memref<640xf32, #tpu.memory_space<hbm>>
      %dma_wait3A_36 = tpu.memref_slice %arg3[%arg0, %run_scoped3A_30, %multiple_of3A_17] : memref<2x1x10240xf32, #tpu.memory_space<hbm>> -> memref<1x1x640xf32, #tpu.memory_space<hbm>>
      %dma_wait3A_37 = tpu.memref_squeeze %dma_wait3A_36 : memref<1x1x640xf32, #tpu.memory_space<hbm>> -> memref<640xf32, #tpu.memory_space<hbm>>
      tpu.wait_dma2 semaphore(%run_scoped3A_31 : memref<!tpu.dma_semaphore, #tpu.memory_space<semaphore_mem>>) src(%arg7 : memref<640xf32, #tpu.memory_space<vmem>>) dst(%dma_wait3A_37 : memref<640xf32, #tpu.memory_space<hbm>>)
      tpu.yield
    }) : () -> ()
    return
  }
}

#map = affine_map<(d0, d1) -> (0)>
#map1 = affine_map<(d0, d1) -> (0, 0)>
#map2 = affine_map<(d0, d1) -> (0, 0, 0)>
module attributes {stable_mosaic.version = 14 : i64} {
  func.func @k(%arg0: i32, %arg1: i32, %arg2: memref<327680xi32, #tpu.memory_space<hbm>>, %arg3: memref<327680xi32, #tpu.memory_space<hbm>>, %arg4: memref<10000x128xf32, #tpu.memory_space<hbm>>, %arg5: memref<2x10240x128xf32, #tpu.memory_space<hbm>>, %arg6: memref<128xi32, #tpu.memory_space<vmem>>, %arg7: memref<128xi32, #tpu.memory_space<vmem>>, %arg8: memref<128xi32, #tpu.memory_space<vmem>>, %arg9: memref<128xi32, #tpu.memory_space<vmem>>, %arg10: memref<128x128xf32, #tpu.memory_space<vmem>>, %arg11: memref<128x128xf32, #tpu.memory_space<vmem>>, %arg12: memref<!tpu.dma_semaphore, #tpu.memory_space<semaphore_mem>>, %arg13: memref<!tpu.dma_semaphore, #tpu.memory_space<semaphore_mem>>, %arg14: memref<!tpu.dma_semaphore, #tpu.memory_space<semaphore_mem>>, %arg15: memref<!tpu.dma_semaphore, #tpu.memory_space<semaphore_mem>>, %arg16: memref<10240x128xf32, #tpu.memory_space<vmem_shared>>) attributes {dimension_semantics = [#tpu.dimension_semantics<core_parallel>, #tpu.dimension_semantics<subcore_parallel>], iteration_bounds = array<i64: 2, 16>, scalar_prefetch = 0 : i64, scratch_operands = 11 : i64, tpu.core_type = #tpu.core_type<sc_vector_subcore>, window_params = [{transform_indices = #map}, {transform_indices = #map}, {transform_indices = #map1}, {transform_indices = #map2}]} {
    %eq3A = arith.constant 0 : i32
    %eq3A_0 = arith.cmpi eq, %arg0, %eq3A : i32
    %jit3A = arith.constant 122 : i32
    %jit3A_1 = arith.constant 38 : i32
    %select_n3A = arith.select %eq3A_0, %jit3A, %jit3A_1 : i32
    %eq3A_2 = arith.constant 0 : i32
    %eq3A_3 = arith.cmpi eq, %arg0, %eq3A_2 : i32
    %mul3A = arith.constant 122 : i32
    %mul3A_4 = arith.muli %arg1, %mul3A : i32
    %mul3A_5 = arith.constant 38 : i32
    %mul3A_6 = arith.muli %arg1, %mul3A_5 : i32
    %add3A = arith.constant 1952 : i32
    %add3A_7 = arith.addi %add3A, %mul3A_6 : i32
    %select_n3A_8 = arith.select %eq3A_3, %mul3A_4, %add3A_7 : i32
    %mul3A_9 = arith.constant 128 : i32
    %mul3A_10 = arith.muli %select_n3A_8, %mul3A_9 : i32
    %scan3A = arith.constant 0 : i32
    %scan3A_11 = arith.constant 0 : i32
    %scan3A_12 = arith.constant 1024 : i32
    %scan3A_13 = arith.addi %scan3A_11, %scan3A_12 : i32
    %scan3A_14 = arith.constant 1 : i32
    scf.for %scan3A_75 = %scan3A_11 to %scan3A_13 step %scan3A_14  : i32 {
      %jit3A_76 = arith.constant 8 : i32
      %div3A_77 = arith.divsi %scan3A_75, %jit3A_76 : i32
      %sign3A_78 = arith.constant 0 : i32
      %sign3A_79 = arith.cmpi sgt, %scan3A_75, %sign3A_78 : i32
      %sign3A_80 = arith.extui %sign3A_79 : i1 to i32
      %sign3A_81 = arith.constant 0 : i32
      %sign3A_82 = arith.cmpi slt, %scan3A_75, %sign3A_81 : i32
      %sign3A_83 = arith.extui %sign3A_82 : i1 to i32
      %sign3A_84 = arith.subi %sign3A_80, %sign3A_83 : i32
      %sign3A_85 = arith.constant 0 : i32
      %sign3A_86 = arith.cmpi sgt, %jit3A_76, %sign3A_85 : i32
      %sign3A_87 = arith.extui %sign3A_86 : i1 to i32
      %sign3A_88 = arith.constant 0 : i32
      %sign3A_89 = arith.cmpi slt, %jit3A_76, %sign3A_88 : i32
      %sign3A_90 = arith.extui %sign3A_89 : i1 to i32
      %sign3A_91 = arith.subi %sign3A_87, %sign3A_90 : i32
      %ne3A_92 = arith.cmpi ne, %sign3A_84, %sign3A_91 : i32
      %rem3A_93 = arith.remsi %scan3A_75, %jit3A_76 : i32
      %ne3A_94 = arith.constant 0 : i32
      %ne3A_95 = arith.cmpi ne, %rem3A_93, %ne3A_94 : i32
      %and3A_96 = arith.andi %ne3A_92, %ne3A_95 : i1
      %sub3A_97 = arith.constant 1 : i32
      %sub3A_98 = arith.subi %div3A_77, %sub3A_97 : i32
      %select_n3A_99 = arith.select %and3A_96, %sub3A_98, %div3A_77 : i32
      %jit3A_100 = arith.constant 8 : i32
      %eq3A_101 = arith.constant 0 : i32
      %eq3A_102 = arith.cmpi eq, %jit3A_100, %eq3A_101 : i32
      %jit3A_103 = arith.constant 1 : i32
      %select_n3A_104 = arith.select %eq3A_102, %jit3A_103, %jit3A_100 : i32
      %rem3A_105 = arith.remsi %scan3A_75, %select_n3A_104 : i32
      %ne3A_106 = arith.constant 0 : i32
      %ne3A_107 = arith.cmpi ne, %rem3A_105, %ne3A_106 : i32
      %lt3A = arith.constant 0 : i32
      %lt3A_108 = arith.cmpi slt, %rem3A_105, %lt3A : i32
      %lt3A_109 = arith.constant 0 : i32
      %lt3A_110 = arith.cmpi slt, %select_n3A_104, %lt3A_109 : i32
      %ne3A_111 = arith.xori %lt3A_108, %lt3A_110 : i1
      %and3A_112 = arith.andi %ne3A_111, %ne3A_107 : i1
      %add3A_113 = arith.addi %rem3A_105, %select_n3A_104 : i32
      %select_n3A_114 = arith.select %and3A_112, %add3A_113, %rem3A_105 : i32
      %broadcast_in_dim3A = arith.constant 0.000000e+00 : f32
      %broadcast_in_dim3A_115 = vector.broadcast %broadcast_in_dim3A : f32 to vector<16xf32>
      %mul3A_116 = arith.constant 16 : i32
      %mul3A_117 = arith.muli %select_n3A_114, %mul3A_116 : i32
      %multiple_of3A_118 = tpu.assume_multiple %mul3A_117, 16 : i32
      %swap3A = arith.index_cast %select_n3A_99 : i32 to index
      %swap3A_119 = arith.index_cast %multiple_of3A_118 : i32 to index
      %swap3A_120 = tpu.vector_load %arg10[%swap3A, %swap3A_119] {strides = array<i32>} : memref<128x128xf32, #tpu.memory_space<vmem>>, vector<1x16xf32>,
      %swap3A_121 = vector.shape_cast %swap3A_120 : vector<1x16xf32> to vector<16xf32>
      %swap3A_122 = vector.shape_cast %broadcast_in_dim3A_115 : vector<16xf32> to vector<1x16xf32>
      tpu.vector_store %arg10[%swap3A, %swap3A_119], %swap3A_122 {strides = array<i32>} : memref<128x128xf32, #tpu.memory_space<vmem>>, vector<1x16xf32>,
    }
    %scan3A_15 = arith.constant 1024 : i32
    %scan3A_16 = arith.constant 0 : i32
    %scan3A_17 = arith.constant 0 : i32
    %scan3A_18 = arith.constant 5 : i32
    %scan3A_19 = arith.addi %scan3A_17, %scan3A_18 : i32
    %scan3A_20 = arith.constant 1 : i32
    scf.for %scan3A_75 = %scan3A_17 to %scan3A_19 step %scan3A_20  : i32 {
      %mul3A_76 = arith.constant 640 : i32
      %mul3A_77 = arith.muli %arg1, %mul3A_76 : i32
      %mul3A_78 = arith.constant 128 : i32
      %mul3A_79 = arith.muli %scan3A_75, %mul3A_78 : i32
      %add3A_80 = arith.addi %mul3A_77, %mul3A_79 : i32
      %multiple_of3A_81 = tpu.assume_multiple %add3A_80, 128 : i32
      "tpu.region"() ({
        %run_scoped3A = tpu.sem_alloc : memref<!tpu.dma_semaphore, #tpu.memory_space<semaphore_mem>>
        %dma_start3A_82 = arith.constant 0 : i32
        %dma_start3A_83 = tpu.memref_slice %arg16[%multiple_of3A_81, %dma_start3A_82] : memref<10240x128xf32, #tpu.memory_space<vmem_shared>> -> memref<128x128xf32, #tpu.memory_space<vmem_shared>>
        %dma_start3A_84 = arith.constant 0 : i32
        %dma_start3A_85 = tpu.memref_slice %arg16[%multiple_of3A_81, %dma_start3A_84] : memref<10240x128xf32, #tpu.memory_space<vmem_shared>> -> memref<128x128xf32, #tpu.memory_space<vmem_shared>>
        tpu.enqueue_dma source(%arg10 : memref<128x128xf32, #tpu.memory_space<vmem>>) target(%dma_start3A_85 : memref<128x128xf32, #tpu.memory_space<vmem_shared>>) target_semaphore(%run_scoped3A : memref<!tpu.dma_semaphore, #tpu.memory_space<semaphore_mem>>)
        %dma_wait3A_86 = arith.constant 0 : i32
        %dma_wait3A_87 = tpu.memref_slice %arg16[%multiple_of3A_81, %dma_wait3A_86] : memref<10240x128xf32, #tpu.memory_space<vmem_shared>> -> memref<128x128xf32, #tpu.memory_space<vmem_shared>>
        %dma_wait3A_88 = arith.constant 0 : i32
        %dma_wait3A_89 = tpu.memref_slice %arg16[%multiple_of3A_81, %dma_wait3A_88] : memref<10240x128xf32, #tpu.memory_space<vmem_shared>> -> memref<128x128xf32, #tpu.memory_space<vmem_shared>>
        tpu.wait_dma2 semaphore(%run_scoped3A : memref<!tpu.dma_semaphore, #tpu.memory_space<semaphore_mem>>) src(%arg10 : memref<128x128xf32, #tpu.memory_space<vmem>>) dst(%dma_wait3A_89 : memref<128x128xf32, #tpu.memory_space<vmem_shared>>)
        tpu.yield
      }) : () -> ()
    }
    %scan3A_21 = arith.constant 5 : i32
    %add3A_22 = arith.constant 0 : i32
    %add3A_23 = arith.addi %mul3A_10, %add3A_22 : i32
    %multiple_of3A = tpu.assume_multiple %add3A_23, 128 : i32
    %dma_start3A = tpu.memref_slice %arg2[%multiple_of3A] : memref<327680xi32, #tpu.memory_space<hbm>> -> memref<128xi32, #tpu.memory_space<hbm>>
    %dma_start3A_24 = tpu.memref_slice %arg2[%multiple_of3A] : memref<327680xi32, #tpu.memory_space<hbm>> -> memref<128xi32, #tpu.memory_space<hbm>>
    tpu.enqueue_dma source(%dma_start3A_24 : memref<128xi32, #tpu.memory_space<hbm>>) target(%arg6 : memref<128xi32, #tpu.memory_space<vmem>>) target_semaphore(%arg12 : memref<!tpu.dma_semaphore, #tpu.memory_space<semaphore_mem>>)
    %dma_start3A_25 = tpu.memref_slice %arg3[%multiple_of3A] : memref<327680xi32, #tpu.memory_space<hbm>> -> memref<128xi32, #tpu.memory_space<hbm>>
    %dma_start3A_26 = tpu.memref_slice %arg3[%multiple_of3A] : memref<327680xi32, #tpu.memory_space<hbm>> -> memref<128xi32, #tpu.memory_space<hbm>>
    tpu.enqueue_dma source(%dma_start3A_26 : memref<128xi32, #tpu.memory_space<hbm>>) target(%arg7 : memref<128xi32, #tpu.memory_space<vmem>>) target_semaphore(%arg12 : memref<!tpu.dma_semaphore, #tpu.memory_space<semaphore_mem>>)
    %add3A_27 = arith.constant 128 : i32
    %add3A_28 = arith.addi %mul3A_10, %add3A_27 : i32
    %multiple_of3A_29 = tpu.assume_multiple %add3A_28, 128 : i32
    %dma_start3A_30 = tpu.memref_slice %arg2[%multiple_of3A_29] : memref<327680xi32, #tpu.memory_space<hbm>> -> memref<128xi32, #tpu.memory_space<hbm>>
    %dma_start3A_31 = tpu.memref_slice %arg2[%multiple_of3A_29] : memref<327680xi32, #tpu.memory_space<hbm>> -> memref<128xi32, #tpu.memory_space<hbm>>
    tpu.enqueue_dma source(%dma_start3A_31 : memref<128xi32, #tpu.memory_space<hbm>>) target(%arg8 : memref<128xi32, #tpu.memory_space<vmem>>) target_semaphore(%arg13 : memref<!tpu.dma_semaphore, #tpu.memory_space<semaphore_mem>>)
    %dma_start3A_32 = tpu.memref_slice %arg3[%multiple_of3A_29] : memref<327680xi32, #tpu.memory_space<hbm>> -> memref<128xi32, #tpu.memory_space<hbm>>
    %dma_start3A_33 = tpu.memref_slice %arg3[%multiple_of3A_29] : memref<327680xi32, #tpu.memory_space<hbm>> -> memref<128xi32, #tpu.memory_space<hbm>>
    tpu.enqueue_dma source(%dma_start3A_33 : memref<128xi32, #tpu.memory_space<hbm>>) target(%arg9 : memref<128xi32, #tpu.memory_space<vmem>>) target_semaphore(%arg13 : memref<!tpu.dma_semaphore, #tpu.memory_space<semaphore_mem>>)
    %barrier3A = arith.constant 0 : index
    tpu.barrier barrier_id(%barrier3A)
    %dma_wait3A = arith.constant 0 : i32
    %dma_wait3A_34 = tpu.memref_slice %arg2[%dma_wait3A] : memref<327680xi32, #tpu.memory_space<hbm>> -> memref<128xi32, #tpu.memory_space<hbm>>
    %dma_wait3A_35 = arith.constant 0 : i32
    %dma_wait3A_36 = tpu.memref_slice %arg2[%dma_wait3A_35] : memref<327680xi32, #tpu.memory_space<hbm>> -> memref<128xi32, #tpu.memory_space<hbm>>
    tpu.wait_dma2 semaphore(%arg12 : memref<!tpu.dma_semaphore, #tpu.memory_space<semaphore_mem>>) src(%dma_wait3A_36 : memref<128xi32, #tpu.memory_space<hbm>>) dst(%arg6 : memref<128xi32, #tpu.memory_space<vmem>>)
    %dma_wait3A_37 = arith.constant 0 : i32
    %dma_wait3A_38 = tpu.memref_slice %arg3[%dma_wait3A_37] : memref<327680xi32, #tpu.memory_space<hbm>> -> memref<128xi32, #tpu.memory_space<hbm>>
    %dma_wait3A_39 = arith.constant 0 : i32
    %dma_wait3A_40 = tpu.memref_slice %arg3[%dma_wait3A_39] : memref<327680xi32, #tpu.memory_space<hbm>> -> memref<128xi32, #tpu.memory_space<hbm>>
    tpu.wait_dma2 semaphore(%arg12 : memref<!tpu.dma_semaphore, #tpu.memory_space<semaphore_mem>>) src(%dma_wait3A_40 : memref<128xi32, #tpu.memory_space<hbm>>) dst(%arg7 : memref<128xi32, #tpu.memory_space<vmem>>)
    %dma_start3A_41 = arith.constant 0 : i32
    %dma_start3A_42 = arith.constant 0 : i32
    %dma_start3A_43 = tpu.memref_slice %arg4[%dma_start3A_41, %dma_start3A_42] : memref<10000x128xf32, #tpu.memory_space<hbm>> -> memref<10000x128xf32, #tpu.memory_space<hbm>>
    tpu.enqueue_indirect_dma source(%dma_start3A_43 : memref<10000x128xf32, #tpu.memory_space<hbm>>) target(%arg10 : memref<128x128xf32, #tpu.memory_space<vmem>>) offsets(%arg6 : memref<128xi32, #tpu.memory_space<vmem>>) semaphore(%arg14 : memref<!tpu.dma_semaphore, #tpu.memory_space<semaphore_mem>>)
    %jit3A_44 = arith.constant 2 : i32
    %div3A = arith.divsi %select_n3A, %jit3A_44 : i32
    %sign3A = arith.constant 0 : i32
    %sign3A_45 = arith.cmpi sgt, %select_n3A, %sign3A : i32
    %sign3A_46 = arith.extui %sign3A_45 : i1 to i32
    %sign3A_47 = arith.constant 0 : i32
    %sign3A_48 = arith.cmpi slt, %select_n3A, %sign3A_47 : i32
    %sign3A_49 = arith.extui %sign3A_48 : i1 to i32
    %sign3A_50 = arith.subi %sign3A_46, %sign3A_49 : i32
    %sign3A_51 = arith.constant 0 : i32
    %sign3A_52 = arith.cmpi sgt, %jit3A_44, %sign3A_51 : i32
    %sign3A_53 = arith.extui %sign3A_52 : i1 to i32
    %sign3A_54 = arith.constant 0 : i32
    %sign3A_55 = arith.cmpi slt, %jit3A_44, %sign3A_54 : i32
    %sign3A_56 = arith.extui %sign3A_55 : i1 to i32
    %sign3A_57 = arith.subi %sign3A_53, %sign3A_56 : i32
    %ne3A = arith.cmpi ne, %sign3A_50, %sign3A_57 : i32
    %rem3A = arith.remsi %select_n3A, %jit3A_44 : i32
    %ne3A_58 = arith.constant 0 : i32
    %ne3A_59 = arith.cmpi ne, %rem3A, %ne3A_58 : i32
    %and3A = arith.andi %ne3A, %ne3A_59 : i1
    %sub3A = arith.constant 1 : i32
    %sub3A_60 = arith.subi %div3A, %sub3A : i32
    %select_n3A_61 = arith.select %and3A, %sub3A_60, %div3A : i32
    %while3A = arith.constant 0 : i32
    %while3A_62 = arith.constant 0 : i32
    %while3A_63 = arith.subi %select_n3A_61, %while3A_62 : i32
    %while3A_64 = arith.addi %while3A_62, %while3A_63 : i32
    %while3A_65 = arith.constant 1 : i32
    %while3A_66 = arith.divsi %while3A_63, %while3A_65 : i32
    %while3A_67 = arith.muli %while3A_66, %while3A_65 : i32
    %while3A_68 = arith.addi %while3A_62, %while3A_67 : i32
    %while3A_69 = arith.constant 1 : i32
    scf.for %while3A_75 = %while3A_62 to %while3A_68 step %while3A_69  : i32 {
      %mul3A_76 = arith.constant 2 : i32
      %mul3A_77 = arith.muli %mul3A_76, %while3A_75 : i32
      %add3A_78 = arith.constant 1 : i32
      %add3A_79 = arith.addi %mul3A_77, %add3A_78 : i32
      %dma_wait3A_80 = arith.constant 0 : i32
      %dma_wait3A_81 = tpu.memref_slice %arg2[%dma_wait3A_80] : memref<327680xi32, #tpu.memory_space<hbm>> -> memref<128xi32, #tpu.memory_space<hbm>>
      %dma_wait3A_82 = arith.constant 0 : i32
      %dma_wait3A_83 = tpu.memref_slice %arg2[%dma_wait3A_82] : memref<327680xi32, #tpu.memory_space<hbm>> -> memref<128xi32, #tpu.memory_space<hbm>>
      tpu.wait_dma2 semaphore(%arg13 : memref<!tpu.dma_semaphore, #tpu.memory_space<semaphore_mem>>) src(%dma_wait3A_83 : memref<128xi32, #tpu.memory_space<hbm>>) dst(%arg8 : memref<128xi32, #tpu.memory_space<vmem>>)
      %dma_wait3A_84 = arith.constant 0 : i32
      %dma_wait3A_85 = tpu.memref_slice %arg3[%dma_wait3A_84] : memref<327680xi32, #tpu.memory_space<hbm>> -> memref<128xi32, #tpu.memory_space<hbm>>
      %dma_wait3A_86 = arith.constant 0 : i32
      %dma_wait3A_87 = tpu.memref_slice %arg3[%dma_wait3A_86] : memref<327680xi32, #tpu.memory_space<hbm>> -> memref<128xi32, #tpu.memory_space<hbm>>
      tpu.wait_dma2 semaphore(%arg13 : memref<!tpu.dma_semaphore, #tpu.memory_space<semaphore_mem>>) src(%dma_wait3A_87 : memref<128xi32, #tpu.memory_space<hbm>>) dst(%arg9 : memref<128xi32, #tpu.memory_space<vmem>>)
      %dma_start3A_88 = arith.constant 0 : i32
      %dma_start3A_89 = arith.constant 0 : i32
      %dma_start3A_90 = tpu.memref_slice %arg4[%dma_start3A_88, %dma_start3A_89] : memref<10000x128xf32, #tpu.memory_space<hbm>> -> memref<10000x128xf32, #tpu.memory_space<hbm>>
      tpu.enqueue_indirect_dma source(%dma_start3A_90 : memref<10000x128xf32, #tpu.memory_space<hbm>>) target(%arg11 : memref<128x128xf32, #tpu.memory_space<vmem>>) offsets(%arg8 : memref<128xi32, #tpu.memory_space<vmem>>) semaphore(%arg15 : memref<!tpu.dma_semaphore, #tpu.memory_space<semaphore_mem>>)
      %dma_wait3A_91 = arith.constant 0 : i32
      %dma_wait3A_92 = arith.constant 0 : i32
      %dma_wait3A_93 = tpu.memref_slice %arg4[%dma_wait3A_91, %dma_wait3A_92] : memref<10000x128xf32, #tpu.memory_space<hbm>> -> memref<10000x128xf32, #tpu.memory_space<hbm>>
      tpu.wait_indirect_dma semaphore(%arg14 : memref<!tpu.dma_semaphore, #tpu.memory_space<semaphore_mem>>) src(%dma_wait3A_93 : memref<10000x128xf32, #tpu.memory_space<hbm>>) dst(%arg10 : memref<128x128xf32, #tpu.memory_space<vmem>>)
      "tpu.region"() ({
        %run_scoped3A = tpu.sem_alloc : memref<!tpu.dma_semaphore, #tpu.memory_space<semaphore_mem>>
        %dma_start3A_106 = arith.constant 0 : i32
        %dma_start3A_107 = arith.constant 0 : i32
        %dma_start3A_108 = tpu.memref_slice %arg16[%dma_start3A_106, %dma_start3A_107] : memref<10240x128xf32, #tpu.memory_space<vmem_shared>> -> memref<10240x128xf32, #tpu.memory_space<vmem_shared>>
        tpu.enqueue_indirect_dma source(%arg10 : memref<128x128xf32, #tpu.memory_space<vmem>>) target(%dma_start3A_108 : memref<10240x128xf32, #tpu.memory_space<vmem_shared>>) offsets(%arg7 : memref<128xi32, #tpu.memory_space<vmem>>) semaphore(%run_scoped3A : memref<!tpu.dma_semaphore, #tpu.memory_space<semaphore_mem>>) {add = true}
        %dma_wait3A_109 = arith.constant 0 : i32
        %dma_wait3A_110 = arith.constant 0 : i32
        %dma_wait3A_111 = tpu.memref_slice %arg16[%dma_wait3A_109, %dma_wait3A_110] : memref<10240x128xf32, #tpu.memory_space<vmem_shared>> -> memref<10240x128xf32, #tpu.memory_space<vmem_shared>>
        tpu.wait_indirect_dma semaphore(%run_scoped3A : memref<!tpu.dma_semaphore, #tpu.memory_space<semaphore_mem>>) src(%arg10 : memref<128x128xf32, #tpu.memory_space<vmem>>) dst(%dma_wait3A_111 : memref<10240x128xf32, #tpu.memory_space<vmem_shared>>)
        tpu.yield
      }) : () -> ()
      %add3A_94 = arith.constant 2 : i32
      %add3A_95 = arith.addi %mul3A_77, %add3A_94 : i32
      %lt3A = arith.cmpi slt, %add3A_95, %select_n3A : i32
      %convert_element_type3A = arith.extui %lt3A : i1 to i32
      %cond3A = arith.constant 0 : i32
      %cond3A_96 = arith.cmpi ne, %convert_element_type3A, %cond3A : i32
      scf.if %cond3A_96 {
        %add3A_106 = arith.constant 2 : i32
        %add3A_107 = arith.addi %mul3A_77, %add3A_106 : i32
        %mul3A_108 = arith.constant 128 : i32
        %mul3A_109 = arith.muli %add3A_107, %mul3A_108 : i32
        %add3A_110 = arith.addi %mul3A_10, %mul3A_109 : i32
        %multiple_of3A_111 = tpu.assume_multiple %add3A_110, 128 : i32
        %dma_start3A_112 = tpu.memref_slice %arg2[%multiple_of3A_111] : memref<327680xi32, #tpu.memory_space<hbm>> -> memref<128xi32, #tpu.memory_space<hbm>>
        %dma_start3A_113 = tpu.memref_slice %arg2[%multiple_of3A_111] : memref<327680xi32, #tpu.memory_space<hbm>> -> memref<128xi32, #tpu.memory_space<hbm>>
        tpu.enqueue_dma source(%dma_start3A_113 : memref<128xi32, #tpu.memory_space<hbm>>) target(%arg6 : memref<128xi32, #tpu.memory_space<vmem>>) target_semaphore(%arg12 : memref<!tpu.dma_semaphore, #tpu.memory_space<semaphore_mem>>)
        %dma_start3A_114 = tpu.memref_slice %arg3[%multiple_of3A_111] : memref<327680xi32, #tpu.memory_space<hbm>> -> memref<128xi32, #tpu.memory_space<hbm>>
        %dma_start3A_115 = tpu.memref_slice %arg3[%multiple_of3A_111] : memref<327680xi32, #tpu.memory_space<hbm>> -> memref<128xi32, #tpu.memory_space<hbm>>
        tpu.enqueue_dma source(%dma_start3A_115 : memref<128xi32, #tpu.memory_space<hbm>>) target(%arg7 : memref<128xi32, #tpu.memory_space<vmem>>) target_semaphore(%arg12 : memref<!tpu.dma_semaphore, #tpu.memory_space<semaphore_mem>>)
        %dma_wait3A_116 = arith.constant 0 : i32
        %dma_wait3A_117 = tpu.memref_slice %arg2[%dma_wait3A_116] : memref<327680xi32, #tpu.memory_space<hbm>> -> memref<128xi32, #tpu.memory_space<hbm>>
        %dma_wait3A_118 = arith.constant 0 : i32
        %dma_wait3A_119 = tpu.memref_slice %arg2[%dma_wait3A_118] : memref<327680xi32, #tpu.memory_space<hbm>> -> memref<128xi32, #tpu.memory_space<hbm>>
        tpu.wait_dma2 semaphore(%arg12 : memref<!tpu.dma_semaphore, #tpu.memory_space<semaphore_mem>>) src(%dma_wait3A_119 : memref<128xi32, #tpu.memory_space<hbm>>) dst(%arg6 : memref<128xi32, #tpu.memory_space<vmem>>)
        %dma_wait3A_120 = arith.constant 0 : i32
        %dma_wait3A_121 = tpu.memref_slice %arg3[%dma_wait3A_120] : memref<327680xi32, #tpu.memory_space<hbm>> -> memref<128xi32, #tpu.memory_space<hbm>>
        %dma_wait3A_122 = arith.constant 0 : i32
        %dma_wait3A_123 = tpu.memref_slice %arg3[%dma_wait3A_122] : memref<327680xi32, #tpu.memory_space<hbm>> -> memref<128xi32, #tpu.memory_space<hbm>>
        tpu.wait_dma2 semaphore(%arg12 : memref<!tpu.dma_semaphore, #tpu.memory_space<semaphore_mem>>) src(%dma_wait3A_123 : memref<128xi32, #tpu.memory_space<hbm>>) dst(%arg7 : memref<128xi32, #tpu.memory_space<vmem>>)
        %dma_start3A_124 = arith.constant 0 : i32
        %dma_start3A_125 = arith.constant 0 : i32
        %dma_start3A_126 = tpu.memref_slice %arg4[%dma_start3A_124, %dma_start3A_125] : memref<10000x128xf32, #tpu.memory_space<hbm>> -> memref<10000x128xf32, #tpu.memory_space<hbm>>
        tpu.enqueue_indirect_dma source(%dma_start3A_126 : memref<10000x128xf32, #tpu.memory_space<hbm>>) target(%arg10 : memref<128x128xf32, #tpu.memory_space<vmem>>) offsets(%arg6 : memref<128xi32, #tpu.memory_space<vmem>>) semaphore(%arg14 : memref<!tpu.dma_semaphore, #tpu.memory_space<semaphore_mem>>)
      } else {
      }
      %dma_wait3A_97 = arith.constant 0 : i32
      %dma_wait3A_98 = arith.constant 0 : i32
      %dma_wait3A_99 = tpu.memref_slice %arg4[%dma_wait3A_97, %dma_wait3A_98] : memref<10000x128xf32, #tpu.memory_space<hbm>> -> memref<10000x128xf32, #tpu.memory_space<hbm>>
      tpu.wait_indirect_dma semaphore(%arg15 : memref<!tpu.dma_semaphore, #tpu.memory_space<semaphore_mem>>) src(%dma_wait3A_99 : memref<10000x128xf32, #tpu.memory_space<hbm>>) dst(%arg11 : memref<128x128xf32, #tpu.memory_space<vmem>>)
      "tpu.region"() ({
        %run_scoped3A = tpu.sem_alloc : memref<!tpu.dma_semaphore, #tpu.memory_space<semaphore_mem>>
        %dma_start3A_106 = arith.constant 0 : i32
        %dma_start3A_107 = arith.constant 0 : i32
        %dma_start3A_108 = tpu.memref_slice %arg16[%dma_start3A_106, %dma_start3A_107] : memref<10240x128xf32, #tpu.memory_space<vmem_shared>> -> memref<10240x128xf32, #tpu.memory_space<vmem_shared>>
        tpu.enqueue_indirect_dma source(%arg11 : memref<128x128xf32, #tpu.memory_space<vmem>>) target(%dma_start3A_108 : memref<10240x128xf32, #tpu.memory_space<vmem_shared>>) offsets(%arg9 : memref<128xi32, #tpu.memory_space<vmem>>) semaphore(%run_scoped3A : memref<!tpu.dma_semaphore, #tpu.memory_space<semaphore_mem>>) {add = true}
        %dma_wait3A_109 = arith.constant 0 : i32
        %dma_wait3A_110 = arith.constant 0 : i32
        %dma_wait3A_111 = tpu.memref_slice %arg16[%dma_wait3A_109, %dma_wait3A_110] : memref<10240x128xf32, #tpu.memory_space<vmem_shared>> -> memref<10240x128xf32, #tpu.memory_space<vmem_shared>>
        tpu.wait_indirect_dma semaphore(%run_scoped3A : memref<!tpu.dma_semaphore, #tpu.memory_space<semaphore_mem>>) src(%arg11 : memref<128x128xf32, #tpu.memory_space<vmem>>) dst(%dma_wait3A_111 : memref<10240x128xf32, #tpu.memory_space<vmem_shared>>)
        tpu.yield
      }) : () -> ()
      %add3A_100 = arith.constant 2 : i32
      %add3A_101 = arith.addi %add3A_79, %add3A_100 : i32
      %lt3A_102 = arith.cmpi slt, %add3A_101, %select_n3A : i32
      %convert_element_type3A_103 = arith.extui %lt3A_102 : i1 to i32
      %cond3A_104 = arith.constant 0 : i32
      %cond3A_105 = arith.cmpi ne, %convert_element_type3A_103, %cond3A_104 : i32
      scf.if %cond3A_105 {
        %add3A_106 = arith.constant 2 : i32
        %add3A_107 = arith.addi %add3A_79, %add3A_106 : i32
        %mul3A_108 = arith.constant 128 : i32
        %mul3A_109 = arith.muli %add3A_107, %mul3A_108 : i32
        %add3A_110 = arith.addi %mul3A_10, %mul3A_109 : i32
        %multiple_of3A_111 = tpu.assume_multiple %add3A_110, 128 : i32
        %dma_start3A_112 = tpu.memref_slice %arg2[%multiple_of3A_111] : memref<327680xi32, #tpu.memory_space<hbm>> -> memref<128xi32, #tpu.memory_space<hbm>>
        %dma_start3A_113 = tpu.memref_slice %arg2[%multiple_of3A_111] : memref<327680xi32, #tpu.memory_space<hbm>> -> memref<128xi32, #tpu.memory_space<hbm>>
        tpu.enqueue_dma source(%dma_start3A_113 : memref<128xi32, #tpu.memory_space<hbm>>) target(%arg8 : memref<128xi32, #tpu.memory_space<vmem>>) target_semaphore(%arg13 : memref<!tpu.dma_semaphore, #tpu.memory_space<semaphore_mem>>)
        %dma_start3A_114 = tpu.memref_slice %arg3[%multiple_of3A_111] : memref<327680xi32, #tpu.memory_space<hbm>> -> memref<128xi32, #tpu.memory_space<hbm>>
        %dma_start3A_115 = tpu.memref_slice %arg3[%multiple_of3A_111] : memref<327680xi32, #tpu.memory_space<hbm>> -> memref<128xi32, #tpu.memory_space<hbm>>
        tpu.enqueue_dma source(%dma_start3A_115 : memref<128xi32, #tpu.memory_space<hbm>>) target(%arg9 : memref<128xi32, #tpu.memory_space<vmem>>) target_semaphore(%arg13 : memref<!tpu.dma_semaphore, #tpu.memory_space<semaphore_mem>>)
      } else {
      }
    }
    %while3A_70 = arith.constant 1 : i32
    scf.for %while3A_75 = %while3A_68 to %while3A_64 step %while3A_70  : i32 {
      %mul3A_76 = arith.constant 2 : i32
      %mul3A_77 = arith.muli %mul3A_76, %while3A_75 : i32
      %add3A_78 = arith.constant 1 : i32
      %add3A_79 = arith.addi %mul3A_77, %add3A_78 : i32
      %dma_wait3A_80 = arith.constant 0 : i32
      %dma_wait3A_81 = tpu.memref_slice %arg2[%dma_wait3A_80] : memref<327680xi32, #tpu.memory_space<hbm>> -> memref<128xi32, #tpu.memory_space<hbm>>
      %dma_wait3A_82 = arith.constant 0 : i32
      %dma_wait3A_83 = tpu.memref_slice %arg2[%dma_wait3A_82] : memref<327680xi32, #tpu.memory_space<hbm>> -> memref<128xi32, #tpu.memory_space<hbm>>
      tpu.wait_dma2 semaphore(%arg13 : memref<!tpu.dma_semaphore, #tpu.memory_space<semaphore_mem>>) src(%dma_wait3A_83 : memref<128xi32, #tpu.memory_space<hbm>>) dst(%arg8 : memref<128xi32, #tpu.memory_space<vmem>>)
      %dma_wait3A_84 = arith.constant 0 : i32
      %dma_wait3A_85 = tpu.memref_slice %arg3[%dma_wait3A_84] : memref<327680xi32, #tpu.memory_space<hbm>> -> memref<128xi32, #tpu.memory_space<hbm>>
      %dma_wait3A_86 = arith.constant 0 : i32
      %dma_wait3A_87 = tpu.memref_slice %arg3[%dma_wait3A_86] : memref<327680xi32, #tpu.memory_space<hbm>> -> memref<128xi32, #tpu.memory_space<hbm>>
      tpu.wait_dma2 semaphore(%arg13 : memref<!tpu.dma_semaphore, #tpu.memory_space<semaphore_mem>>) src(%dma_wait3A_87 : memref<128xi32, #tpu.memory_space<hbm>>) dst(%arg9 : memref<128xi32, #tpu.memory_space<vmem>>)
      %dma_start3A_88 = arith.constant 0 : i32
      %dma_start3A_89 = arith.constant 0 : i32
      %dma_start3A_90 = tpu.memref_slice %arg4[%dma_start3A_88, %dma_start3A_89] : memref<10000x128xf32, #tpu.memory_space<hbm>> -> memref<10000x128xf32, #tpu.memory_space<hbm>>
      tpu.enqueue_indirect_dma source(%dma_start3A_90 : memref<10000x128xf32, #tpu.memory_space<hbm>>) target(%arg11 : memref<128x128xf32, #tpu.memory_space<vmem>>) offsets(%arg8 : memref<128xi32, #tpu.memory_space<vmem>>) semaphore(%arg15 : memref<!tpu.dma_semaphore, #tpu.memory_space<semaphore_mem>>)
      %dma_wait3A_91 = arith.constant 0 : i32
      %dma_wait3A_92 = arith.constant 0 : i32
      %dma_wait3A_93 = tpu.memref_slice %arg4[%dma_wait3A_91, %dma_wait3A_92] : memref<10000x128xf32, #tpu.memory_space<hbm>> -> memref<10000x128xf32, #tpu.memory_space<hbm>>
      tpu.wait_indirect_dma semaphore(%arg14 : memref<!tpu.dma_semaphore, #tpu.memory_space<semaphore_mem>>) src(%dma_wait3A_93 : memref<10000x128xf32, #tpu.memory_space<hbm>>) dst(%arg10 : memref<128x128xf32, #tpu.memory_space<vmem>>)
      "tpu.region"() ({
        %run_scoped3A = tpu.sem_alloc : memref<!tpu.dma_semaphore, #tpu.memory_space<semaphore_mem>>
        %dma_start3A_106 = arith.constant 0 : i32
        %dma_start3A_107 = arith.constant 0 : i32
        %dma_start3A_108 = tpu.memref_slice %arg16[%dma_start3A_106, %dma_start3A_107] : memref<10240x128xf32, #tpu.memory_space<vmem_shared>> -> memref<10240x128xf32, #tpu.memory_space<vmem_shared>>
        tpu.enqueue_indirect_dma source(%arg10 : memref<128x128xf32, #tpu.memory_space<vmem>>) target(%dma_start3A_108 : memref<10240x128xf32, #tpu.memory_space<vmem_shared>>) offsets(%arg7 : memref<128xi32, #tpu.memory_space<vmem>>) semaphore(%run_scoped3A : memref<!tpu.dma_semaphore, #tpu.memory_space<semaphore_mem>>) {add = true}
        %dma_wait3A_109 = arith.constant 0 : i32
        %dma_wait3A_110 = arith.constant 0 : i32
        %dma_wait3A_111 = tpu.memref_slice %arg16[%dma_wait3A_109, %dma_wait3A_110] : memref<10240x128xf32, #tpu.memory_space<vmem_shared>> -> memref<10240x128xf32, #tpu.memory_space<vmem_shared>>
        tpu.wait_indirect_dma semaphore(%run_scoped3A : memref<!tpu.dma_semaphore, #tpu.memory_space<semaphore_mem>>) src(%arg10 : memref<128x128xf32, #tpu.memory_space<vmem>>) dst(%dma_wait3A_111 : memref<10240x128xf32, #tpu.memory_space<vmem_shared>>)
        tpu.yield
      }) : () -> ()
      %add3A_94 = arith.constant 2 : i32
      %add3A_95 = arith.addi %mul3A_77, %add3A_94 : i32
      %lt3A = arith.cmpi slt, %add3A_95, %select_n3A : i32
      %convert_element_type3A = arith.extui %lt3A : i1 to i32
      %cond3A = arith.constant 0 : i32
      %cond3A_96 = arith.cmpi ne, %convert_element_type3A, %cond3A : i32
      scf.if %cond3A_96 {
        %add3A_106 = arith.constant 2 : i32
        %add3A_107 = arith.addi %mul3A_77, %add3A_106 : i32
        %mul3A_108 = arith.constant 128 : i32
        %mul3A_109 = arith.muli %add3A_107, %mul3A_108 : i32
        %add3A_110 = arith.addi %mul3A_10, %mul3A_109 : i32
        %multiple_of3A_111 = tpu.assume_multiple %add3A_110, 128 : i32
        %dma_start3A_112 = tpu.memref_slice %arg2[%multiple_of3A_111] : memref<327680xi32, #tpu.memory_space<hbm>> -> memref<128xi32, #tpu.memory_space<hbm>>
        %dma_start3A_113 = tpu.memref_slice %arg2[%multiple_of3A_111] : memref<327680xi32, #tpu.memory_space<hbm>> -> memref<128xi32, #tpu.memory_space<hbm>>
        tpu.enqueue_dma source(%dma_start3A_113 : memref<128xi32, #tpu.memory_space<hbm>>) target(%arg6 : memref<128xi32, #tpu.memory_space<vmem>>) target_semaphore(%arg12 : memref<!tpu.dma_semaphore, #tpu.memory_space<semaphore_mem>>)
        %dma_start3A_114 = tpu.memref_slice %arg3[%multiple_of3A_111] : memref<327680xi32, #tpu.memory_space<hbm>> -> memref<128xi32, #tpu.memory_space<hbm>>
        %dma_start3A_115 = tpu.memref_slice %arg3[%multiple_of3A_111] : memref<327680xi32, #tpu.memory_space<hbm>> -> memref<128xi32, #tpu.memory_space<hbm>>
        tpu.enqueue_dma source(%dma_start3A_115 : memref<128xi32, #tpu.memory_space<hbm>>) target(%arg7 : memref<128xi32, #tpu.memory_space<vmem>>) target_semaphore(%arg12 : memref<!tpu.dma_semaphore, #tpu.memory_space<semaphore_mem>>)
        %dma_wait3A_116 = arith.constant 0 : i32
        %dma_wait3A_117 = tpu.memref_slice %arg2[%dma_wait3A_116] : memref<327680xi32, #tpu.memory_space<hbm>> -> memref<128xi32, #tpu.memory_space<hbm>>
        %dma_wait3A_118 = arith.constant 0 : i32
        %dma_wait3A_119 = tpu.memref_slice %arg2[%dma_wait3A_118] : memref<327680xi32, #tpu.memory_space<hbm>> -> memref<128xi32, #tpu.memory_space<hbm>>
        tpu.wait_dma2 semaphore(%arg12 : memref<!tpu.dma_semaphore, #tpu.memory_space<semaphore_mem>>) src(%dma_wait3A_119 : memref<128xi32, #tpu.memory_space<hbm>>) dst(%arg6 : memref<128xi32, #tpu.memory_space<vmem>>)
        %dma_wait3A_120 = arith.constant 0 : i32
        %dma_wait3A_121 = tpu.memref_slice %arg3[%dma_wait3A_120] : memref<327680xi32, #tpu.memory_space<hbm>> -> memref<128xi32, #tpu.memory_space<hbm>>
        %dma_wait3A_122 = arith.constant 0 : i32
        %dma_wait3A_123 = tpu.memref_slice %arg3[%dma_wait3A_122] : memref<327680xi32, #tpu.memory_space<hbm>> -> memref<128xi32, #tpu.memory_space<hbm>>
        tpu.wait_dma2 semaphore(%arg12 : memref<!tpu.dma_semaphore, #tpu.memory_space<semaphore_mem>>) src(%dma_wait3A_123 : memref<128xi32, #tpu.memory_space<hbm>>) dst(%arg7 : memref<128xi32, #tpu.memory_space<vmem>>)
        %dma_start3A_124 = arith.constant 0 : i32
        %dma_start3A_125 = arith.constant 0 : i32
        %dma_start3A_126 = tpu.memref_slice %arg4[%dma_start3A_124, %dma_start3A_125] : memref<10000x128xf32, #tpu.memory_space<hbm>> -> memref<10000x128xf32, #tpu.memory_space<hbm>>
        tpu.enqueue_indirect_dma source(%dma_start3A_126 : memref<10000x128xf32, #tpu.memory_space<hbm>>) target(%arg10 : memref<128x128xf32, #tpu.memory_space<vmem>>) offsets(%arg6 : memref<128xi32, #tpu.memory_space<vmem>>) semaphore(%arg14 : memref<!tpu.dma_semaphore, #tpu.memory_space<semaphore_mem>>)
      } else {
      }
      %dma_wait3A_97 = arith.constant 0 : i32
      %dma_wait3A_98 = arith.constant 0 : i32
      %dma_wait3A_99 = tpu.memref_slice %arg4[%dma_wait3A_97, %dma_wait3A_98] : memref<10000x128xf32, #tpu.memory_space<hbm>> -> memref<10000x128xf32, #tpu.memory_space<hbm>>
      tpu.wait_indirect_dma semaphore(%arg15 : memref<!tpu.dma_semaphore, #tpu.memory_space<semaphore_mem>>) src(%dma_wait3A_99 : memref<10000x128xf32, #tpu.memory_space<hbm>>) dst(%arg11 : memref<128x128xf32, #tpu.memory_space<vmem>>)
      "tpu.region"() ({
        %run_scoped3A = tpu.sem_alloc : memref<!tpu.dma_semaphore, #tpu.memory_space<semaphore_mem>>
        %dma_start3A_106 = arith.constant 0 : i32
        %dma_start3A_107 = arith.constant 0 : i32
        %dma_start3A_108 = tpu.memref_slice %arg16[%dma_start3A_106, %dma_start3A_107] : memref<10240x128xf32, #tpu.memory_space<vmem_shared>> -> memref<10240x128xf32, #tpu.memory_space<vmem_shared>>
        tpu.enqueue_indirect_dma source(%arg11 : memref<128x128xf32, #tpu.memory_space<vmem>>) target(%dma_start3A_108 : memref<10240x128xf32, #tpu.memory_space<vmem_shared>>) offsets(%arg9 : memref<128xi32, #tpu.memory_space<vmem>>) semaphore(%run_scoped3A : memref<!tpu.dma_semaphore, #tpu.memory_space<semaphore_mem>>) {add = true}
        %dma_wait3A_109 = arith.constant 0 : i32
        %dma_wait3A_110 = arith.constant 0 : i32
        %dma_wait3A_111 = tpu.memref_slice %arg16[%dma_wait3A_109, %dma_wait3A_110] : memref<10240x128xf32, #tpu.memory_space<vmem_shared>> -> memref<10240x128xf32, #tpu.memory_space<vmem_shared>>
        tpu.wait_indirect_dma semaphore(%run_scoped3A : memref<!tpu.dma_semaphore, #tpu.memory_space<semaphore_mem>>) src(%arg11 : memref<128x128xf32, #tpu.memory_space<vmem>>) dst(%dma_wait3A_111 : memref<10240x128xf32, #tpu.memory_space<vmem_shared>>)
        tpu.yield
      }) : () -> ()
      %add3A_100 = arith.constant 2 : i32
      %add3A_101 = arith.addi %add3A_79, %add3A_100 : i32
      %lt3A_102 = arith.cmpi slt, %add3A_101, %select_n3A : i32
      %convert_element_type3A_103 = arith.extui %lt3A_102 : i1 to i32
      %cond3A_104 = arith.constant 0 : i32
      %cond3A_105 = arith.cmpi ne, %convert_element_type3A_103, %cond3A_104 : i32
      scf.if %cond3A_105 {
        %add3A_106 = arith.constant 2 : i32
        %add3A_107 = arith.addi %add3A_79, %add3A_106 : i32
        %mul3A_108 = arith.constant 128 : i32
        %mul3A_109 = arith.muli %add3A_107, %mul3A_108 : i32
        %add3A_110 = arith.addi %mul3A_10, %mul3A_109 : i32
        %multiple_of3A_111 = tpu.assume_multiple %add3A_110, 128 : i32
        %dma_start3A_112 = tpu.memref_slice %arg2[%multiple_of3A_111] : memref<327680xi32, #tpu.memory_space<hbm>> -> memref<128xi32, #tpu.memory_space<hbm>>
        %dma_start3A_113 = tpu.memref_slice %arg2[%multiple_of3A_111] : memref<327680xi32, #tpu.memory_space<hbm>> -> memref<128xi32, #tpu.memory_space<hbm>>
        tpu.enqueue_dma source(%dma_start3A_113 : memref<128xi32, #tpu.memory_space<hbm>>) target(%arg8 : memref<128xi32, #tpu.memory_space<vmem>>) target_semaphore(%arg13 : memref<!tpu.dma_semaphore, #tpu.memory_space<semaphore_mem>>)
        %dma_start3A_114 = tpu.memref_slice %arg3[%multiple_of3A_111] : memref<327680xi32, #tpu.memory_space<hbm>> -> memref<128xi32, #tpu.memory_space<hbm>>
        %dma_start3A_115 = tpu.memref_slice %arg3[%multiple_of3A_111] : memref<327680xi32, #tpu.memory_space<hbm>> -> memref<128xi32, #tpu.memory_space<hbm>>
        tpu.enqueue_dma source(%dma_start3A_115 : memref<128xi32, #tpu.memory_space<hbm>>) target(%arg9 : memref<128xi32, #tpu.memory_space<vmem>>) target_semaphore(%arg13 : memref<!tpu.dma_semaphore, #tpu.memory_space<semaphore_mem>>)
      } else {
      }
    }
    %barrier3A_71 = arith.constant 0 : index
    tpu.barrier barrier_id(%barrier3A_71)
    %mul3A_72 = arith.constant 640 : i32
    %mul3A_73 = arith.muli %arg1, %mul3A_72 : i32
    %multiple_of3A_74 = tpu.assume_multiple %mul3A_73, 128 : i32
    "tpu.region"() ({
      %run_scoped3A = tpu.sem_alloc : memref<!tpu.dma_semaphore, #tpu.memory_space<semaphore_mem>>
      %dma_start3A_75 = arith.constant 0 : i32
      %dma_start3A_76 = tpu.memref_slice %arg5[%arg0, %multiple_of3A_74, %dma_start3A_75] : memref<2x10240x128xf32, #tpu.memory_space<hbm>> -> memref<1x640x128xf32, #tpu.memory_space<hbm>>
      %dma_start3A_77 = tpu.memref_squeeze %dma_start3A_76 : memref<1x640x128xf32, #tpu.memory_space<hbm>> -> memref<640x128xf32, #tpu.memory_space<hbm>>
      %dma_start3A_78 = arith.constant 0 : i32
      %dma_start3A_79 = tpu.memref_slice %arg16[%multiple_of3A_74, %dma_start3A_78] : memref<10240x128xf32, #tpu.memory_space<vmem_shared>> -> memref<640x128xf32, #tpu.memory_space<vmem_shared>>
      tpu.enqueue_dma source(%dma_start3A_79 : memref<640x128xf32, #tpu.memory_space<vmem_shared>>) target(%dma_start3A_77 : memref<640x128xf32, #tpu.memory_space<hbm>>) target_semaphore(%run_scoped3A : memref<!tpu.dma_semaphore, #tpu.memory_space<semaphore_mem>>)
      %dma_wait3A_80 = arith.constant 0 : i32
      %dma_wait3A_81 = tpu.memref_slice %arg5[%arg0, %multiple_of3A_74, %dma_wait3A_80] : memref<2x10240x128xf32, #tpu.memory_space<hbm>> -> memref<1x640x128xf32, #tpu.memory_space<hbm>>
      %dma_wait3A_82 = tpu.memref_squeeze %dma_wait3A_81 : memref<1x640x128xf32, #tpu.memory_space<hbm>> -> memref<640x128xf32, #tpu.memory_space<hbm>>
      %dma_wait3A_83 = arith.constant 0 : i32
      %dma_wait3A_84 = tpu.memref_slice %arg16[%multiple_of3A_74, %dma_wait3A_83] : memref<10240x128xf32, #tpu.memory_space<vmem_shared>> -> memref<640x128xf32, #tpu.memory_space<vmem_shared>>
      tpu.wait_dma2 semaphore(%run_scoped3A : memref<!tpu.dma_semaphore, #tpu.memory_space<semaphore_mem>>) src(%dma_wait3A_84 : memref<640x128xf32, #tpu.memory_space<vmem_shared>>) dst(%dma_wait3A_82 : memref<640x128xf32, #tpu.memory_space<hbm>>)
      tpu.yield
    }) : () -> ()
    return
  }
}

#map = affine_map<(d0, d1) -> (0)>
#map1 = affine_map<(d0, d1) -> (0, 0)>
#map2 = affine_map<(d0, d1) -> (0, 0, 0)>
module attributes {stable_mosaic.version = 14 : i64} {
  func.func @k(%arg0: i32, %arg1: i32, %arg2: memref<327680xi32, #tpu.memory_space<hbm>>, %arg3: memref<327680xi32, #tpu.memory_space<hbm>>, %arg4: memref<2x10000xf32, #tpu.memory_space<hbm>>, %arg5: memref<2x2x10240xf32, #tpu.memory_space<hbm>>, %arg6: memref<10240xi32, #tpu.memory_space<vmem>>, %arg7: memref<10240xi32, #tpu.memory_space<vmem>>, %arg8: memref<10000xf32, #tpu.memory_space<vmem>>, %arg9: memref<10000xf32, #tpu.memory_space<vmem>>, %arg10: memref<10240xf32, #tpu.memory_space<vmem>>, %arg11: memref<10240xf32, #tpu.memory_space<vmem>>, %arg12: memref<640xf32, #tpu.memory_space<vmem>>, %arg13: memref<640xf32, #tpu.memory_space<vmem>>, %arg14: memref<16x2x10240xf32, #tpu.memory_space<vmem_shared>>) attributes {dimension_semantics = [#tpu.dimension_semantics<core_parallel>, #tpu.dimension_semantics<subcore_parallel>], iteration_bounds = array<i64: 2, 16>, scalar_prefetch = 0 : i64, scratch_operands = 9 : i64, tpu.core_type = #tpu.core_type<sc_vector_subcore>, window_params = [{transform_indices = #map}, {transform_indices = #map}, {transform_indices = #map1}, {transform_indices = #map2}]} {
    %mul3A = arith.constant 16 : i32
    %mul3A_0 = arith.muli %arg0, %mul3A : i32
    %add3A = arith.addi %mul3A_0, %arg1 : i32
    %mul3A_1 = arith.constant 10240 : i32
    %mul3A_2 = arith.muli %add3A, %mul3A_1 : i32
    %multiple_of3A = tpu.assume_multiple %mul3A_2, 8 : i32
    "tpu.region"() ({
      %run_scoped3A_55 = tpu.sem_alloc : memref<!tpu.dma_semaphore, #tpu.memory_space<semaphore_mem>>
      %dma_start3A = tpu.memref_slice %arg2[%multiple_of3A] : memref<327680xi32, #tpu.memory_space<hbm>> -> memref<10240xi32, #tpu.memory_space<hbm>>
      %dma_start3A_56 = tpu.memref_slice %arg2[%multiple_of3A] : memref<327680xi32, #tpu.memory_space<hbm>> -> memref<10240xi32, #tpu.memory_space<hbm>>
      tpu.enqueue_dma source(%dma_start3A_56 : memref<10240xi32, #tpu.memory_space<hbm>>) target(%arg6 : memref<10240xi32, #tpu.memory_space<vmem>>) target_semaphore(%run_scoped3A_55 : memref<!tpu.dma_semaphore, #tpu.memory_space<semaphore_mem>>)
      %dma_wait3A = tpu.memref_slice %arg2[%multiple_of3A] : memref<327680xi32, #tpu.memory_space<hbm>> -> memref<10240xi32, #tpu.memory_space<hbm>>
      %dma_wait3A_57 = tpu.memref_slice %arg2[%multiple_of3A] : memref<327680xi32, #tpu.memory_space<hbm>> -> memref<10240xi32, #tpu.memory_space<hbm>>
      tpu.wait_dma2 semaphore(%run_scoped3A_55 : memref<!tpu.dma_semaphore, #tpu.memory_space<semaphore_mem>>) src(%dma_wait3A_57 : memref<10240xi32, #tpu.memory_space<hbm>>) dst(%arg6 : memref<10240xi32, #tpu.memory_space<vmem>>)
      tpu.yield
    }) : () -> ()
    "tpu.region"() ({
      %run_scoped3A_55 = tpu.sem_alloc : memref<!tpu.dma_semaphore, #tpu.memory_space<semaphore_mem>>
      %dma_start3A = tpu.memref_slice %arg3[%multiple_of3A] : memref<327680xi32, #tpu.memory_space<hbm>> -> memref<10240xi32, #tpu.memory_space<hbm>>
      %dma_start3A_56 = tpu.memref_slice %arg3[%multiple_of3A] : memref<327680xi32, #tpu.memory_space<hbm>> -> memref<10240xi32, #tpu.memory_space<hbm>>
      tpu.enqueue_dma source(%dma_start3A_56 : memref<10240xi32, #tpu.memory_space<hbm>>) target(%arg7 : memref<10240xi32, #tpu.memory_space<vmem>>) target_semaphore(%run_scoped3A_55 : memref<!tpu.dma_semaphore, #tpu.memory_space<semaphore_mem>>)
      %dma_wait3A = tpu.memref_slice %arg3[%multiple_of3A] : memref<327680xi32, #tpu.memory_space<hbm>> -> memref<10240xi32, #tpu.memory_space<hbm>>
      %dma_wait3A_57 = tpu.memref_slice %arg3[%multiple_of3A] : memref<327680xi32, #tpu.memory_space<hbm>> -> memref<10240xi32, #tpu.memory_space<hbm>>
      tpu.wait_dma2 semaphore(%run_scoped3A_55 : memref<!tpu.dma_semaphore, #tpu.memory_space<semaphore_mem>>) src(%dma_wait3A_57 : memref<10240xi32, #tpu.memory_space<hbm>>) dst(%arg7 : memref<10240xi32, #tpu.memory_space<vmem>>)
      tpu.yield
    }) : () -> ()
    %run_scoped3A = arith.constant 0 : i32
    "tpu.region"() ({
      %run_scoped3A_55 = tpu.sem_alloc : memref<!tpu.dma_semaphore, #tpu.memory_space<semaphore_mem>>
      %dma_start3A = arith.constant 0 : i32
      %dma_start3A_56 = tpu.memref_slice %arg4[%run_scoped3A, %dma_start3A] : memref<2x10000xf32, #tpu.memory_space<hbm>> -> memref<1x10000xf32, #tpu.memory_space<hbm>>
      %dma_start3A_57 = tpu.memref_squeeze %dma_start3A_56 : memref<1x10000xf32, #tpu.memory_space<hbm>> -> memref<10000xf32, #tpu.memory_space<hbm>>
      %dma_start3A_58 = arith.constant 0 : i32
      %dma_start3A_59 = tpu.memref_slice %arg4[%run_scoped3A, %dma_start3A_58] : memref<2x10000xf32, #tpu.memory_space<hbm>> -> memref<1x10000xf32, #tpu.memory_space<hbm>>
      %dma_start3A_60 = tpu.memref_squeeze %dma_start3A_59 : memref<1x10000xf32, #tpu.memory_space<hbm>> -> memref<10000xf32, #tpu.memory_space<hbm>>
      tpu.enqueue_dma source(%dma_start3A_60 : memref<10000xf32, #tpu.memory_space<hbm>>) target(%arg8 : memref<10000xf32, #tpu.memory_space<vmem>>) target_semaphore(%run_scoped3A_55 : memref<!tpu.dma_semaphore, #tpu.memory_space<semaphore_mem>>)
      %dma_wait3A = arith.constant 0 : i32
      %dma_wait3A_61 = tpu.memref_slice %arg4[%run_scoped3A, %dma_wait3A] : memref<2x10000xf32, #tpu.memory_space<hbm>> -> memref<1x10000xf32, #tpu.memory_space<hbm>>
      %dma_wait3A_62 = tpu.memref_squeeze %dma_wait3A_61 : memref<1x10000xf32, #tpu.memory_space<hbm>> -> memref<10000xf32, #tpu.memory_space<hbm>>
      %dma_wait3A_63 = arith.constant 0 : i32
      %dma_wait3A_64 = tpu.memref_slice %arg4[%run_scoped3A, %dma_wait3A_63] : memref<2x10000xf32, #tpu.memory_space<hbm>> -> memref<1x10000xf32, #tpu.memory_space<hbm>>
      %dma_wait3A_65 = tpu.memref_squeeze %dma_wait3A_64 : memref<1x10000xf32, #tpu.memory_space<hbm>> -> memref<10000xf32, #tpu.memory_space<hbm>>
      tpu.wait_dma2 semaphore(%run_scoped3A_55 : memref<!tpu.dma_semaphore, #tpu.memory_space<semaphore_mem>>) src(%dma_wait3A_65 : memref<10000xf32, #tpu.memory_space<hbm>>) dst(%arg8 : memref<10000xf32, #tpu.memory_space<vmem>>)
      tpu.yield
    }) : () -> ()
    %run_scoped3A_3 = arith.constant 1 : i32
    "tpu.region"() ({
      %run_scoped3A_55 = tpu.sem_alloc : memref<!tpu.dma_semaphore, #tpu.memory_space<semaphore_mem>>
      %dma_start3A = arith.constant 0 : i32
      %dma_start3A_56 = tpu.memref_slice %arg4[%run_scoped3A_3, %dma_start3A] : memref<2x10000xf32, #tpu.memory_space<hbm>> -> memref<1x10000xf32, #tpu.memory_space<hbm>>
      %dma_start3A_57 = tpu.memref_squeeze %dma_start3A_56 : memref<1x10000xf32, #tpu.memory_space<hbm>> -> memref<10000xf32, #tpu.memory_space<hbm>>
      %dma_start3A_58 = arith.constant 0 : i32
      %dma_start3A_59 = tpu.memref_slice %arg4[%run_scoped3A_3, %dma_start3A_58] : memref<2x10000xf32, #tpu.memory_space<hbm>> -> memref<1x10000xf32, #tpu.memory_space<hbm>>
      %dma_start3A_60 = tpu.memref_squeeze %dma_start3A_59 : memref<1x10000xf32, #tpu.memory_space<hbm>> -> memref<10000xf32, #tpu.memory_space<hbm>>
      tpu.enqueue_dma source(%dma_start3A_60 : memref<10000xf32, #tpu.memory_space<hbm>>) target(%arg9 : memref<10000xf32, #tpu.memory_space<vmem>>) target_semaphore(%run_scoped3A_55 : memref<!tpu.dma_semaphore, #tpu.memory_space<semaphore_mem>>)
      %dma_wait3A = arith.constant 0 : i32
      %dma_wait3A_61 = tpu.memref_slice %arg4[%run_scoped3A_3, %dma_wait3A] : memref<2x10000xf32, #tpu.memory_space<hbm>> -> memref<1x10000xf32, #tpu.memory_space<hbm>>
      %dma_wait3A_62 = tpu.memref_squeeze %dma_wait3A_61 : memref<1x10000xf32, #tpu.memory_space<hbm>> -> memref<10000xf32, #tpu.memory_space<hbm>>
      %dma_wait3A_63 = arith.constant 0 : i32
      %dma_wait3A_64 = tpu.memref_slice %arg4[%run_scoped3A_3, %dma_wait3A_63] : memref<2x10000xf32, #tpu.memory_space<hbm>> -> memref<1x10000xf32, #tpu.memory_space<hbm>>
      %dma_wait3A_65 = tpu.memref_squeeze %dma_wait3A_64 : memref<1x10000xf32, #tpu.memory_space<hbm>> -> memref<10000xf32, #tpu.memory_space<hbm>>
      tpu.wait_dma2 semaphore(%run_scoped3A_55 : memref<!tpu.dma_semaphore, #tpu.memory_space<semaphore_mem>>) src(%dma_wait3A_65 : memref<10000xf32, #tpu.memory_space<hbm>>) dst(%arg9 : memref<10000xf32, #tpu.memory_space<vmem>>)
      tpu.yield
    }) : () -> ()
    %scan3A = arith.constant 0 : i32
    %scan3A_4 = arith.constant 0 : i32
    %scan3A_5 = arith.constant 640 : i32
    %scan3A_6 = arith.addi %scan3A_4, %scan3A_5 : i32
    %scan3A_7 = arith.constant 1 : i32
    scf.for %scan3A_55 = %scan3A_4 to %scan3A_6 step %scan3A_7  : i32 {
      %broadcast_in_dim3A = arith.constant 0.000000e+00 : f32
      %broadcast_in_dim3A_56 = vector.broadcast %broadcast_in_dim3A : f32 to vector<16xf32>
      %mul3A_57 = arith.constant 16 : i32
      %mul3A_58 = arith.muli %scan3A_55, %mul3A_57 : i32
      %multiple_of3A_59 = tpu.assume_multiple %mul3A_58, 16 : i32
      %swap3A = arith.index_cast %multiple_of3A_59 : i32 to index
      %swap3A_60 = tpu.vector_load %arg10[%swap3A] {strides = array<i32>} : memref<10240xf32, #tpu.memory_space<vmem>>, vector<16xf32>,
      tpu.vector_store %arg10[%swap3A], %broadcast_in_dim3A_56 {strides = array<i32>} : memref<10240xf32, #tpu.memory_space<vmem>>, vector<16xf32>,
    }
    %scan3A_8 = arith.constant 640 : i32
    %scan3A_9 = arith.constant 0 : i32
    %scan3A_10 = arith.constant 0 : i32
    %scan3A_11 = arith.constant 640 : i32
    %scan3A_12 = arith.addi %scan3A_10, %scan3A_11 : i32
    %scan3A_13 = arith.constant 1 : i32
    scf.for %scan3A_55 = %scan3A_10 to %scan3A_12 step %scan3A_13  : i32 {
      %broadcast_in_dim3A = arith.constant 0.000000e+00 : f32
      %broadcast_in_dim3A_56 = vector.broadcast %broadcast_in_dim3A : f32 to vector<16xf32>
      %mul3A_57 = arith.constant 16 : i32
      %mul3A_58 = arith.muli %scan3A_55, %mul3A_57 : i32
      %multiple_of3A_59 = tpu.assume_multiple %mul3A_58, 16 : i32
      %swap3A = arith.index_cast %multiple_of3A_59 : i32 to index
      %swap3A_60 = tpu.vector_load %arg11[%swap3A] {strides = array<i32>} : memref<10240xf32, #tpu.memory_space<vmem>>, vector<16xf32>,
      tpu.vector_store %arg11[%swap3A], %broadcast_in_dim3A_56 {strides = array<i32>} : memref<10240xf32, #tpu.memory_space<vmem>>, vector<16xf32>,
    }
    %scan3A_14 = arith.constant 640 : i32
    %scan3A_15 = arith.constant 0 : i32
    %scan3A_16 = arith.constant 0 : i32
    %scan3A_17 = arith.constant 640 : i32
    %scan3A_18 = arith.addi %scan3A_16, %scan3A_17 : i32
    %scan3A_19 = arith.constant 1 : i32
    scf.for %scan3A_55 = %scan3A_16 to %scan3A_18 step %scan3A_19  : i32 {
      %mul3A_56 = arith.constant 16 : i32
      %mul3A_57 = arith.muli %scan3A_55, %mul3A_56 : i32
      %multiple_of3A_58 = tpu.assume_multiple %mul3A_57, 16 : i32
      %get3A = arith.index_cast %multiple_of3A_58 : i32 to index
      %get3A_59 = tpu.vector_load %arg6[%get3A] {strides = array<i32>} : memref<10240xi32, #tpu.memory_space<vmem>>, vector<16xi32>,
      %get3A_60 = arith.index_cast %multiple_of3A_58 : i32 to index
      %get3A_61 = tpu.vector_load %arg7[%get3A_60] {strides = array<i32>} : memref<10240xi32, #tpu.memory_space<vmem>>, vector<16xi32>,
      %gather3A = tpu.vector_load_idx %arg8[%get3A_59] : memref<10000xf32, #tpu.memory_space<vmem>>[vector<16xi32>], vector<16xf32>,
      tpu.vector_store_idx %arg10[%get3A_61], %gather3A {add = true} : memref<10240xf32, #tpu.memory_space<vmem>>[vector<16xi32>], vector<16xf32>,
      %gather3A_62 = tpu.vector_load_idx %arg9[%get3A_59] : memref<10000xf32, #tpu.memory_space<vmem>>[vector<16xi32>], vector<16xf32>,
      tpu.vector_store_idx %arg11[%get3A_61], %gather3A_62 {add = true} : memref<10240xf32, #tpu.memory_space<vmem>>[vector<16xi32>], vector<16xf32>,
    }
    %scan3A_20 = arith.constant 640 : i32
    %run_scoped3A_21 = arith.constant 0 : i32
    "tpu.region"() ({
      %run_scoped3A_55 = tpu.sem_alloc : memref<!tpu.dma_semaphore, #tpu.memory_space<semaphore_mem>>
      %dma_start3A = arith.constant 0 : i32
      %dma_start3A_56 = tpu.memref_slice %arg14[%arg1, %run_scoped3A_21, %dma_start3A] : memref<16x2x10240xf32, #tpu.memory_space<vmem_shared>> -> memref<1x1x10240xf32, #tpu.memory_space<vmem_shared>>
      %dma_start3A_57 = tpu.memref_squeeze %dma_start3A_56 : memref<1x1x10240xf32, #tpu.memory_space<vmem_shared>> -> memref<10240xf32, #tpu.memory_space<vmem_shared>>
      %dma_start3A_58 = arith.constant 0 : i32
      %dma_start3A_59 = tpu.memref_slice %arg14[%arg1, %run_scoped3A_21, %dma_start3A_58] : memref<16x2x10240xf32, #tpu.memory_space<vmem_shared>> -> memref<1x1x10240xf32, #tpu.memory_space<vmem_shared>>
      %dma_start3A_60 = tpu.memref_squeeze %dma_start3A_59 : memref<1x1x10240xf32, #tpu.memory_space<vmem_shared>> -> memref<10240xf32, #tpu.memory_space<vmem_shared>>
      tpu.enqueue_dma source(%arg10 : memref<10240xf32, #tpu.memory_space<vmem>>) target(%dma_start3A_60 : memref<10240xf32, #tpu.memory_space<vmem_shared>>) target_semaphore(%run_scoped3A_55 : memref<!tpu.dma_semaphore, #tpu.memory_space<semaphore_mem>>)
      %dma_wait3A = arith.constant 0 : i32
      %dma_wait3A_61 = tpu.memref_slice %arg14[%arg1, %run_scoped3A_21, %dma_wait3A] : memref<16x2x10240xf32, #tpu.memory_space<vmem_shared>> -> memref<1x1x10240xf32, #tpu.memory_space<vmem_shared>>
      %dma_wait3A_62 = tpu.memref_squeeze %dma_wait3A_61 : memref<1x1x10240xf32, #tpu.memory_space<vmem_shared>> -> memref<10240xf32, #tpu.memory_space<vmem_shared>>
      %dma_wait3A_63 = arith.constant 0 : i32
      %dma_wait3A_64 = tpu.memref_slice %arg14[%arg1, %run_scoped3A_21, %dma_wait3A_63] : memref<16x2x10240xf32, #tpu.memory_space<vmem_shared>> -> memref<1x1x10240xf32, #tpu.memory_space<vmem_shared>>
      %dma_wait3A_65 = tpu.memref_squeeze %dma_wait3A_64 : memref<1x1x10240xf32, #tpu.memory_space<vmem_shared>> -> memref<10240xf32, #tpu.memory_space<vmem_shared>>
      tpu.wait_dma2 semaphore(%run_scoped3A_55 : memref<!tpu.dma_semaphore, #tpu.memory_space<semaphore_mem>>) src(%arg10 : memref<10240xf32, #tpu.memory_space<vmem>>) dst(%dma_wait3A_65 : memref<10240xf32, #tpu.memory_space<vmem_shared>>)
      tpu.yield
    }) : () -> ()
    %run_scoped3A_22 = arith.constant 1 : i32
    "tpu.region"() ({
      %run_scoped3A_55 = tpu.sem_alloc : memref<!tpu.dma_semaphore, #tpu.memory_space<semaphore_mem>>
      %dma_start3A = arith.constant 0 : i32
      %dma_start3A_56 = tpu.memref_slice %arg14[%arg1, %run_scoped3A_22, %dma_start3A] : memref<16x2x10240xf32, #tpu.memory_space<vmem_shared>> -> memref<1x1x10240xf32, #tpu.memory_space<vmem_shared>>
      %dma_start3A_57 = tpu.memref_squeeze %dma_start3A_56 : memref<1x1x10240xf32, #tpu.memory_space<vmem_shared>> -> memref<10240xf32, #tpu.memory_space<vmem_shared>>
      %dma_start3A_58 = arith.constant 0 : i32
      %dma_start3A_59 = tpu.memref_slice %arg14[%arg1, %run_scoped3A_22, %dma_start3A_58] : memref<16x2x10240xf32, #tpu.memory_space<vmem_shared>> -> memref<1x1x10240xf32, #tpu.memory_space<vmem_shared>>
      %dma_start3A_60 = tpu.memref_squeeze %dma_start3A_59 : memref<1x1x10240xf32, #tpu.memory_space<vmem_shared>> -> memref<10240xf32, #tpu.memory_space<vmem_shared>>
      tpu.enqueue_dma source(%arg11 : memref<10240xf32, #tpu.memory_space<vmem>>) target(%dma_start3A_60 : memref<10240xf32, #tpu.memory_space<vmem_shared>>) target_semaphore(%run_scoped3A_55 : memref<!tpu.dma_semaphore, #tpu.memory_space<semaphore_mem>>)
      %dma_wait3A = arith.constant 0 : i32
      %dma_wait3A_61 = tpu.memref_slice %arg14[%arg1, %run_scoped3A_22, %dma_wait3A] : memref<16x2x10240xf32, #tpu.memory_space<vmem_shared>> -> memref<1x1x10240xf32, #tpu.memory_space<vmem_shared>>
      %dma_wait3A_62 = tpu.memref_squeeze %dma_wait3A_61 : memref<1x1x10240xf32, #tpu.memory_space<vmem_shared>> -> memref<10240xf32, #tpu.memory_space<vmem_shared>>
      %dma_wait3A_63 = arith.constant 0 : i32
      %dma_wait3A_64 = tpu.memref_slice %arg14[%arg1, %run_scoped3A_22, %dma_wait3A_63] : memref<16x2x10240xf32, #tpu.memory_space<vmem_shared>> -> memref<1x1x10240xf32, #tpu.memory_space<vmem_shared>>
      %dma_wait3A_65 = tpu.memref_squeeze %dma_wait3A_64 : memref<1x1x10240xf32, #tpu.memory_space<vmem_shared>> -> memref<10240xf32, #tpu.memory_space<vmem_shared>>
      tpu.wait_dma2 semaphore(%run_scoped3A_55 : memref<!tpu.dma_semaphore, #tpu.memory_space<semaphore_mem>>) src(%arg11 : memref<10240xf32, #tpu.memory_space<vmem>>) dst(%dma_wait3A_65 : memref<10240xf32, #tpu.memory_space<vmem_shared>>)
      tpu.yield
    }) : () -> ()
    %barrier3A = arith.constant 0 : index
    tpu.barrier barrier_id(%barrier3A)
    %mul3A_23 = arith.constant 640 : i32
    %mul3A_24 = arith.muli %arg1, %mul3A_23 : i32
    %multiple_of3A_25 = tpu.assume_multiple %mul3A_24, 8 : i32
    %scan3A_26 = arith.constant 0 : i32
    %scan3A_27 = arith.constant 0 : i32
    %scan3A_28 = arith.constant 40 : i32
    %scan3A_29 = arith.addi %scan3A_27, %scan3A_28 : i32
    %scan3A_30 = arith.constant 1 : i32
    scf.for %scan3A_55 = %scan3A_27 to %scan3A_29 step %scan3A_30  : i32 {
      %broadcast_in_dim3A = arith.constant 0.000000e+00 : f32
      %broadcast_in_dim3A_56 = vector.broadcast %broadcast_in_dim3A : f32 to vector<16xf32>
      %mul3A_57 = arith.constant 16 : i32
      %mul3A_58 = arith.muli %scan3A_55, %mul3A_57 : i32
      %multiple_of3A_59 = tpu.assume_multiple %mul3A_58, 16 : i32
      %swap3A = arith.index_cast %multiple_of3A_59 : i32 to index
      %swap3A_60 = tpu.vector_load %arg13[%swap3A] {strides = array<i32>} : memref<640xf32, #tpu.memory_space<vmem>>, vector<16xf32>,
      tpu.vector_store %arg13[%swap3A], %broadcast_in_dim3A_56 {strides = array<i32>} : memref<640xf32, #tpu.memory_space<vmem>>, vector<16xf32>,
    }
    %scan3A_31 = arith.constant 40 : i32
    %scan3A_32 = arith.constant 0 : i32
    %scan3A_33 = arith.constant 0 : i32
    %scan3A_34 = arith.constant 16 : i32
    %scan3A_35 = arith.addi %scan3A_33, %scan3A_34 : i32
    %scan3A_36 = arith.constant 1 : i32
    scf.for %scan3A_55 = %scan3A_33 to %scan3A_35 step %scan3A_36  : i32 {
      %run_scoped3A_56 = arith.constant 0 : i32
      "tpu.region"() ({
        %run_scoped3A_63 = tpu.sem_alloc : memref<!tpu.dma_semaphore, #tpu.memory_space<semaphore_mem>>
        %dma_start3A = tpu.memref_slice %arg14[%scan3A_55, %run_scoped3A_56, %multiple_of3A_25] : memref<16x2x10240xf32, #tpu.memory_space<vmem_shared>> -> memref<1x1x640xf32, #tpu.memory_space<vmem_shared>>
        %dma_start3A_64 = tpu.memref_squeeze %dma_start3A : memref<1x1x640xf32, #tpu.memory_space<vmem_shared>> -> memref<640xf32, #tpu.memory_space<vmem_shared>>
        %dma_start3A_65 = tpu.memref_slice %arg14[%scan3A_55, %run_scoped3A_56, %multiple_of3A_25] : memref<16x2x10240xf32, #tpu.memory_space<vmem_shared>> -> memref<1x1x640xf32, #tpu.memory_space<vmem_shared>>
        %dma_start3A_66 = tpu.memref_squeeze %dma_start3A_65 : memref<1x1x640xf32, #tpu.memory_space<vmem_shared>> -> memref<640xf32, #tpu.memory_space<vmem_shared>>
        tpu.enqueue_dma source(%dma_start3A_66 : memref<640xf32, #tpu.memory_space<vmem_shared>>) target(%arg12 : memref<640xf32, #tpu.memory_space<vmem>>) target_semaphore(%run_scoped3A_63 : memref<!tpu.dma_semaphore, #tpu.memory_space<semaphore_mem>>)
        %dma_wait3A = tpu.memref_slice %arg14[%scan3A_55, %run_scoped3A_56, %multiple_of3A_25] : memref<16x2x10240xf32, #tpu.memory_space<vmem_shared>> -> memref<1x1x640xf32, #tpu.memory_space<vmem_shared>>
        %dma_wait3A_67 = tpu.memref_squeeze %dma_wait3A : memref<1x1x640xf32, #tpu.memory_space<vmem_shared>> -> memref<640xf32, #tpu.memory_space<vmem_shared>>
        %dma_wait3A_68 = tpu.memref_slice %arg14[%scan3A_55, %run_scoped3A_56, %multiple_of3A_25] : memref<16x2x10240xf32, #tpu.memory_space<vmem_shared>> -> memref<1x1x640xf32, #tpu.memory_space<vmem_shared>>
        %dma_wait3A_69 = tpu.memref_squeeze %dma_wait3A_68 : memref<1x1x640xf32, #tpu.memory_space<vmem_shared>> -> memref<640xf32, #tpu.memory_space<vmem_shared>>
        tpu.wait_dma2 semaphore(%run_scoped3A_63 : memref<!tpu.dma_semaphore, #tpu.memory_space<semaphore_mem>>) src(%dma_wait3A_69 : memref<640xf32, #tpu.memory_space<vmem_shared>>) dst(%arg12 : memref<640xf32, #tpu.memory_space<vmem>>)
        tpu.yield
      }) : () -> ()
      %scan3A_57 = arith.constant 0 : i32
      %scan3A_58 = arith.constant 0 : i32
      %scan3A_59 = arith.constant 40 : i32
      %scan3A_60 = arith.addi %scan3A_58, %scan3A_59 : i32
      %scan3A_61 = arith.constant 1 : i32
      scf.for %scan3A_63 = %scan3A_58 to %scan3A_60 step %scan3A_61  : i32 {
        %mul3A_64 = arith.constant 16 : i32
        %mul3A_65 = arith.muli %scan3A_63, %mul3A_64 : i32
        %multiple_of3A_66 = tpu.assume_multiple %mul3A_65, 16 : i32
        %get3A = arith.index_cast %multiple_of3A_66 : i32 to index
        %get3A_67 = tpu.vector_load %arg13[%get3A] {strides = array<i32>} : memref<640xf32, #tpu.memory_space<vmem>>, vector<16xf32>,
        %get3A_68 = arith.index_cast %multiple_of3A_66 : i32 to index
        %get3A_69 = tpu.vector_load %arg12[%get3A_68] {strides = array<i32>} : memref<640xf32, #tpu.memory_space<vmem>>, vector<16xf32>,
        %add3A_70 = arith.addf %get3A_67, %get3A_69 : vector<16xf32>
        %swap3A = arith.index_cast %multiple_of3A_66 : i32 to index
        %swap3A_71 = tpu.vector_load %arg13[%swap3A] {strides = array<i32>} : memref<640xf32, #tpu.memory_space<vmem>>, vector<16xf32>,
        tpu.vector_store %arg13[%swap3A], %add3A_70 {strides = array<i32>} : memref<640xf32, #tpu.memory_space<vmem>>, vector<16xf32>,
      }
      %scan3A_62 = arith.constant 40 : i32
    }
    %scan3A_37 = arith.constant 16 : i32
    %run_scoped3A_38 = arith.constant 0 : i32
    "tpu.region"() ({
      %run_scoped3A_55 = tpu.sem_alloc : memref<!tpu.dma_semaphore, #tpu.memory_space<semaphore_mem>>
      %dma_start3A = tpu.memref_slice %arg5[%arg0, %run_scoped3A_38, %multiple_of3A_25] : memref<2x2x10240xf32, #tpu.memory_space<hbm>> -> memref<1x1x640xf32, #tpu.memory_space<hbm>>
      %dma_start3A_56 = tpu.memref_squeeze %dma_start3A : memref<1x1x640xf32, #tpu.memory_space<hbm>> -> memref<640xf32, #tpu.memory_space<hbm>>
      %dma_start3A_57 = tpu.memref_slice %arg5[%arg0, %run_scoped3A_38, %multiple_of3A_25] : memref<2x2x10240xf32, #tpu.memory_space<hbm>> -> memref<1x1x640xf32, #tpu.memory_space<hbm>>
      %dma_start3A_58 = tpu.memref_squeeze %dma_start3A_57 : memref<1x1x640xf32, #tpu.memory_space<hbm>> -> memref<640xf32, #tpu.memory_space<hbm>>
      tpu.enqueue_dma source(%arg13 : memref<640xf32, #tpu.memory_space<vmem>>) target(%dma_start3A_58 : memref<640xf32, #tpu.memory_space<hbm>>) target_semaphore(%run_scoped3A_55 : memref<!tpu.dma_semaphore, #tpu.memory_space<semaphore_mem>>)
      %dma_wait3A = tpu.memref_slice %arg5[%arg0, %run_scoped3A_38, %multiple_of3A_25] : memref<2x2x10240xf32, #tpu.memory_space<hbm>> -> memref<1x1x640xf32, #tpu.memory_space<hbm>>
      %dma_wait3A_59 = tpu.memref_squeeze %dma_wait3A : memref<1x1x640xf32, #tpu.memory_space<hbm>> -> memref<640xf32, #tpu.memory_space<hbm>>
      %dma_wait3A_60 = tpu.memref_slice %arg5[%arg0, %run_scoped3A_38, %multiple_of3A_25] : memref<2x2x10240xf32, #tpu.memory_space<hbm>> -> memref<1x1x640xf32, #tpu.memory_space<hbm>>
      %dma_wait3A_61 = tpu.memref_squeeze %dma_wait3A_60 : memref<1x1x640xf32, #tpu.memory_space<hbm>> -> memref<640xf32, #tpu.memory_space<hbm>>
      tpu.wait_dma2 semaphore(%run_scoped3A_55 : memref<!tpu.dma_semaphore, #tpu.memory_space<semaphore_mem>>) src(%arg13 : memref<640xf32, #tpu.memory_space<vmem>>) dst(%dma_wait3A_61 : memref<640xf32, #tpu.memory_space<hbm>>)
      tpu.yield
    }) : () -> ()
    %mul3A_39 = arith.constant 640 : i32
    %mul3A_40 = arith.muli %arg1, %mul3A_39 : i32
    %multiple_of3A_41 = tpu.assume_multiple %mul3A_40, 8 : i32
    %scan3A_42 = arith.constant 0 : i32
    %scan3A_43 = arith.constant 0 : i32
    %scan3A_44 = arith.constant 40 : i32
    %scan3A_45 = arith.addi %scan3A_43, %scan3A_44 : i32
    %scan3A_46 = arith.constant 1 : i32
    scf.for %scan3A_55 = %scan3A_43 to %scan3A_45 step %scan3A_46  : i32 {
      %broadcast_in_dim3A = arith.constant 0.000000e+00 : f32
      %broadcast_in_dim3A_56 = vector.broadcast %broadcast_in_dim3A : f32 to vector<16xf32>
      %mul3A_57 = arith.constant 16 : i32
      %mul3A_58 = arith.muli %scan3A_55, %mul3A_57 : i32
      %multiple_of3A_59 = tpu.assume_multiple %mul3A_58, 16 : i32
      %swap3A = arith.index_cast %multiple_of3A_59 : i32 to index
      %swap3A_60 = tpu.vector_load %arg13[%swap3A] {strides = array<i32>} : memref<640xf32, #tpu.memory_space<vmem>>, vector<16xf32>,
      tpu.vector_store %arg13[%swap3A], %broadcast_in_dim3A_56 {strides = array<i32>} : memref<640xf32, #tpu.memory_space<vmem>>, vector<16xf32>,
    }
    %scan3A_47 = arith.constant 40 : i32
    %scan3A_48 = arith.constant 0 : i32
    %scan3A_49 = arith.constant 0 : i32
    %scan3A_50 = arith.constant 16 : i32
    %scan3A_51 = arith.addi %scan3A_49, %scan3A_50 : i32
    %scan3A_52 = arith.constant 1 : i32
    scf.for %scan3A_55 = %scan3A_49 to %scan3A_51 step %scan3A_52  : i32 {
      %run_scoped3A_56 = arith.constant 1 : i32
      "tpu.region"() ({
        %run_scoped3A_63 = tpu.sem_alloc : memref<!tpu.dma_semaphore, #tpu.memory_space<semaphore_mem>>
        %dma_start3A = tpu.memref_slice %arg14[%scan3A_55, %run_scoped3A_56, %multiple_of3A_41] : memref<16x2x10240xf32, #tpu.memory_space<vmem_shared>> -> memref<1x1x640xf32, #tpu.memory_space<vmem_shared>>
        %dma_start3A_64 = tpu.memref_squeeze %dma_start3A : memref<1x1x640xf32, #tpu.memory_space<vmem_shared>> -> memref<640xf32, #tpu.memory_space<vmem_shared>>
        %dma_start3A_65 = tpu.memref_slice %arg14[%scan3A_55, %run_scoped3A_56, %multiple_of3A_41] : memref<16x2x10240xf32, #tpu.memory_space<vmem_shared>> -> memref<1x1x640xf32, #tpu.memory_space<vmem_shared>>
        %dma_start3A_66 = tpu.memref_squeeze %dma_start3A_65 : memref<1x1x640xf32, #tpu.memory_space<vmem_shared>> -> memref<640xf32, #tpu.memory_space<vmem_shared>>
        tpu.enqueue_dma source(%dma_start3A_66 : memref<640xf32, #tpu.memory_space<vmem_shared>>) target(%arg12 : memref<640xf32, #tpu.memory_space<vmem>>) target_semaphore(%run_scoped3A_63 : memref<!tpu.dma_semaphore, #tpu.memory_space<semaphore_mem>>)
        %dma_wait3A = tpu.memref_slice %arg14[%scan3A_55, %run_scoped3A_56, %multiple_of3A_41] : memref<16x2x10240xf32, #tpu.memory_space<vmem_shared>> -> memref<1x1x640xf32, #tpu.memory_space<vmem_shared>>
        %dma_wait3A_67 = tpu.memref_squeeze %dma_wait3A : memref<1x1x640xf32, #tpu.memory_space<vmem_shared>> -> memref<640xf32, #tpu.memory_space<vmem_shared>>
        %dma_wait3A_68 = tpu.memref_slice %arg14[%scan3A_55, %run_scoped3A_56, %multiple_of3A_41] : memref<16x2x10240xf32, #tpu.memory_space<vmem_shared>> -> memref<1x1x640xf32, #tpu.memory_space<vmem_shared>>
        %dma_wait3A_69 = tpu.memref_squeeze %dma_wait3A_68 : memref<1x1x640xf32, #tpu.memory_space<vmem_shared>> -> memref<640xf32, #tpu.memory_space<vmem_shared>>
        tpu.wait_dma2 semaphore(%run_scoped3A_63 : memref<!tpu.dma_semaphore, #tpu.memory_space<semaphore_mem>>) src(%dma_wait3A_69 : memref<640xf32, #tpu.memory_space<vmem_shared>>) dst(%arg12 : memref<640xf32, #tpu.memory_space<vmem>>)
        tpu.yield
      }) : () -> ()
      %scan3A_57 = arith.constant 0 : i32
      %scan3A_58 = arith.constant 0 : i32
      %scan3A_59 = arith.constant 40 : i32
      %scan3A_60 = arith.addi %scan3A_58, %scan3A_59 : i32
      %scan3A_61 = arith.constant 1 : i32
      scf.for %scan3A_63 = %scan3A_58 to %scan3A_60 step %scan3A_61  : i32 {
        %mul3A_64 = arith.constant 16 : i32
        %mul3A_65 = arith.muli %scan3A_63, %mul3A_64 : i32
        %multiple_of3A_66 = tpu.assume_multiple %mul3A_65, 16 : i32
        %get3A = arith.index_cast %multiple_of3A_66 : i32 to index
        %get3A_67 = tpu.vector_load %arg13[%get3A] {strides = array<i32>} : memref<640xf32, #tpu.memory_space<vmem>>, vector<16xf32>,
        %get3A_68 = arith.index_cast %multiple_of3A_66 : i32 to index
        %get3A_69 = tpu.vector_load %arg12[%get3A_68] {strides = array<i32>} : memref<640xf32, #tpu.memory_space<vmem>>, vector<16xf32>,
        %add3A_70 = arith.addf %get3A_67, %get3A_69 : vector<16xf32>
        %swap3A = arith.index_cast %multiple_of3A_66 : i32 to index
        %swap3A_71 = tpu.vector_load %arg13[%swap3A] {strides = array<i32>} : memref<640xf32, #tpu.memory_space<vmem>>, vector<16xf32>,
        tpu.vector_store %arg13[%swap3A], %add3A_70 {strides = array<i32>} : memref<640xf32, #tpu.memory_space<vmem>>, vector<16xf32>,
      }
      %scan3A_62 = arith.constant 40 : i32
    }
    %scan3A_53 = arith.constant 16 : i32
    %run_scoped3A_54 = arith.constant 1 : i32
    "tpu.region"() ({
      %run_scoped3A_55 = tpu.sem_alloc : memref<!tpu.dma_semaphore, #tpu.memory_space<semaphore_mem>>
      %dma_start3A = tpu.memref_slice %arg5[%arg0, %run_scoped3A_54, %multiple_of3A_41] : memref<2x2x10240xf32, #tpu.memory_space<hbm>> -> memref<1x1x640xf32, #tpu.memory_space<hbm>>
      %dma_start3A_56 = tpu.memref_squeeze %dma_start3A : memref<1x1x640xf32, #tpu.memory_space<hbm>> -> memref<640xf32, #tpu.memory_space<hbm>>
      %dma_start3A_57 = tpu.memref_slice %arg5[%arg0, %run_scoped3A_54, %multiple_of3A_41] : memref<2x2x10240xf32, #tpu.memory_space<hbm>> -> memref<1x1x640xf32, #tpu.memory_space<hbm>>
      %dma_start3A_58 = tpu.memref_squeeze %dma_start3A_57 : memref<1x1x640xf32, #tpu.memory_space<hbm>> -> memref<640xf32, #tpu.memory_space<hbm>>
      tpu.enqueue_dma source(%arg13 : memref<640xf32, #tpu.memory_space<vmem>>) target(%dma_start3A_58 : memref<640xf32, #tpu.memory_space<hbm>>) target_semaphore(%run_scoped3A_55 : memref<!tpu.dma_semaphore, #tpu.memory_space<semaphore_mem>>)
      %dma_wait3A = tpu.memref_slice %arg5[%arg0, %run_scoped3A_54, %multiple_of3A_41] : memref<2x2x10240xf32, #tpu.memory_space<hbm>> -> memref<1x1x640xf32, #tpu.memory_space<hbm>>
      %dma_wait3A_59 = tpu.memref_squeeze %dma_wait3A : memref<1x1x640xf32, #tpu.memory_space<hbm>> -> memref<640xf32, #tpu.memory_space<hbm>>
      %dma_wait3A_60 = tpu.memref_slice %arg5[%arg0, %run_scoped3A_54, %multiple_of3A_41] : memref<2x2x10240xf32, #tpu.memory_space<hbm>> -> memref<1x1x640xf32, #tpu.memory_space<hbm>>
      %dma_wait3A_61 = tpu.memref_squeeze %dma_wait3A_60 : memref<1x1x640xf32, #tpu.memory_space<hbm>> -> memref<640xf32, #tpu.memory_space<hbm>>
      tpu.wait_dma2 semaphore(%run_scoped3A_55 : memref<!tpu.dma_semaphore, #tpu.memory_space<semaphore_mem>>) src(%arg13 : memref<640xf32, #tpu.memory_space<vmem>>) dst(%dma_wait3A_61 : memref<640xf32, #tpu.memory_space<hbm>>)
      tpu.yield
    }) : () -> ()
    return
  }
}

module attributes {stable_mosaic.version = 14 : i64} {
  func.func @_k1_body(%arg0: i32, %arg1: memref<2000x128xf32, #tpu.memory_space<vmem>>, %arg2: memref<128x128xf32, #tpu.memory_space<vmem>>, %arg3: memref<2000x1xf32, #tpu.memory_space<vmem>>, %arg4: memref<2000x1xf32, #tpu.memory_space<vmem>>, %arg5: memref<2000x128xf32, #tpu.memory_space<vmem>>, %arg6: memref<2000x128xf32, #tpu.memory_space<vmem>>, %arg7: memref<2000x1xf32, #tpu.memory_space<vmem>>, %arg8: memref<2000x1xf32, #tpu.memory_space<vmem>>) attributes {dimension_semantics = [#tpu.dimension_semantics<arbitrary>], iteration_bounds = array<i64: 5>, scalar_prefetch = 0 : i64, scratch_operands = 0 : i64, tpu.core_type = #tpu.core_type<tc>, window_params = [{transform_indices = @transform_0, window_bounds = array<i64: 2000, 128>}, {pipeline_mode = #tpu.pipeline_mode<synchronous>, transform_indices = @transform_1, window_bounds = array<i64: 128, 128>}, {transform_indices = @transform_2, window_bounds = array<i64: 2000, 1>}, {transform_indices = @transform_3, window_bounds = array<i64: 2000, 1>}, {transform_indices = @transform_4, window_bounds = array<i64: 2000, 128>}, {transform_indices = @transform_5, window_bounds = array<i64: 2000, 128>}, {transform_indices = @transform_6, window_bounds = array<i64: 2000, 1>}, {transform_indices = @transform_7, window_bounds = array<i64: 2000, 1>}]} {
    %get3A = arith.constant 0 : index
    %get3A_0 = arith.constant 0 : index
    %get3A_1 = vector.load %arg3[%get3A, %get3A_0] : memref<2000x1xf32, #tpu.memory_space<vmem>>, vector<2000x1xf32>
    %get3A_2 = arith.constant 0 : index
    %get3A_3 = arith.constant 0 : index
    %get3A_4 = vector.load %arg4[%get3A_2, %get3A_3] : memref<2000x1xf32, #tpu.memory_space<vmem>>, vector<2000x1xf32>
    %add3A = arith.addf %get3A_1, %get3A_4 : vector<2000x1xf32>
    %add3A_5 = arith.constant 1.000000e+00 : f32
    %add3A_6 = vector.broadcast %add3A_5 : f32 to vector<2000x1xf32>
    %add3A_7 = arith.addf %add3A, %add3A_6 : vector<2000x1xf32>
    %rsqrt3A = math.rsqrt %add3A_7 : vector<2000x1xf32>
    %div3A = arith.constant 1.000000e+00 : f32
    %div3A_8 = vector.broadcast %div3A : f32 to vector<2000x1xf32>
    %div3A_9 = arith.divf %div3A_8, %add3A_7 : vector<2000x1xf32>
    %get3A_10 = arith.constant 0 : index
    %get3A_11 = arith.constant 0 : index
    %get3A_12 = vector.load %arg1[%get3A_10, %get3A_11] : memref<2000x128xf32, #tpu.memory_space<vmem>>, vector<2000x128xf32>
    %get3A_13 = arith.constant 0 : index
    %get3A_14 = arith.constant 0 : index
    %get3A_15 = vector.load %arg2[%get3A_13, %get3A_14] : memref<128x128xf32, #tpu.memory_space<vmem>>, vector<128x128xf32>
    %dot_general3A = arith.constant dense<0.000000e+00> : vector<2000x128xf32>
    %dot_general3A_16 = tpu.matmul %get3A_12, %get3A_15, %dot_general3A {dimension_numbers = #tpu.dot_dimension_numbers<[1], [0], [0], [1], [0, 0, 1, 1], [], []>, transpose_lhs_hint = false} : vector<2000x128xf32>, vector<128x128xf32>, vector<2000x128xf32> -> vector<2000x128xf32>
    %swap3A = arith.constant 0 : index
    %swap3A_17 = arith.constant 0 : index
    %swap3A_18 = vector.load %arg5[%swap3A, %swap3A_17] : memref<2000x128xf32, #tpu.memory_space<vmem>>, vector<2000x128xf32>
    tpu.vector_store %arg5[%swap3A, %swap3A_17], %dot_general3A_16 {strides = array<i32>} : memref<2000x128xf32, #tpu.memory_space<vmem>>, vector<2000x128xf32>,
    %mul3A = vector.broadcast %rsqrt3A : vector<2000x1xf32> to vector<2000x128xf32>
    %mul3A_19 = arith.mulf %dot_general3A_16, %mul3A : vector<2000x128xf32>
    %swap3A_20 = arith.constant 0 : index
    %swap3A_21 = arith.constant 0 : index
    %swap3A_22 = vector.load %arg6[%swap3A_20, %swap3A_21] : memref<2000x128xf32, #tpu.memory_space<vmem>>, vector<2000x128xf32>
    tpu.vector_store %arg6[%swap3A_20, %swap3A_21], %mul3A_19 {strides = array<i32>} : memref<2000x128xf32, #tpu.memory_space<vmem>>, vector<2000x128xf32>,
    %swap3A_23 = arith.constant 0 : index
    %swap3A_24 = arith.constant 0 : index
    %swap3A_25 = vector.load %arg7[%swap3A_23, %swap3A_24] : memref<2000x1xf32, #tpu.memory_space<vmem>>, vector<2000x1xf32>
    tpu.vector_store %arg7[%swap3A_23, %swap3A_24], %rsqrt3A {strides = array<i32>} : memref<2000x1xf32, #tpu.memory_space<vmem>>, vector<2000x1xf32>,
    %swap3A_26 = arith.constant 0 : index
    %swap3A_27 = arith.constant 0 : index
    %swap3A_28 = vector.load %arg8[%swap3A_26, %swap3A_27] : memref<2000x1xf32, #tpu.memory_space<vmem>>, vector<2000x1xf32>
    tpu.vector_store %arg8[%swap3A_26, %swap3A_27], %div3A_9 {strides = array<i32>} : memref<2000x1xf32, #tpu.memory_space<vmem>>, vector<2000x1xf32>,
    return
  }
  func.func @transform_0(%arg0: i32) -> (i32, i32) {
    %c0_i32 = arith.constant 0 : i32
    %c0_i32_0 = arith.constant 0 : i32
    return %arg0, %c0_i32 : i32, i32
  }
  func.func @transform_1(%arg0: i32) -> (i32, i32) {
    %c0_i32 = arith.constant 0 : i32
    %c0_i32_0 = arith.constant 0 : i32
    %c0_i32_1 = arith.constant 0 : i32
    return %c0_i32, %c0_i32_0 : i32, i32
  }
  func.func @transform_2(%arg0: i32) -> (i32, i32) {
    %c0_i32 = arith.constant 0 : i32
    %c0_i32_0 = arith.constant 0 : i32
    return %arg0, %c0_i32 : i32, i32
  }
  func.func @transform_3(%arg0: i32) -> (i32, i32) {
    %c0_i32 = arith.constant 0 : i32
    %c0_i32_0 = arith.constant 0 : i32
    return %arg0, %c0_i32 : i32, i32
  }
  func.func @transform_4(%arg0: i32) -> (i32, i32) {
    %c0_i32 = arith.constant 0 : i32
    %c0_i32_0 = arith.constant 0 : i32
    return %arg0, %c0_i32 : i32, i32
  }
  func.func @transform_5(%arg0: i32) -> (i32, i32) {
    %c0_i32 = arith.constant 0 : i32
    %c0_i32_0 = arith.constant 0 : i32
    return %arg0, %c0_i32 : i32, i32
  }
  func.func @transform_6(%arg0: i32) -> (i32, i32) {
    %c0_i32 = arith.constant 0 : i32
    %c0_i32_0 = arith.constant 0 : i32
    return %arg0, %c0_i32 : i32, i32
  }
  func.func @transform_7(%arg0: i32) -> (i32, i32) {
    %c0_i32 = arith.constant 0 : i32
    %c0_i32_0 = arith.constant 0 : i32
    return %arg0, %c0_i32 : i32, i32
  }
}

module attributes {stable_mosaic.version = 14 : i64} {
  func.func @_k2_body(%arg0: i32, %arg1: memref<2x2000x128xf32, #tpu.memory_space<vmem>>, %arg2: memref<2000x128xf32, #tpu.memory_space<vmem>>, %arg3: memref<2000x1xf32, #tpu.memory_space<vmem>>, %arg4: memref<2000x1xf32, #tpu.memory_space<vmem>>, %arg5: memref<1x128xf32, #tpu.memory_space<vmem>>, %arg6: memref<128x128xf32, #tpu.memory_space<vmem>>, %arg7: memref<2000x128xf32, #tpu.memory_space<vmem>>, %arg8: memref<2000x128xf32, #tpu.memory_space<vmem>>, %arg9: memref<2000x128xf32, #tpu.memory_space<vmem>>) attributes {dimension_semantics = [#tpu.dimension_semantics<arbitrary>], iteration_bounds = array<i64: 5>, scalar_prefetch = 0 : i64, scratch_operands = 0 : i64, tpu.core_type = #tpu.core_type<tc>, window_params = [{transform_indices = @transform_0, window_bounds = array<i64: 2, 2000, 128>}, {transform_indices = @transform_1, window_bounds = array<i64: 2000, 128>}, {transform_indices = @transform_2, window_bounds = array<i64: 2000, 1>}, {transform_indices = @transform_3, window_bounds = array<i64: 2000, 1>}, {pipeline_mode = #tpu.pipeline_mode<synchronous>, transform_indices = @transform_4, window_bounds = array<i64: 1, 128>}, {pipeline_mode = #tpu.pipeline_mode<synchronous>, transform_indices = @transform_5, window_bounds = array<i64: 128, 128>}, {transform_indices = @transform_6, window_bounds = array<i64: 2000, 128>}, {transform_indices = @transform_7, window_bounds = array<i64: 2000, 128>}, {transform_indices = @transform_8, window_bounds = array<i64: 2000, 128>}]} {
    %get3A = arith.constant 0 : index
    %get3A_0 = arith.constant 0 : index
    %get3A_1 = arith.constant 0 : index
    %get3A_2 = vector.load %arg1[%get3A, %get3A_0, %get3A_1] : memref<2x2000x128xf32, #tpu.memory_space<vmem>>, vector<1x2000x128xf32>
    %get3A_3 = vector.shape_cast %get3A_2 : vector<1x2000x128xf32> to vector<2000x128xf32>
    %get3A_4 = arith.constant 1 : index
    %get3A_5 = arith.constant 0 : index
    %get3A_6 = arith.constant 0 : index
    %get3A_7 = vector.load %arg1[%get3A_4, %get3A_5, %get3A_6] : memref<2x2000x128xf32, #tpu.memory_space<vmem>>, vector<1x2000x128xf32>
    %get3A_8 = vector.shape_cast %get3A_7 : vector<1x2000x128xf32> to vector<2000x128xf32>
    %add3A = arith.addf %get3A_3, %get3A_8 : vector<2000x128xf32>
    %get3A_9 = arith.constant 0 : index
    %get3A_10 = arith.constant 0 : index
    %get3A_11 = vector.load %arg3[%get3A_9, %get3A_10] : memref<2000x1xf32, #tpu.memory_space<vmem>>, vector<2000x1xf32>
    %mul3A = vector.broadcast %get3A_11 : vector<2000x1xf32> to vector<2000x128xf32>
    %mul3A_12 = arith.mulf %mul3A, %add3A : vector<2000x128xf32>
    %get3A_13 = arith.constant 0 : index
    %get3A_14 = arith.constant 0 : index
    %get3A_15 = vector.load %arg2[%get3A_13, %get3A_14] : memref<2000x128xf32, #tpu.memory_space<vmem>>, vector<2000x128xf32>
    %get3A_16 = arith.constant 0 : index
    %get3A_17 = arith.constant 0 : index
    %get3A_18 = vector.load %arg4[%get3A_16, %get3A_17] : memref<2000x1xf32, #tpu.memory_space<vmem>>, vector<2000x1xf32>
    %mul3A_19 = vector.broadcast %get3A_18 : vector<2000x1xf32> to vector<2000x128xf32>
    %mul3A_20 = arith.mulf %get3A_15, %mul3A_19 : vector<2000x128xf32>
    %add3A_21 = arith.addf %mul3A_12, %mul3A_20 : vector<2000x128xf32>
    %get3A_22 = arith.constant 0 : index
    %get3A_23 = arith.constant 0 : index
    %get3A_24 = vector.load %arg5[%get3A_22, %get3A_23] : memref<1x128xf32, #tpu.memory_space<vmem>>, vector<1x128xf32>
    %add3A_25 = vector.broadcast %get3A_24 : vector<1x128xf32> to vector<2000x128xf32>
    %add3A_26 = arith.addf %add3A_21, %add3A_25 : vector<2000x128xf32>
    %max3A = arith.constant 0.000000e+00 : f32
    %max3A_27 = vector.broadcast %max3A : f32 to vector<2000x128xf32>
    %max3A_28 = arith.maximumf %add3A_26, %max3A_27 : vector<2000x128xf32>
    %get3A_29 = arith.constant 0 : index
    %get3A_30 = arith.constant 0 : index
    %get3A_31 = vector.load %arg6[%get3A_29, %get3A_30] : memref<128x128xf32, #tpu.memory_space<vmem>>, vector<128x128xf32>
    %dot_general3A = arith.constant dense<0.000000e+00> : vector<2000x128xf32>
    %dot_general3A_32 = tpu.matmul %max3A_28, %get3A_31, %dot_general3A {dimension_numbers = #tpu.dot_dimension_numbers<[1], [0], [0], [1], [0, 0, 1, 1], [], []>, transpose_lhs_hint = false} : vector<2000x128xf32>, vector<128x128xf32>, vector<2000x128xf32> -> vector<2000x128xf32>
    %swap3A = arith.constant 0 : index
    %swap3A_33 = arith.constant 0 : index
    %swap3A_34 = vector.load %arg7[%swap3A, %swap3A_33] : memref<2000x128xf32, #tpu.memory_space<vmem>>, vector<2000x128xf32>
    tpu.vector_store %arg7[%swap3A, %swap3A_33], %max3A_28 {strides = array<i32>} : memref<2000x128xf32, #tpu.memory_space<vmem>>, vector<2000x128xf32>,
    %swap3A_35 = arith.constant 0 : index
    %swap3A_36 = arith.constant 0 : index
    %swap3A_37 = vector.load %arg8[%swap3A_35, %swap3A_36] : memref<2000x128xf32, #tpu.memory_space<vmem>>, vector<2000x128xf32>
    tpu.vector_store %arg8[%swap3A_35, %swap3A_36], %dot_general3A_32 {strides = array<i32>} : memref<2000x128xf32, #tpu.memory_space<vmem>>, vector<2000x128xf32>,
    %get3A_38 = arith.constant 0 : index
    %get3A_39 = arith.constant 0 : index
    %get3A_40 = vector.load %arg3[%get3A_38, %get3A_39] : memref<2000x1xf32, #tpu.memory_space<vmem>>, vector<2000x1xf32>
    %mul3A_41 = vector.broadcast %get3A_40 : vector<2000x1xf32> to vector<2000x128xf32>
    %mul3A_42 = arith.mulf %dot_general3A_32, %mul3A_41 : vector<2000x128xf32>
    %swap3A_43 = arith.constant 0 : index
    %swap3A_44 = arith.constant 0 : index
    %swap3A_45 = vector.load %arg9[%swap3A_43, %swap3A_44] : memref<2000x128xf32, #tpu.memory_space<vmem>>, vector<2000x128xf32>
    tpu.vector_store %arg9[%swap3A_43, %swap3A_44], %mul3A_42 {strides = array<i32>} : memref<2000x128xf32, #tpu.memory_space<vmem>>, vector<2000x128xf32>,
    return
  }
  func.func @transform_0(%arg0: i32) -> (i32, i32, i32) {
    %c0_i32 = arith.constant 0 : i32
    %c0_i32_0 = arith.constant 0 : i32
    %c0_i32_1 = arith.constant 0 : i32
    return %c0_i32, %arg0, %c0_i32_0 : i32, i32, i32
  }
  func.func @transform_1(%arg0: i32) -> (i32, i32) {
    %c0_i32 = arith.constant 0 : i32
    %c0_i32_0 = arith.constant 0 : i32
    return %arg0, %c0_i32 : i32, i32
  }
  func.func @transform_2(%arg0: i32) -> (i32, i32) {
    %c0_i32 = arith.constant 0 : i32
    %c0_i32_0 = arith.constant 0 : i32
    return %arg0, %c0_i32 : i32, i32
  }
  func.func @transform_3(%arg0: i32) -> (i32, i32) {
    %c0_i32 = arith.constant 0 : i32
    %c0_i32_0 = arith.constant 0 : i32
    return %arg0, %c0_i32 : i32, i32
  }
  func.func @transform_4(%arg0: i32) -> (i32, i32) {
    %c0_i32 = arith.constant 0 : i32
    %c0_i32_0 = arith.constant 0 : i32
    %c0_i32_1 = arith.constant 0 : i32
    return %c0_i32, %c0_i32_0 : i32, i32
  }
  func.func @transform_5(%arg0: i32) -> (i32, i32) {
    %c0_i32 = arith.constant 0 : i32
    %c0_i32_0 = arith.constant 0 : i32
    %c0_i32_1 = arith.constant 0 : i32
    return %c0_i32, %c0_i32_0 : i32, i32
  }
  func.func @transform_6(%arg0: i32) -> (i32, i32) {
    %c0_i32 = arith.constant 0 : i32
    %c0_i32_0 = arith.constant 0 : i32
    return %arg0, %c0_i32 : i32, i32
  }
  func.func @transform_7(%arg0: i32) -> (i32, i32) {
    %c0_i32 = arith.constant 0 : i32
    %c0_i32_0 = arith.constant 0 : i32
    return %arg0, %c0_i32 : i32, i32
  }
  func.func @transform_8(%arg0: i32) -> (i32, i32) {
    %c0_i32 = arith.constant 0 : i32
    %c0_i32_0 = arith.constant 0 : i32
    return %arg0, %c0_i32 : i32, i32
  }
}

module attributes {stable_mosaic.version = 14 : i64} {
  func.func @_k3_body(%arg0: i32, %arg1: memref<2x2000x128xf32, #tpu.memory_space<vmem>>, %arg2: memref<2000x128xf32, #tpu.memory_space<vmem>>, %arg3: memref<2000x1xf32, #tpu.memory_space<vmem>>, %arg4: memref<2000x1xf32, #tpu.memory_space<vmem>>, %arg5: memref<1x128xf32, #tpu.memory_space<vmem>>, %arg6: memref<2000x128xf32, #tpu.memory_space<vmem>>, %arg7: memref<128x16xf32, #tpu.memory_space<vmem>>, %arg8: memref<128x16xf32, #tpu.memory_space<vmem>>, %arg9: memref<2000x16xf32, #tpu.memory_space<vmem>>, %arg10: memref<2000x16xf32, #tpu.memory_space<vmem>>) attributes {dimension_semantics = [#tpu.dimension_semantics<arbitrary>], iteration_bounds = array<i64: 5>, scalar_prefetch = 0 : i64, scratch_operands = 0 : i64, tpu.core_type = #tpu.core_type<tc>, window_params = [{transform_indices = @transform_0, window_bounds = array<i64: 2, 2000, 128>}, {transform_indices = @transform_1, window_bounds = array<i64: 2000, 128>}, {transform_indices = @transform_2, window_bounds = array<i64: 2000, 1>}, {transform_indices = @transform_3, window_bounds = array<i64: 2000, 1>}, {pipeline_mode = #tpu.pipeline_mode<synchronous>, transform_indices = @transform_4, window_bounds = array<i64: 1, 128>}, {transform_indices = @transform_5, window_bounds = array<i64: 2000, 128>}, {pipeline_mode = #tpu.pipeline_mode<synchronous>, transform_indices = @transform_6, window_bounds = array<i64: 128, 16>}, {pipeline_mode = #tpu.pipeline_mode<synchronous>, transform_indices = @transform_7, window_bounds = array<i64: 128, 16>}, {transform_indices = @transform_8, window_bounds = array<i64: 2000, 16>}, {transform_indices = @transform_9, window_bounds = array<i64: 2000, 16>}]} {
    %get3A = arith.constant 0 : index
    %get3A_0 = arith.constant 0 : index
    %get3A_1 = arith.constant 0 : index
    %get3A_2 = vector.load %arg1[%get3A, %get3A_0, %get3A_1] : memref<2x2000x128xf32, #tpu.memory_space<vmem>>, vector<1x2000x128xf32>
    %get3A_3 = vector.shape_cast %get3A_2 : vector<1x2000x128xf32> to vector<2000x128xf32>
    %get3A_4 = arith.constant 1 : index
    %get3A_5 = arith.constant 0 : index
    %get3A_6 = arith.constant 0 : index
    %get3A_7 = vector.load %arg1[%get3A_4, %get3A_5, %get3A_6] : memref<2x2000x128xf32, #tpu.memory_space<vmem>>, vector<1x2000x128xf32>
    %get3A_8 = vector.shape_cast %get3A_7 : vector<1x2000x128xf32> to vector<2000x128xf32>
    %add3A = arith.addf %get3A_3, %get3A_8 : vector<2000x128xf32>
    %get3A_9 = arith.constant 0 : index
    %get3A_10 = arith.constant 0 : index
    %get3A_11 = vector.load %arg3[%get3A_9, %get3A_10] : memref<2000x1xf32, #tpu.memory_space<vmem>>, vector<2000x1xf32>
    %mul3A = vector.broadcast %get3A_11 : vector<2000x1xf32> to vector<2000x128xf32>
    %mul3A_12 = arith.mulf %mul3A, %add3A : vector<2000x128xf32>
    %get3A_13 = arith.constant 0 : index
    %get3A_14 = arith.constant 0 : index
    %get3A_15 = vector.load %arg2[%get3A_13, %get3A_14] : memref<2000x128xf32, #tpu.memory_space<vmem>>, vector<2000x128xf32>
    %get3A_16 = arith.constant 0 : index
    %get3A_17 = arith.constant 0 : index
    %get3A_18 = vector.load %arg4[%get3A_16, %get3A_17] : memref<2000x1xf32, #tpu.memory_space<vmem>>, vector<2000x1xf32>
    %mul3A_19 = vector.broadcast %get3A_18 : vector<2000x1xf32> to vector<2000x128xf32>
    %mul3A_20 = arith.mulf %get3A_15, %mul3A_19 : vector<2000x128xf32>
    %add3A_21 = arith.addf %mul3A_12, %mul3A_20 : vector<2000x128xf32>
    %get3A_22 = arith.constant 0 : index
    %get3A_23 = arith.constant 0 : index
    %get3A_24 = vector.load %arg5[%get3A_22, %get3A_23] : memref<1x128xf32, #tpu.memory_space<vmem>>, vector<1x128xf32>
    %add3A_25 = vector.broadcast %get3A_24 : vector<1x128xf32> to vector<2000x128xf32>
    %add3A_26 = arith.addf %add3A_21, %add3A_25 : vector<2000x128xf32>
    %max3A = arith.constant 0.000000e+00 : f32
    %max3A_27 = vector.broadcast %max3A : f32 to vector<2000x128xf32>
    %max3A_28 = arith.maximumf %add3A_26, %max3A_27 : vector<2000x128xf32>
    %get3A_29 = arith.constant 0 : index
    %get3A_30 = arith.constant 0 : index
    %get3A_31 = vector.load %arg6[%get3A_29, %get3A_30] : memref<2000x128xf32, #tpu.memory_space<vmem>>, vector<2000x128xf32>
    %get3A_32 = arith.constant 0 : index
    %get3A_33 = arith.constant 0 : index
    %get3A_34 = vector.load %arg7[%get3A_32, %get3A_33] : memref<128x16xf32, #tpu.memory_space<vmem>>, vector<128x16xf32>
    %dot_general3A = arith.constant dense<0.000000e+00> : vector<2000x16xf32>
    %dot_general3A_35 = tpu.matmul %get3A_31, %get3A_34, %dot_general3A {dimension_numbers = #tpu.dot_dimension_numbers<[1], [0], [0], [1], [0, 0, 1, 1], [], []>, transpose_lhs_hint = false} : vector<2000x128xf32>, vector<128x16xf32>, vector<2000x16xf32> -> vector<2000x16xf32>
    %get3A_36 = arith.constant 0 : index
    %get3A_37 = arith.constant 0 : index
    %get3A_38 = vector.load %arg8[%get3A_36, %get3A_37] : memref<128x16xf32, #tpu.memory_space<vmem>>, vector<128x16xf32>
    %dot_general3A_39 = arith.constant dense<0.000000e+00> : vector<2000x16xf32>
    %dot_general3A_40 = tpu.matmul %max3A_28, %get3A_38, %dot_general3A_39 {dimension_numbers = #tpu.dot_dimension_numbers<[1], [0], [0], [1], [0, 0, 1, 1], [], []>, transpose_lhs_hint = false} : vector<2000x128xf32>, vector<128x16xf32>, vector<2000x16xf32> -> vector<2000x16xf32>
    %add3A_41 = arith.addf %dot_general3A_35, %dot_general3A_40 : vector<2000x16xf32>
    %swap3A = arith.constant 0 : index
    %swap3A_42 = arith.constant 0 : index
    %swap3A_43 = vector.load %arg9[%swap3A, %swap3A_42] : memref<2000x16xf32, #tpu.memory_space<vmem>>, vector<2000x16xf32>
    tpu.vector_store %arg9[%swap3A, %swap3A_42], %add3A_41 {strides = array<i32>} : memref<2000x16xf32, #tpu.memory_space<vmem>>, vector<2000x16xf32>,
    %get3A_44 = arith.constant 0 : index
    %get3A_45 = arith.constant 0 : index
    %get3A_46 = vector.load %arg3[%get3A_44, %get3A_45] : memref<2000x1xf32, #tpu.memory_space<vmem>>, vector<2000x1xf32>
    %mul3A_47 = vector.broadcast %get3A_46 : vector<2000x1xf32> to vector<2000x16xf32>
    %mul3A_48 = arith.mulf %add3A_41, %mul3A_47 : vector<2000x16xf32>
    %swap3A_49 = arith.constant 0 : index
    %swap3A_50 = arith.constant 0 : index
    %swap3A_51 = vector.load %arg10[%swap3A_49, %swap3A_50] : memref<2000x16xf32, #tpu.memory_space<vmem>>, vector<2000x16xf32>
    tpu.vector_store %arg10[%swap3A_49, %swap3A_50], %mul3A_48 {strides = array<i32>} : memref<2000x16xf32, #tpu.memory_space<vmem>>, vector<2000x16xf32>,
    return
  }
  func.func @transform_0(%arg0: i32) -> (i32, i32, i32) {
    %c0_i32 = arith.constant 0 : i32
    %c0_i32_0 = arith.constant 0 : i32
    %c0_i32_1 = arith.constant 0 : i32
    return %c0_i32, %arg0, %c0_i32_0 : i32, i32, i32
  }
  func.func @transform_1(%arg0: i32) -> (i32, i32) {
    %c0_i32 = arith.constant 0 : i32
    %c0_i32_0 = arith.constant 0 : i32
    return %arg0, %c0_i32 : i32, i32
  }
  func.func @transform_2(%arg0: i32) -> (i32, i32) {
    %c0_i32 = arith.constant 0 : i32
    %c0_i32_0 = arith.constant 0 : i32
    return %arg0, %c0_i32 : i32, i32
  }
  func.func @transform_3(%arg0: i32) -> (i32, i32) {
    %c0_i32 = arith.constant 0 : i32
    %c0_i32_0 = arith.constant 0 : i32
    return %arg0, %c0_i32 : i32, i32
  }
  func.func @transform_4(%arg0: i32) -> (i32, i32) {
    %c0_i32 = arith.constant 0 : i32
    %c0_i32_0 = arith.constant 0 : i32
    %c0_i32_1 = arith.constant 0 : i32
    return %c0_i32, %c0_i32_0 : i32, i32
  }
  func.func @transform_5(%arg0: i32) -> (i32, i32) {
    %c0_i32 = arith.constant 0 : i32
    %c0_i32_0 = arith.constant 0 : i32
    return %arg0, %c0_i32 : i32, i32
  }
  func.func @transform_6(%arg0: i32) -> (i32, i32) {
    %c0_i32 = arith.constant 0 : i32
    %c0_i32_0 = arith.constant 0 : i32
    %c0_i32_1 = arith.constant 0 : i32
    return %c0_i32, %c0_i32_0 : i32, i32
  }
  func.func @transform_7(%arg0: i32) -> (i32, i32) {
    %c0_i32 = arith.constant 0 : i32
    %c0_i32_0 = arith.constant 0 : i32
    %c0_i32_1 = arith.constant 0 : i32
    return %c0_i32, %c0_i32_0 : i32, i32
  }
  func.func @transform_8(%arg0: i32) -> (i32, i32) {
    %c0_i32 = arith.constant 0 : i32
    %c0_i32_0 = arith.constant 0 : i32
    return %arg0, %c0_i32 : i32, i32
  }
  func.func @transform_9(%arg0: i32) -> (i32, i32) {
    %c0_i32 = arith.constant 0 : i32
    %c0_i32_0 = arith.constant 0 : i32
    return %arg0, %c0_i32 : i32, i32
  }
}

module attributes {stable_mosaic.version = 14 : i64} {
  func.func @_k4_body(%arg0: i32, %arg1: memref<2x2000x16xf32, #tpu.memory_space<vmem>>, %arg2: memref<2000x16xf32, #tpu.memory_space<vmem>>, %arg3: memref<2000x1xf32, #tpu.memory_space<vmem>>, %arg4: memref<2000x1xf32, #tpu.memory_space<vmem>>, %arg5: memref<1x16xf32, #tpu.memory_space<vmem>>, %arg6: memref<2000x16xf32, #tpu.memory_space<vmem>>) attributes {dimension_semantics = [#tpu.dimension_semantics<arbitrary>], iteration_bounds = array<i64: 5>, scalar_prefetch = 0 : i64, scratch_operands = 0 : i64, tpu.core_type = #tpu.core_type<tc>, window_params = [{transform_indices = @transform_0, window_bounds = array<i64: 2, 2000, 16>}, {transform_indices = @transform_1, window_bounds = array<i64: 2000, 16>}, {transform_indices = @transform_2, window_bounds = array<i64: 2000, 1>}, {transform_indices = @transform_3, window_bounds = array<i64: 2000, 1>}, {pipeline_mode = #tpu.pipeline_mode<synchronous>, transform_indices = @transform_4, window_bounds = array<i64: 1, 16>}, {transform_indices = @transform_5, window_bounds = array<i64: 2000, 16>}]} {
    %get3A = arith.constant 0 : index
    %get3A_0 = arith.constant 0 : index
    %get3A_1 = arith.constant 0 : index
    %get3A_2 = vector.load %arg1[%get3A, %get3A_0, %get3A_1] : memref<2x2000x16xf32, #tpu.memory_space<vmem>>, vector<1x2000x16xf32>
    %get3A_3 = vector.shape_cast %get3A_2 : vector<1x2000x16xf32> to vector<2000x16xf32>
    %get3A_4 = arith.constant 1 : index
    %get3A_5 = arith.constant 0 : index
    %get3A_6 = arith.constant 0 : index
    %get3A_7 = vector.load %arg1[%get3A_4, %get3A_5, %get3A_6] : memref<2x2000x16xf32, #tpu.memory_space<vmem>>, vector<1x2000x16xf32>
    %get3A_8 = vector.shape_cast %get3A_7 : vector<1x2000x16xf32> to vector<2000x16xf32>
    %add3A = arith.addf %get3A_3, %get3A_8 : vector<2000x16xf32>
    %get3A_9 = arith.constant 0 : index
    %get3A_10 = arith.constant 0 : index
    %get3A_11 = vector.load %arg3[%get3A_9, %get3A_10] : memref<2000x1xf32, #tpu.memory_space<vmem>>, vector<2000x1xf32>
    %mul3A = vector.broadcast %get3A_11 : vector<2000x1xf32> to vector<2000x16xf32>
    %mul3A_12 = arith.mulf %mul3A, %add3A : vector<2000x16xf32>
    %get3A_13 = arith.constant 0 : index
    %get3A_14 = arith.constant 0 : index
    %get3A_15 = vector.load %arg2[%get3A_13, %get3A_14] : memref<2000x16xf32, #tpu.memory_space<vmem>>, vector<2000x16xf32>
    %get3A_16 = arith.constant 0 : index
    %get3A_17 = arith.constant 0 : index
    %get3A_18 = vector.load %arg4[%get3A_16, %get3A_17] : memref<2000x1xf32, #tpu.memory_space<vmem>>, vector<2000x1xf32>
    %mul3A_19 = vector.broadcast %get3A_18 : vector<2000x1xf32> to vector<2000x16xf32>
    %mul3A_20 = arith.mulf %get3A_15, %mul3A_19 : vector<2000x16xf32>
    %add3A_21 = arith.addf %mul3A_12, %mul3A_20 : vector<2000x16xf32>
    %get3A_22 = arith.constant 0 : index
    %get3A_23 = arith.constant 0 : index
    %get3A_24 = vector.load %arg5[%get3A_22, %get3A_23] : memref<1x16xf32, #tpu.memory_space<vmem>>, vector<1x16xf32>
    %add3A_25 = vector.broadcast %get3A_24 : vector<1x16xf32> to vector<2000x16xf32>
    %add3A_26 = arith.addf %add3A_21, %add3A_25 : vector<2000x16xf32>
    %iota3A = tpu.iota {dimensions = array<i32: 1>} : vector<2000x16xi32>
    %lt3A = arith.constant 2 : i32
    %lt3A_27 = vector.broadcast %lt3A : i32 to vector<2000x16xi32>
    %lt3A_28 = arith.cmpi slt, %iota3A, %lt3A_27 : vector<2000x16xi32>
    %jit3A = arith.constant -1.000000e+30 : f32
    %broadcast_in_dim3A = vector.broadcast %jit3A : f32 to vector<2000x16xf32>
    %select_n3A = arith.select %lt3A_28, %add3A_26, %broadcast_in_dim3A : vector<2000x16xi1>, vector<2000x16xf32>
    %reduce_max3A = arith.constant dense<0xFF800000> : vector<2000xf32>
    %reduce_max3A_29 = vector.multi_reduction <maximumf>, %select_n3A, %reduce_max3A [1] : vector<2000x16xf32> to vector<2000xf32>
    %broadcast_in_dim3A_30 = vector.shape_cast %reduce_max3A_29 : vector<2000xf32> to vector<2000x1xf32>
    %sub3A = vector.broadcast %broadcast_in_dim3A_30 : vector<2000x1xf32> to vector<2000x16xf32>
    %sub3A_31 = arith.subf %select_n3A, %sub3A : vector<2000x16xf32>
    %exp3A = math.exp %sub3A_31 : vector<2000x16xf32>
    %reduce_sum3A = arith.constant dense<0.000000e+00> : vector<2000xf32>
    %reduce_sum3A_32 = vector.multi_reduction <add>, %exp3A, %reduce_sum3A [1] : vector<2000x16xf32> to vector<2000xf32>
    %broadcast_in_dim3A_33 = vector.shape_cast %reduce_sum3A_32 : vector<2000xf32> to vector<2000x1xf32>
    %div3A = vector.broadcast %broadcast_in_dim3A_33 : vector<2000x1xf32> to vector<2000x16xf32>
    %div3A_34 = arith.divf %exp3A, %div3A : vector<2000x16xf32>
    %swap3A = arith.constant 0 : index
    %swap3A_35 = arith.constant 0 : index
    %swap3A_36 = vector.load %arg6[%swap3A, %swap3A_35] : memref<2000x16xf32, #tpu.memory_space<vmem>>, vector<2000x16xf32>
    tpu.vector_store %arg6[%swap3A, %swap3A_35], %div3A_34 {strides = array<i32>} : memref<2000x16xf32, #tpu.memory_space<vmem>>, vector<2000x16xf32>,
    return
  }
  func.func @transform_0(%arg0: i32) -> (i32, i32, i32) {
    %c0_i32 = arith.constant 0 : i32
    %c0_i32_0 = arith.constant 0 : i32
    %c0_i32_1 = arith.constant 0 : i32
    return %c0_i32, %arg0, %c0_i32_0 : i32, i32, i32
  }
  func.func @transform_1(%arg0: i32) -> (i32, i32) {
    %c0_i32 = arith.constant 0 : i32
    %c0_i32_0 = arith.constant 0 : i32
    return %arg0, %c0_i32 : i32, i32
  }
  func.func @transform_2(%arg0: i32) -> (i32, i32) {
    %c0_i32 = arith.constant 0 : i32
    %c0_i32_0 = arith.constant 0 : i32
    return %arg0, %c0_i32 : i32, i32
  }
  func.func @transform_3(%arg0: i32) -> (i32, i32) {
    %c0_i32 = arith.constant 0 : i32
    %c0_i32_0 = arith.constant 0 : i32
    return %arg0, %c0_i32 : i32, i32
  }
  func.func @transform_4(%arg0: i32) -> (i32, i32) {
    %c0_i32 = arith.constant 0 : i32
    %c0_i32_0 = arith.constant 0 : i32
    %c0_i32_1 = arith.constant 0 : i32
    return %c0_i32, %c0_i32_0 : i32, i32
  }
  func.func @transform_5(%arg0: i32) -> (i32, i32) {
    %c0_i32 = arith.constant 0 : i32
    %c0_i32_0 = arith.constant 0 : i32
    return %arg0, %c0_i32 : i32, i32
  }
}

</mosaic_0001>

<sc_bundles>
// kernel: kernel.10.cloned.1.call-start
scs
__scs_entry_jumppad:
0x0: {  	(pc) =	sbr.rel $0x88, $3  }
0x1: {  	(tag) =	ssettag $0x0;
	lr =	simm.s32 $0x1  }
0x2: {  	[smem:$0x3F99] =	sst lr;
	_ =	strace $0xD0000000  }
0x3: {  	_ = 	snop  }
0x4: {  	_ = 	snop  }
0x5: {  	_ = 	snop  }
0x6: {  	_ = 	snop  }
0x7: {  	_ = 	snop  }
__scs_overlays_trampoline_lowered:
0x8: {  	[smem:$0x3FA8] =	sst s0  }
0x9: {  	[smem:$0x3FA9] =	sst s1  }
0xa: {  	[smem:$0x3FAA] =	sst s2  }
0xb: {  	[smem:$0x3FAB] =	sst s3  }
0xc: {  	[smem:$0x3FAC] =	sst s4  }
0xd: {  	[smem:$0x3FAD] =	sst s5  }
0xe: {  	[smem:$0x3FAE] =	sst s6  }
0xf: {  	[smem:$0x3FAF] =	sst s7  }
0x10: {  	[smem:$0x3FB0] =	sst s8  }
0x11: {  	[smem:$0x3FB1] =	sst s9;
	s0 =	simm.s32 @!p0 $0x0  }
0x12: {  	s1 =	sld [smem:$0x3F97];
	s0 =	simm.s32 @p0 $0x1  }
0x13: {  	[smem:$0x3FB2] =	sst s0;
	s0 =	simm.s32 @!p1 $0x0  }
0x14: {  	s2 =	sld [smem:$0x3F96];
	s0 =	simm.s32 @p1 $0x1  }
0x15: {  	[smem:$0x3FB3] =	sst s0;
	s0 =	simm.s32 @!p2 $0x0  }
0x16: {  	s3 =	sld [smem:$0x3FDB];
	s0 =	simm.s32 @p2 $0x1  }
0x17: {  	s4 =	simm.s32 $0x1BF5;
	[smem:$0x3FB5] =	sst s0  }
0x18: {  	s0 =	sld [smem:$0x3F98];
	_ =	swait.ge [sflag:s4], $0x0  }
0x19: {  	s7 =	sld [smem:$0x3F99]  }
0x1a: {  	s8 =	sadd.s32 $0xFFFFE003, lr  }
0x1b: {  	s9 =	sadd.s32 $0xFFFFFEF7, lr;
	s5 =	simm.s32 $0xFFFFFFFF;
	p2 =	slt.u32 s8, $0xFFFFF086  }
0x1c: {  	p1 =	slt.u32 s9, $0xF7A;
	s5 =	simm.s32 @!p2 $0x0  }
0x1d: {  	s5 =	simm.s32 @p1 $0x1;
	p0 =	seq.s32 s7, s2  }
0x1e: {  	s7 =	smul.u32 @!p0 $0xF7A, s2;
	p2 =	seq.s32 @!p0 s5, $0x0  }
0x1f: {  	s9 =	smul.u32 $0xF7A, s1;
	s8 =	simm.s32 @!p0 $0x1BF5;
	p2 =	por !p2, p0  }
0x20: {  	[sflag:s8] =	ssyncset.s32 @!p0 $0xFFFFF086;
	s6 =	sadd.s32 @!p0 s3, s7;
	s7 =	simm.s32 @!p0 $0x108  }
0x21: {  	s3 =	sadd.s32 s3, s9;
	s6 =	sadd.s32 @!p0 $0x88, s6;
	s7 =	simm.s32 @p2 $0x1082  }
0x22: {  	[simem:s7], [sflag:s8] =	dma.local @!p0 [hbm:s6], $0xF7A  }
0x23: {  	s9 =	sor.u32 $0xD0000000, s2;
	s6 =	simm.s32 $0x108;
	_ =	swait.ge @!p0 [sflag:s8], $0x0  }
0x24: {  	s3 =	sadd.s32 $0x88, s3;
	s6 =	simm.s32 @!p1 $0x1082;
	[sflag:s4] =	ssyncset.s32 $0xFFFFF086  }
0x25: {  	[simem:s6], [sflag:s4] =	dma.local [hbm:s3], $0xF7A  }
0x26: {  	[smem:$0x3F99] =	sst s1;
	(tag) =	ssettag s2;
	_ =	strace s9  }
0x27: {  	s1 =	sld [smem:$0x3FA9]  }
0x28: {  	s2 =	sld [smem:$0x3FAA]  }
0x29: {  	s4 =	sld [smem:$0x3FAC]  }
0x2a: {  	p0 =	seq.s32 s5, $0x0;
	s5 =	sld [smem:$0x3FAD]  }
0x2b: {  	s6 =	sld [smem:$0x3FAE]  }
0x2c: {  	s7 =	sld [smem:$0x3FAF]  }
0x2d: {  	s3 =	simm.s32 $0x108;
	s8 =	sld [smem:$0x3FB0]  }
0x2e: {  	s3 =	simm.s32 @!p0 $0x1082;
	s9 =	sld [smem:$0x3FB1]  }
0x2f: {  	lr =	sadd.s32 s0, s3;
	s0 =	sld [smem:$0x3FA8]  }
0x30: {  	s3 =	sld [smem:$0x3FAB]  }
0x31: {  	[smem:$0x3FB4] =	sst s10  }
0x32: {  	s10 =	sld [smem:$0x3FB2];
	_ =	sdelay $0x3  }
0x33: {  	p0 =	seq.s32 s10, $0x1;
	s10 =	sld [smem:$0x3FB4];
	_ =	sdelay $0x3  }
0x34: {  	[smem:$0x3FB4] =	sst s10  }
0x35: {  	s10 =	sld [smem:$0x3FB3];
	_ =	sdelay $0x3  }
0x36: {  	p1 =	seq.s32 s10, $0x1;
	s10 =	sld [smem:$0x3FB4];
	_ =	sdelay $0x3  }
0x37: {  	[smem:$0x3FB4] =	sst s10  }
0x38: {  	s10 =	sld [smem:$0x3FB5]  }
0x39: {  	_ = 	snop;
	(pc) =	sbr.ind lr, $3  }
0x3a: {  	_ = 	snop  }
0x3b: {  	_ = 	snop  }
0x3c: {  	p2 =	seq.s32 s10, $0x1;
	s10 =	sld [smem:$0x3FB4]  }
0x3d: {  	_ =	shalt  }
0x3e: {  	_ =	shalt  }
0x3f: {  	_ =	shalt  }
0x40: {  	_ =	shalt  }
0x41: {  	_ =	shalt  }
0x42: {  	_ =	shalt  }
0x43: {  	_ =	shalt  }
0x44: {  	_ =	shalt  }
0x45: {  	_ =	shalt  }
0x46: {  	_ =	shalt  }
0x47: {  	_ =	shalt  }
0x48: {  	_ =	shalt  }
0x49: {  	_ =	shalt  }
0x4a: {  	_ =	shalt  }
0x4b: {  	_ =	shalt  }
0x4c: {  	_ =	shalt  }
0x4d: {  	_ =	shalt  }
0x4e: {  	_ =	shalt  }
0x4f: {  	_ =	shalt  }
0x50: {  	_ =	shalt  }
0x51: {  	_ =	shalt  }
0x52: {  	_ =	shalt  }
0x53: {  	_ =	shalt  }
0x54: {  	_ =	shalt  }
0x55: {  	_ =	shalt  }
0x56: {  	_ =	shalt  }
0x57: {  	_ =	shalt  }
0x58: {  	_ =	shalt  }
0x59: {  	_ =	shalt  }
0x5a: {  	_ =	shalt  }
0x5b: {  	_ =	shalt  }
0x5c: {  	_ =	shalt  }
0x5d: {  	_ =	shalt  }
0x5e: {  	_ =	shalt  }
0x5f: {  	_ =	shalt  }
0x60: {  	_ =	shalt  }
0x61: {  	_ =	shalt  }
0x62: {  	_ =	shalt  }
0x63: {  	_ =	shalt  }
0x64: {  	_ =	shalt  }
0x65: {  	_ =	shalt  }
0x66: {  	_ =	shalt  }
0x67: {  	_ =	shalt  }
0x68: {  	_ =	shalt  }
0x69: {  	_ =	shalt  }
0x6a: {  	_ =	shalt  }
0x6b: {  	_ =	shalt  }
0x6c: {  	_ =	shalt  }
0x6d: {  	_ =	shalt  }
0x6e: {  	_ =	shalt  }
0x6f: {  	_ =	shalt  }
0x70: {  	_ =	shalt  }
0x71: {  	_ =	shalt  }
0x72: {  	_ =	shalt  }
0x73: {  	_ =	shalt  }
0x74: {  	_ =	shalt  }
0x75: {  	_ =	shalt  }
0x76: {  	_ =	shalt  }
0x77: {  	_ =	shalt  }
0x78: {  	_ =	shalt  }
0x79: {  	_ =	shalt  }
0x7a: {  	_ =	shalt  }
0x7b: {  	_ =	shalt  }
0x7c: {  	_ =	shalt  }
0x7d: {  	_ =	shalt  }
0x7e: {  	_ =	shalt  }
0x7f: {  	_ =	shalt  }
0x80: {  	_ =	shalt  }
0x81: {  	_ =	shalt  }
0x82: {  	_ =	shalt  }
0x83: {  	_ =	shalt  }
0x84: {  	_ =	shalt  }
0x85: {  	_ =	shalt  }
0x86: {  	_ =	shalt  }
0x87: {  	_ =	shalt  }
.Lfunc_end0:
.L_simem_size_0:
called_computation_lowered:
.L_overlay_start_0:
0x88: {  	s2 =	sld [smem:$0x3FD9]  }
0x89: {  	s3 =	sld [smem:$0x3FFE];
	_ =	sdelay $0x1  }
0x8a: {  	s1 =	srdreg.scid  }
0x8b: {  	s0 =	sand.u32 $0x1, s1  }
0x8c: {  	s16 =	sshll.u32 s0, $0xA;
	s2 =	sadd.s32 s3, s2  }
0x8d: {  	s2 =	sadd.s32 s2, s16  }
0x8e: {  	[smem:$0x3FC0] =	sst s2  }
0x8f: {  	_ = 	snop  }
0x90: {  	(tm) =	ssettm $0x1  }
0x91: {  	s17 =	sld [smem:$0x3FFB];
	_ =	sdelay $0x3  }
0x92: {  	_ =	strace s17  }
0x93: {  	s2 =	sld [smem:$0x3FFC];
	_ =	sdelay $0x3  }
0x94: {  	_ =	strace s2  }
0x95: {  	s2 =	sld [smem:$0x3FFD];
	_ =	sdelay $0x3  }
0x96: {  	_ =	strace s2  }
0x97: {  	_ =	strace $0x8FFFFFFF  }
0x98: {  	s18 =	sld [smem:$0x3FDB];
	_ =	sdelay $0x1  }
0x99: {  	s19 =	simm.s32 $_scs_section_size  }
0x9a: {  	s4 =	simm.s32 $_size__tile_overlayer_lowered;
	s5 =	simm.s32 $_tile_overlayer_lowered  }
0x9b: {  	s22 =	simm.s32 $0x1BFF;
	s21 =	sshll.u32 s5, $0x1;
	s2 =	sadd.s32 s19, s18  }
0x9c: {  	s6 =	simm.s32 $0x0;
	s20 =	sshll.u32 s4, $0x1;
	s4 =	sadd.s32 s21, s2  }
0x9d: {  	[timem:s6], [sflag:s22] =	dma.local [hbm:s4], s20  }
0x9e: {  	_ =	swait.ge [sflag:s22], s20  }
0x9f: {  	s3 =	ssub.s32 $0x0, s20;
	[sflag:s22] =	ssyncset.done $0x0  }
0xa0: {  	[sflag:s22] =	ssyncadd.s32 s3;
	_ =	sdelay $0x1  }
0xa1: {  	s23 =	simm.s32 $0x1B8B  }
0xa2: {  	_ =	swait.ge [sflag:s23], $0x1  }
0xa3: {  	[sflag:s23] =	ssyncset.done $0x0  }
0xa4: {  	s25 =	simm.s32 $0x1B8E;
	s24 =	sld [smem:$0x3FFE];
	[sflag:s23] =	ssyncadd.s32 $0xFFFFFFFF  }
0xa5: {  	s26 =	simm.s32 $execute0_lowered;
	[smem:$0x3FD2] =	sst s25  }
0xa6: {  	s4 =	sshll.u32 s26, $0x1;
	_ =	strace $0x80000046;
	[dreg:$0x1] =	wrdreg $0xFFFFFFFF  }
0xa7: {  	s28 =	simm.s32 $_size_execute0_lowered;
	s2 =	sadd.s32 s2, s4;
	[dreg:$0x0] =	wrdreg $0x0  }
0xa8: {  	s4 =	sshll.u32 s28, $0x1;
	[dreg:$0x2] =	wrdreg s2  }
0xa9: {  	[dreg:$0x3] =	wrdreg s4  }
0xaa: {  	[dreg:$0x4] =	wrdreg $0xC0  }
0xab: {  	_ =	task [dreg:s6], $0x5FFFF  }
0xac: {  	[dreg:$0x1] =	wrdreg $0xFFFFFFFF  }
0xad: {  	[dreg:$0x0] =	wrdreg $0x60  }
0xae: {  	[dreg:$0x2] =	wrdreg s24  }
0xaf: {  	[dreg:$0x3] =	wrdreg $0x55000  }
0xb0: {  	[dreg:$0x4] =	wrdreg $0x9  }
0xb1: {  	_ =	task.clear_ibuf [dreg:s6], $0x5FFFF;
	_ =	strace $0x90000046  }
0xb2: {  	s29 =	simm.s32 $0x9;
	_ =	strace $0x80000048  }
0xb3: {  	_ =	swait.ge [sflag:s29], $0x1  }
0xb4: {  	[sflag:s29] =	ssyncadd.s32 $0xFFFFFFFF  }
0xb5: {  	_ =	strace $0x90000048  }
0xb6: {  	_ =	sfence  }
0xb7: {  	s30 =	sld [smem:$0x0];
	_ =	sdelay $0x2  }
0xb8: {  	s31 =	sshll.u32 s1, $0xD;
	s1 =	sshrl.u32 s1, $0x2  }
0xb9: {  	s3 =	sand.u32 $0x4000, s31;
	s1 =	sadd.s32 s1, s30  }
0xba: {  	s0 =	sor.u32 s3, s0;
	s1 =	sshll.u32 s1, $0x11  }
0xbb: {  	s0 =	sor.u32 s1, s0  }
0xbc: {  	s0 =	sadd.s32 $0x8F2B, s0  }
0xbd: {  	[sflag:s0] =	ssyncadd.remote.s32 $0x1  }
0xbe: {  	_ =	sfence.sel $0xFFFF  }
0xbf: {  	[dreg:$0x0] =	wrdreg $0xFFFFFFFF;
	(pc) =	sbr.abs _section_cstart, $3  }
0xc0: {  	[dreg:$0x1] =	wrdreg $0xFFFFFFFF  }
0xc1: {  	_ =	task.clear_ibuf [dreg:s6], $0x2FFFF;
	_ =	strace $0x9FFFFFFF  }
0xc2: {  	(tm) =	ssettm $0x7FFFFFFF  }
0xc3: {  	_ =	shalt  }
tec
execute0_lowered:
.L_overlay_start_1:
0x0: {  	(tag) =	ssettag $0x1  }
0x1: {  	s3 =	rddreg [dreg:$0x0]  }
0x2: {  	s5 =	rddreg [dreg:$0x1];
	s2 =	srdreg.scid  }
0x3: {  	s1 =	stileid.u32;
	s0 =	rddreg [dreg:$0x2];
	s11 =	simm.s32 $0x5280  }
0x4: {  	s12 =	simm.s32 $0x0;
	s4 =	sand.u32 $0x1, s2;
	s6 =	smul.u32 $0x280, s1  }
0x5: {  	s2 =	simm.s32 $0x0;
	s9 =	smul.u32 $0xA000, s1;
	s7 =	sshll.u32 s4, $0x4  }
0x6: {  	s8 =	smul.u32 $0x2800, s4;
	[smem:$0x7FF] =	sst s2;
	s4 =	ssub.s32 $0x2, s4  }
0x7: {  	s7 =	sor.u32 s1, s7;
	_ =	strace $0x80000047;
	s30 =	sshrl.u32 s4, $0x1  }
0x8: {  	s31 =	sshrl.u32 s9, $0x2;
	s7 =	smul.u32 $0x500, s7;
	s8 =	sadd.s32 s6, s8  }
0x9: {  	s9 =	simm.s32 $0x2800;
	s10 =	ssub.s32 s4, s30;
	s8 =	sshrl.u32 s8, $0x3  }
0xa: {  	s4 =	sadd.s32 s31, s5;
	s7 =	sadd.s32 s7, s3;
	s8 =	sadd.s32 s8, s3  }
0xb: {  	s5 =	sadd.s32 s6, s5;
	s3 =	sadd.s32 $0x3C00, s7;
	s6 =	sadd.s32 $0xDC00, s8  }
0xc: {  	v0 =	vimm.f32 $0.0e+00;
	v1 =	vimm.f32 $1.000000000e+00;
	s7 =	smax.u32 s10, $0x1;
	s8 =	simm.s32 $0x1;
	s10 =	simm.s32 $0x5000  }
.LBB2_1:
0xd: {  	[tilespmem:s2], [sflag:$0x1] =	stream.linear.gather [hbm4b:s3+s2], $0x2800, $0x38;
	[tilespmem:$0x7D00] =	vst v63  }
0xe: {  	_ =	swait.ge [sflag:s8], $0x2800  }
0xf: {  	[sflag:s8] =	ssyncset.done $0x0  }
0x10: {  	s13 =	simm.s32 $0x0;
	[sflag:s8] =	ssyncadd.s32 $0xFFFFD800  }
.LBB2_2:
0x11: {  	p0 =	sne.s32 s13, $0x9FC0  }
.Ltmp0:
0x12: {  	_ = 	snop;
	(pc) =	sbr.rel @p0 .LBB2_2-.Ltmp0, $3  }
0x13: {  	_ =	sdelay $0x1  }
0x14: {  	s14 =	sshra.s32 s13, $0x2  }
0x15: {  	s13 =	sadd.s32 $0x40, s13;
	[tilespmem:s14+$0x2800] =	vst v0  }
0x16: {  	s14 =	simm.s32 $0x0;
	s13 =	simm.s32 $0x40  }
.LBB2_4:
0x17: {  	p0 =	sne.s32 s13, $0x9FC0;
	v2 =	vld [tilespmem:s14+$0x0];
	_ =	sdelay $0x3  }
.Ltmp1:
0x18: {  	(pc) =	sbr.rel @p0 .LBB2_4-.Ltmp1, $2  }
0x19: {  	_ =	sdelay $0x2  }
0x1a: {  	s14 =	sshra.s32 s13, $0x2;
	s13 =	sadd.s32 $0x40, s13;
	[tilespmem:v2+s9+$0x0] =	vst.idx.add.f32.msk $0xffff, v1  }
0x1b: {  	v2 =	vld [tilespmem:s14+$0x0];
	_ =	sdelay $0x7  }
0x1c: {  	[tilespmem:v2+s9+$0x0] =	vst.idx.add.f32.msk $0xffff, v1  }
0x1d: {  	[spmem:s4] =	stream.linear.scatter [tilespmem:s9], [sflag:$0x1], $0x2800, $0x38;
	[tilespmem:$0x7D00] =	vst v63  }
0x1e: {  	_ =	swait.ge [sflag:s8], $0x2800  }
0x1f: {  	[sflag:s8] =	ssyncset.done $0x0  }
0x20: {  	[sflag:s8] =	ssyncadd.s32 $0xFFFFD800  }
0x21: {  	[bflag:$0x0] =	sbarrier.arrive $0xFFFF  }
0x22: {  	[tilespmem:$0x5280] =	vst v0  }
0x23: {  	[tilespmem:$0x5290] =	vst v0  }
0x24: {  	[tilespmem:$0x52A0] =	vst v0  }
0x25: {  	[tilespmem:$0x52B0] =	vst v0  }
0x26: {  	[tilespmem:$0x52C0] =	vst v0  }
0x27: {  	[tilespmem:$0x52D0] =	vst v0  }
0x28: {  	[tilespmem:$0x52E0] =	vst v0  }
0x29: {  	[tilespmem:$0x52F0] =	vst v0  }
0x2a: {  	[tilespmem:$0x5300] =	vst v0  }
0x2b: {  	[tilespmem:$0x5310] =	vst v0  }
0x2c: {  	[tilespmem:$0x5320] =	vst v0  }
0x2d: {  	[tilespmem:$0x5330] =	vst v0  }
0x2e: {  	[tilespmem:$0x5340] =	vst v0  }
0x2f: {  	[tilespmem:$0x5350] =	vst v0  }
0x30: {  	[tilespmem:$0x5360] =	vst v0  }
0x31: {  	[tilespmem:$0x5370] =	vst v0  }
0x32: {  	[tilespmem:$0x5380] =	vst v0  }
0x33: {  	[tilespmem:$0x5390] =	vst v0  }
0x34: {  	[tilespmem:$0x53A0] =	vst v0  }
0x35: {  	[tilespmem:$0x53B0] =	vst v0  }
0x36: {  	[tilespmem:$0x53C0] =	vst v0  }
0x37: {  	[tilespmem:$0x53D0] =	vst v0  }
0x38: {  	[tilespmem:$0x53E0] =	vst v0  }
0x39: {  	[tilespmem:$0x53F0] =	vst v0  }
0x3a: {  	[tilespmem:$0x5400] =	vst v0  }
0x3b: {  	[tilespmem:$0x5410] =	vst v0  }
0x3c: {  	[tilespmem:$0x5420] =	vst v0  }
0x3d: {  	[tilespmem:$0x5430] =	vst v0  }
0x3e: {  	[tilespmem:$0x5440] =	vst v0  }
0x3f: {  	[tilespmem:$0x5450] =	vst v0  }
0x40: {  	[tilespmem:$0x5460] =	vst v0  }
0x41: {  	[tilespmem:$0x5470] =	vst v0  }
0x42: {  	[tilespmem:$0x5480] =	vst v0  }
0x43: {  	[tilespmem:$0x5490] =	vst v0  }
0x44: {  	[tilespmem:$0x54A0] =	vst v0  }
0x45: {  	[tilespmem:$0x54B0] =	vst v0  }
0x46: {  	[tilespmem:$0x54C0] =	vst v0  }
0x47: {  	[tilespmem:$0x54D0] =	vst v0  }
0x48: {  	[tilespmem:$0x54E0] =	vst v0  }
0x49: {  	s13 =	simm.s32 $0x0;
	[tilespmem:$0x54F0] =	vst v0  }
.LBB2_6:
0x4a: {  	s14 =	smul.u32 $0xA000, s13;
	_ =	sdelay $0x1  }
0x4b: {  	s14 =	sshra.s32 s14, $0x2  }
0x4c: {  	s14 =	sadd.s32 s14, s5  }
0x4d: {  	[tilespmem:s10], [sflag:$0x1] =	stream.linear.gather [spmem:s14], $0x280, $0x38;
	[tilespmem:$0x7D00] =	vst v63  }
0x4e: {  	_ =	swait.ge [sflag:s8], $0x280  }
0x4f: {  	[sflag:s8] =	ssyncset.done $0x0  }
0x50: {  	s14 =	simm.s32 $0x0;
	[sflag:s8] =	ssyncadd.s32 $0xFFFFFD80  }
0x51: {  	s15 =	simm.s32 $0x40;
	v2 =	vld [tilespmem:s14+$0x5000]  }
.LBB2_7:
0x52: {  	p0 =	sne.s32 s15, $0x9C0;
	v3 =	vld [tilespmem:s14+$0x5280];
	_ =	sdelay $0x2  }
.Ltmp2:
0x53: {  	(pc) =	sbr.rel @p0 .LBB2_7-.Ltmp2, $4  }
0x54: {  	_ = 	snop  }
0x55: {  	v3 =	vadd.f32 v2, v3  }
0x56: {  	s16 =	sshra.s32 s15, $0x2  }
0x57: {  	s15 =	sadd.s32 $0x40, s15;
	v2 =	vld [tilespmem:s16+$0x5000];
	[tilespmem:s14+$0x5280] =	vst v3;
	s14 =	smov.u32 s16  }
0x58: {  	v3 =	vld [tilespmem:s14+$0x5280]  }
0x59: {  	s13 =	sadd.s32 $0x1, s13  }
0x5a: {  	p0 =	sne.s32 s13, $0x10  }
.Ltmp3:
0x5b: {  	_ = 	snop;
	(pc) =	sbr.rel @p0 .LBB2_6-.Ltmp3, $3  }
0x5c: {  	_ = 	snop  }
0x5d: {  	v2 =	vadd.f32 v2, v3;
	_ =	sdelay $0x1  }
0x5e: {  	[tilespmem:s14+$0x5280] =	vst v2  }
0x5f: {  	s12 =	sadd.s32 $0x1, s12  }
0x60: {  	p0 =	sne.s32 s12, s7  }
.Ltmp4:
0x61: {  	_ = 	snop;
	(pc) =	sbr.rel @p0 .LBB2_1-.Ltmp4, $4  }
0x62: {  	[hbm4b:s6+s2] =	stream.linear.scatter [tilespmem:s11], [sflag:$0x1], $0x280, $0x38;
	[tilespmem:$0x7D00] =	vst v63  }
0x63: {  	_ =	swait.ge [sflag:s8], $0x280  }
0x64: {  	[sflag:s8] =	ssyncset.done $0x0  }
0x65: {  	[sflag:s8] =	ssyncadd.s32 $0xFFFFFD80  }
0x66: {  	_ =	sfence.sel $0x180000  }
0x67: {  	[bflag:$0x0] =	sbarrier.arrive $0xFFFF  }
0x68: {  	p0 =	sne.s32 s1, $0x0;
	_ =	strace $0x90000047  }
0x69: {  	s0 =	sadd.s32 @!p0 $0x100000, s0;
	[bflag:$0x2] =	sbarrier.arrive $0xFFFF  }
0x6a: {  	[sflag:s0] =	ssyncadd.tile.s32 @!p0 $0x1;
	_ =	shalt  }
.Lfunc_end2:
_tile_overlayer_lowered:
.L_overlay_start_2:
0x6b: {  	(tag) =	ssettag $0x2  }
0x6c: {  	s0 =	rddreg [dreg:$0x0];
	s2 =	stileid.u32  }
0x6d: {  	s1 =	rddreg [dreg:$0x1];
	p0 =	sne.s32 s2, $0x0  }
0x6e: {  	s3 =	rddreg [dreg:$0x2];
	[bflag:$0x3] =	sbarrier.arrive $0xFFFF;
	s2 =	simm.s32 @!p0 $0x1C01  }
0x6f: {  	[timem:s3], [sflag:s2] =	dma.local @!p0 [hbm:s0], s1  }
0x70: {  	s0 =	simm.s32 @!p0 $0x1  }
0x71: {  	_ =	swait.ge @!p0 [sflag:s0], s1  }
0x72: {  	s1 =	ssub.s32 @!p0 $0x0, s1;
	[sflag:s0] =	ssyncset.done @!p0 $0x0  }
0x73: {  	[sflag:s0] =	ssyncadd.s32 @!p0 s1  }
0x74: {  	[bflag:$0x3] =	sbarrier.arrive $0xFFFF  }
0x75: {  	_ =	shalt  }

// kernel: kernel.13.cloned.1.call-start
scs
__scs_entry_jumppad:
0x0: {  	(pc) =	sbr.rel $0x88, $3  }
0x1: {  	(tag) =	ssettag $0x0;
	lr =	simm.s32 $0x1  }
0x2: {  	[smem:$0x3F99] =	sst lr;
	_ =	strace $0xD0000000  }
0x3: {  	_ = 	snop  }
0x4: {  	_ = 	snop  }
0x5: {  	_ = 	snop  }
0x6: {  	_ = 	snop  }
0x7: {  	_ = 	snop  }
__scs_overlays_trampoline_lowered:
0x8: {  	[smem:$0x3FA8] =	sst s0  }
0x9: {  	[smem:$0x3FA9] =	sst s1  }
0xa: {  	[smem:$0x3FAA] =	sst s2  }
0xb: {  	[smem:$0x3FAB] =	sst s3  }
0xc: {  	[smem:$0x3FAC] =	sst s4  }
0xd: {  	[smem:$0x3FAD] =	sst s5  }
0xe: {  	[smem:$0x3FAE] =	sst s6  }
0xf: {  	[smem:$0x3FAF] =	sst s7  }
0x10: {  	[smem:$0x3FB0] =	sst s8  }
0x11: {  	[smem:$0x3FB1] =	sst s9;
	s0 =	simm.s32 @!p0 $0x0  }
0x12: {  	s1 =	sld [smem:$0x3F97];
	s0 =	simm.s32 @p0 $0x1  }
0x13: {  	[smem:$0x3FB2] =	sst s0;
	s0 =	simm.s32 @!p1 $0x0  }
0x14: {  	s2 =	sld [smem:$0x3F96];
	s0 =	simm.s32 @p1 $0x1  }
0x15: {  	[smem:$0x3FB3] =	sst s0;
	s0 =	simm.s32 @!p2 $0x0  }
0x16: {  	s3 =	sld [smem:$0x3FDB];
	s0 =	simm.s32 @p2 $0x1  }
0x17: {  	s4 =	simm.s32 $0x1BF5;
	[smem:$0x3FB5] =	sst s0  }
0x18: {  	s0 =	sld [smem:$0x3F98];
	_ =	swait.ge [sflag:s4], $0x0  }
0x19: {  	s7 =	sld [smem:$0x3F99]  }
0x1a: {  	s8 =	sadd.s32 $0xFFFFE003, lr  }
0x1b: {  	s9 =	sadd.s32 $0xFFFFFEF7, lr;
	s5 =	simm.s32 $0xFFFFFFFF;
	p2 =	slt.u32 s8, $0xFFFFF086  }
0x1c: {  	p1 =	slt.u32 s9, $0xF7A;
	s5 =	simm.s32 @!p2 $0x0  }
0x1d: {  	s5 =	simm.s32 @p1 $0x1;
	p0 =	seq.s32 s7, s2  }
0x1e: {  	s7 =	smul.u32 @!p0 $0xF7A, s2;
	p2 =	seq.s32 @!p0 s5, $0x0  }
0x1f: {  	s9 =	smul.u32 $0xF7A, s1;
	s8 =	simm.s32 @!p0 $0x1BF5;
	p2 =	por !p2, p0  }
0x20: {  	[sflag:s8] =	ssyncset.s32 @!p0 $0xFFFFF086;
	s6 =	sadd.s32 @!p0 s3, s7;
	s7 =	simm.s32 @!p0 $0x108  }
0x21: {  	s3 =	sadd.s32 s3, s9;
	s6 =	sadd.s32 @!p0 $0x88, s6;
	s7 =	simm.s32 @p2 $0x1082  }
0x22: {  	[simem:s7], [sflag:s8] =	dma.local @!p0 [hbm:s6], $0xF7A  }
0x23: {  	s9 =	sor.u32 $0xD0000000, s2;
	s6 =	simm.s32 $0x108;
	_ =	swait.ge @!p0 [sflag:s8], $0x0  }
0x24: {  	s3 =	sadd.s32 $0x88, s3;
	s6 =	simm.s32 @!p1 $0x1082;
	[sflag:s4] =	ssyncset.s32 $0xFFFFF086  }
0x25: {  	[simem:s6], [sflag:s4] =	dma.local [hbm:s3], $0xF7A  }
0x26: {  	[smem:$0x3F99] =	sst s1;
	(tag) =	ssettag s2;
	_ =	strace s9  }
0x27: {  	s1 =	sld [smem:$0x3FA9]  }
0x28: {  	s2 =	sld [smem:$0x3FAA]  }
0x29: {  	s4 =	sld [smem:$0x3FAC]  }
0x2a: {  	p0 =	seq.s32 s5, $0x0;
	s5 =	sld [smem:$0x3FAD]  }
0x2b: {  	s6 =	sld [smem:$0x3FAE]  }
0x2c: {  	s7 =	sld [smem:$0x3FAF]  }
0x2d: {  	s3 =	simm.s32 $0x108;
	s8 =	sld [smem:$0x3FB0]  }
0x2e: {  	s3 =	simm.s32 @!p0 $0x1082;
	s9 =	sld [smem:$0x3FB1]  }
0x2f: {  	lr =	sadd.s32 s0, s3;
	s0 =	sld [smem:$0x3FA8]  }
0x30: {  	s3 =	sld [smem:$0x3FAB]  }
0x31: {  	[smem:$0x3FB4] =	sst s10  }
0x32: {  	s10 =	sld [smem:$0x3FB2];
	_ =	sdelay $0x3  }
0x33: {  	p0 =	seq.s32 s10, $0x1;
	s10 =	sld [smem:$0x3FB4];
	_ =	sdelay $0x3  }
0x34: {  	[smem:$0x3FB4] =	sst s10  }
0x35: {  	s10 =	sld [smem:$0x3FB3];
	_ =	sdelay $0x3  }
0x36: {  	p1 =	seq.s32 s10, $0x1;
	s10 =	sld [smem:$0x3FB4];
	_ =	sdelay $0x3  }
0x37: {  	[smem:$0x3FB4] =	sst s10  }
0x38: {  	s10 =	sld [smem:$0x3FB5]  }
0x39: {  	_ = 	snop;
	(pc) =	sbr.ind lr, $3  }
0x3a: {  	_ = 	snop  }
0x3b: {  	_ = 	snop  }
0x3c: {  	p2 =	seq.s32 s10, $0x1;
	s10 =	sld [smem:$0x3FB4]  }
0x3d: {  	_ =	shalt  }
0x3e: {  	_ =	shalt  }
0x3f: {  	_ =	shalt  }
0x40: {  	_ =	shalt  }
0x41: {  	_ =	shalt  }
0x42: {  	_ =	shalt  }
0x43: {  	_ =	shalt  }
0x44: {  	_ =	shalt  }
0x45: {  	_ =	shalt  }
0x46: {  	_ =	shalt  }
0x47: {  	_ =	shalt  }
0x48: {  	_ =	shalt  }
0x49: {  	_ =	shalt  }
0x4a: {  	_ =	shalt  }
0x4b: {  	_ =	shalt  }
0x4c: {  	_ =	shalt  }
0x4d: {  	_ =	shalt  }
0x4e: {  	_ =	shalt  }
0x4f: {  	_ =	shalt  }
0x50: {  	_ =	shalt  }
0x51: {  	_ =	shalt  }
0x52: {  	_ =	shalt  }
0x53: {  	_ =	shalt  }
0x54: {  	_ =	shalt  }
0x55: {  	_ =	shalt  }
0x56: {  	_ =	shalt  }
0x57: {  	_ =	shalt  }
0x58: {  	_ =	shalt  }
0x59: {  	_ =	shalt  }
0x5a: {  	_ =	shalt  }
0x5b: {  	_ =	shalt  }
0x5c: {  	_ =	shalt  }
0x5d: {  	_ =	shalt  }
0x5e: {  	_ =	shalt  }
0x5f: {  	_ =	shalt  }
0x60: {  	_ =	shalt  }
0x61: {  	_ =	shalt  }
0x62: {  	_ =	shalt  }
0x63: {  	_ =	shalt  }
0x64: {  	_ =	shalt  }
0x65: {  	_ =	shalt  }
0x66: {  	_ =	shalt  }
0x67: {  	_ =	shalt  }
0x68: {  	_ =	shalt  }
0x69: {  	_ =	shalt  }
0x6a: {  	_ =	shalt  }
0x6b: {  	_ =	shalt  }
0x6c: {  	_ =	shalt  }
0x6d: {  	_ =	shalt  }
0x6e: {  	_ =	shalt  }
0x6f: {  	_ =	shalt  }
0x70: {  	_ =	shalt  }
0x71: {  	_ =	shalt  }
0x72: {  	_ =	shalt  }
0x73: {  	_ =	shalt  }
0x74: {  	_ =	shalt  }
0x75: {  	_ =	shalt  }
0x76: {  	_ =	shalt  }
0x77: {  	_ =	shalt  }
0x78: {  	_ =	shalt  }
0x79: {  	_ =	shalt  }
0x7a: {  	_ =	shalt  }
0x7b: {  	_ =	shalt  }
0x7c: {  	_ =	shalt  }
0x7d: {  	_ =	shalt  }
0x7e: {  	_ =	shalt  }
0x7f: {  	_ =	shalt  }
0x80: {  	_ =	shalt  }
0x81: {  	_ =	shalt  }
0x82: {  	_ =	shalt  }
0x83: {  	_ =	shalt  }
0x84: {  	_ =	shalt  }
0x85: {  	_ =	shalt  }
0x86: {  	_ =	shalt  }
0x87: {  	_ =	shalt  }
.Lfunc_end0:
.L_simem_size_0:
called_computation.1_lowered:
.L_overlay_start_0:
0x88: {  	s2 =	sld [smem:$0x3FD9]  }
0x89: {  	s3 =	sld [smem:$0x3FFE];
	_ =	sdelay $0x1  }
0x8a: {  	s1 =	srdreg.scid  }
0x8b: {  	s0 =	sand.u32 $0x1, s1  }
0x8c: {  	s16 =	sshll.u32 s0, $0xA;
	s2 =	sadd.s32 s3, s2  }
0x8d: {  	s2 =	sadd.s32 s2, s16  }
0x8e: {  	[smem:$0x3FC0] =	sst s2  }
0x8f: {  	_ = 	snop  }
0x90: {  	(tm) =	ssettm $0x1  }
0x91: {  	s17 =	sld [smem:$0x3FFB];
	_ =	sdelay $0x3  }
0x92: {  	_ =	strace s17  }
0x93: {  	s2 =	sld [smem:$0x3FFC];
	_ =	sdelay $0x3  }
0x94: {  	_ =	strace s2  }
0x95: {  	s2 =	sld [smem:$0x3FFD];
	_ =	sdelay $0x3  }
0x96: {  	_ =	strace s2  }
0x97: {  	_ =	strace $0x8FFFFFFF  }
0x98: {  	s18 =	sld [smem:$0x3FDB];
	_ =	sdelay $0x1  }
0x99: {  	s19 =	simm.s32 $_scs_section_size  }
0x9a: {  	s4 =	simm.s32 $_size__tile_overlayer_lowered;
	s5 =	simm.s32 $_tile_overlayer_lowered  }
0x9b: {  	s22 =	simm.s32 $0x1BFF;
	s21 =	sshll.u32 s5, $0x1;
	s2 =	sadd.s32 s19, s18  }
0x9c: {  	s6 =	simm.s32 $0x0;
	s20 =	sshll.u32 s4, $0x1;
	s4 =	sadd.s32 s21, s2  }
0x9d: {  	[timem:s6], [sflag:s22] =	dma.local [hbm:s4], s20  }
0x9e: {  	_ =	swait.ge [sflag:s22], s20  }
0x9f: {  	s3 =	ssub.s32 $0x0, s20;
	[sflag:s22] =	ssyncset.done $0x0  }
0xa0: {  	[sflag:s22] =	ssyncadd.s32 s3;
	_ =	sdelay $0x1  }
0xa1: {  	s23 =	simm.s32 $0x1B8B  }
0xa2: {  	_ =	swait.ge [sflag:s23], $0x1  }
0xa3: {  	[sflag:s23] =	ssyncset.done $0x0  }
0xa4: {  	s25 =	simm.s32 $0x1B8E;
	s24 =	sld [smem:$0x3FFE];
	[sflag:s23] =	ssyncadd.s32 $0xFFFFFFFF  }
0xa5: {  	s26 =	simm.s32 $execute0_lowered;
	[smem:$0x3FD2] =	sst s25  }
0xa6: {  	s4 =	sshll.u32 s26, $0x1;
	_ =	strace $0x80000049;
	[dreg:$0x1] =	wrdreg $0xFFFFFFFF  }
0xa7: {  	s28 =	simm.s32 $_size_execute0_lowered;
	s2 =	sadd.s32 s2, s4;
	[dreg:$0x0] =	wrdreg $0x0  }
0xa8: {  	s4 =	sshll.u32 s28, $0x1;
	[dreg:$0x2] =	wrdreg s2  }
0xa9: {  	[dreg:$0x3] =	wrdreg s4  }
0xaa: {  	[dreg:$0x4] =	wrdreg $0xC0  }
0xab: {  	_ =	task [dreg:s6], $0x5FFFF  }
0xac: {  	[dreg:$0x1] =	wrdreg $0xFFFFFFFF  }
0xad: {  	[dreg:$0x0] =	wrdreg $0x60  }
0xae: {  	[dreg:$0x2] =	wrdreg s24  }
0xaf: {  	[dreg:$0x3] =	wrdreg $0x82000  }
0xb0: {  	[dreg:$0x4] =	wrdreg $0x9  }
0xb1: {  	_ =	task.clear_ibuf [dreg:s6], $0x5FFFF;
	_ =	strace $0x90000049  }
0xb2: {  	s29 =	simm.s32 $0x9;
	_ =	strace $0x8000004B  }
0xb3: {  	_ =	swait.ge [sflag:s29], $0x1  }
0xb4: {  	[sflag:s29] =	ssyncadd.s32 $0xFFFFFFFF  }
0xb5: {  	_ =	strace $0x9000004B  }
0xb6: {  	_ =	sfence  }
0xb7: {  	s30 =	sld [smem:$0x0];
	_ =	sdelay $0x2  }
0xb8: {  	s31 =	sshll.u32 s1, $0xD;
	s1 =	sshrl.u32 s1, $0x2  }
0xb9: {  	s3 =	sand.u32 $0x4000, s31;
	s1 =	sadd.s32 s1, s30  }
0xba: {  	s0 =	sor.u32 s3, s0;
	s1 =	sshll.u32 s1, $0x11  }
0xbb: {  	s0 =	sor.u32 s1, s0  }
0xbc: {  	s0 =	sadd.s32 $0x8F2B, s0  }
0xbd: {  	[sflag:s0] =	ssyncadd.remote.s32 $0x1  }
0xbe: {  	_ =	sfence.sel $0xFFFF  }
0xbf: {  	[dreg:$0x0] =	wrdreg $0xFFFFFFFF;
	(pc) =	sbr.abs _section_cstart, $3  }
0xc0: {  	[dreg:$0x1] =	wrdreg $0xFFFFFFFF  }
0xc1: {  	_ =	task.clear_ibuf [dreg:s6], $0x2FFFF;
	_ =	strace $0x9FFFFFFF  }
0xc2: {  	(tm) =	ssettm $0x7FFFFFFF  }
0xc3: {  	_ =	shalt  }
tec
execute0_lowered:
.L_overlay_start_1:
0x0: {  	(tag) =	ssettag $0x1  }
0x1: {  	s0 =	rddreg [dreg:$0x0]  }
0x2: {  	s1 =	rddreg [dreg:$0x1];
	s3 =	simm.s32 $0x0;
	s2 =	srdreg.scid  }
0x3: {  	s11 =	stileid.u32;
	s17 =	simm.s32 $0x200;
	s18 =	simm.s32 $0x5  }
0x4: {  	s19 =	simm.s32 $0x80;
	s20 =	simm.s32 $0x100;
	s5 =	smul.u32 $0x14000, s11  }
0x5: {  	s21 =	simm.s32 $0x180;
	s28 =	simm.s32 $0x0;
	s6 =	smul.u32 $0x26, s11  }
0x6: {  	[smem:$0x7FF] =	sst s3;
	s2 =	sand.u32 $0x1, s2;
	s8 =	smul.u32 $0x7A, s11  }
0x7: {  	s9 =	sadd.s32 $0xE600, s0;
	s10 =	sadd.s32 $0x3C00, s0;
	s24 =	smul.u32 $0x50000, s11  }
0x8: {  	s4 =	sadd.s32 $0x18600, s0;
	s22 =	smul.u32 $0x140000, s2;
	s23 =	ssub.s32 $0x2, s2  }
0x9: {  	_ =	strace $0x8000004A;
	p0 =	seq.s32 s2, $0x0;
	s7 =	sshrl.u32 s23, $0x1  }
0xa: {  	s2 =	sadd.s32 $0x7A0, s6;
	s6 =	sshrl.u32 s24, $0x2;
	s24 =	simm.s32 $0x4200  }
0xb: {  	s3 =	sadd.s32 s5, s22;
	s25 =	ssub.s32 s23, s7;
	s2 =	smov.u32 @p0 s8  }
0xc: {  	s5 =	simm.s32 $0x7A;
	s6 =	sadd.s32 s6, s1;
	s22 =	simm.s32 $0x1  }
0xd: {  	s23 =	simm.s32 $0x2;
	s3 =	sshrl.u32 s3, $0x3;
	s2 =	sshll.u32 s2, $0x4  }
0xe: {  	s5 =	simm.s32 @!p0 $0x26;
	s12 =	smax.u32 s25, $0x1;
	s13 =	sadd.s32 $0x4000, s6  }
0xf: {  	s14 =	sadd.s32 $0x8000, s6;
	s15 =	sadd.s32 $0xC000, s6;
	s26 =	sor.u32 $0x10, s2  }
0x10: {  	s16 =	sadd.s32 $0x10000, s6;
	s25 =	simm.s32 $0x3;
	s29 =	sadd.s32 s9, s26  }
0x11: {  	s0 =	sadd.s32 s3, s0;
	s30 =	sadd.s32 s10, s26;
	[dreg:$0x4] =	wrdreg s29  }
0x12: {  	s31 =	sshll.u32 s5, $0x4;
	s0 =	sadd.s32 $0x8DC00, s0;
	[dreg:$0x5] =	wrdreg s30  }
0x13: {  	s7 =	sadd.s32 s9, s2;
	[dreg:$0x6] =	wrdreg s0;
	s0 =	sadd.s32 $0xFFFFFFE0, s31  }
0x14: {  	v0 =	vimm.f32 $0.0e+00;
	s8 =	sadd.s32 s10, s2;
	s26 =	simm.s32 $0x4;
	[dreg:$0x3] =	wrdreg s0  }
.LBB2_1:
0x15: {  	s2 =	simm.s32 $0x0  }
0x16: {  	s0 =	sand.u32 $0xFE00, s2  }
0x17: {  	s2 =	sand.u32 $0x70, s2;
	s3 =	sshrl.u32 s0, $0x2  }
0x18: {  	s0 =	simm.s32 $0x40;
	s3 =	sor.u32 s2, s3;
	s2 =	simm.s32 $0x0  }
.LBB2_2:
0x19: {  	p0 =	sne.s32 s0, $0xFFC0  }
0x1a: {  	[tilespmem:s3+$0x200] =	vst v0;
	s2 =	sadd.s32 $0x10, s2;
	s3 =	smov.u32 s0;
	s0 =	sadd.s32 $0x40, s0  }
.Ltmp0:
0x1b: {  	(pc) =	sbr.rel @p0 .LBB2_2-.Ltmp0, $4  }
0x1c: {  	_ = 	snop  }
0x1d: {  	s3 =	sand.u32 $0xFE00, s3  }
0x1e: {  	s9 =	sand.u32 $0x70, s2;
	s3 =	sshrl.u32 s3, $0x2  }
0x1f: {  	s3 =	sor.u32 s9, s3  }
0x20: {  	[tilespmem:s3+$0x200] =	vst v0  }
0x21: {  	[spmem:s6] =	stream.linear.scatter [tilespmem:s17], [sflag:$0x5], $0x4000, $0x38;
	[tilespmem:$0x1C200] =	vst v63  }
0x22: {  	_ =	swait.ge [sflag:s18], $0x4000  }
0x23: {  	[sflag:s18] =	ssyncset.done $0x0  }
0x24: {  	[sflag:s18] =	ssyncadd.s32 $0xFFFFC000  }
0x25: {  	[spmem:s13] =	stream.linear.scatter [tilespmem:s17], [sflag:$0x5], $0x4000, $0x38;
	[tilespmem:$0x1C200] =	vst v63  }
0x26: {  	_ =	swait.ge [sflag:s18], $0x4000  }
0x27: {  	[sflag:s18] =	ssyncset.done $0x0  }
0x28: {  	[sflag:s18] =	ssyncadd.s32 $0xFFFFC000  }
0x29: {  	[spmem:s14] =	stream.linear.scatter [tilespmem:s17], [sflag:$0x5], $0x4000, $0x38;
	[tilespmem:$0x1C200] =	vst v63  }
0x2a: {  	_ =	swait.ge [sflag:s18], $0x4000  }
0x2b: {  	[sflag:s18] =	ssyncset.done $0x0  }
0x2c: {  	[sflag:s18] =	ssyncadd.s32 $0xFFFFC000  }
0x2d: {  	[spmem:s15] =	stream.linear.scatter [tilespmem:s17], [sflag:$0x5], $0x4000, $0x38;
	[tilespmem:$0x1C200] =	vst v63  }
0x2e: {  	_ =	swait.ge [sflag:s18], $0x4000  }
0x2f: {  	[sflag:s18] =	ssyncset.done $0x0  }
0x30: {  	[sflag:s18] =	ssyncadd.s32 $0xFFFFC000  }
0x31: {  	[spmem:s16] =	stream.linear.scatter [tilespmem:s17], [sflag:$0x5], $0x4000, $0x38;
	[tilespmem:$0x1C200] =	vst v63  }
0x32: {  	_ =	swait.ge [sflag:s18], $0x4000  }
0x33: {  	[sflag:s18] =	ssyncset.done $0x0  }
0x34: {  	s0 =	simm.s32 $0x0;
	[sflag:s18] =	ssyncadd.s32 $0xFFFFC000  }
0x35: {  	[tilespmem:s0], [sflag:$0x1] =	stream.linear.gather [hbm4b:s7+s0], $0x80, $0x38;
	[tilespmem:$0x1C200] =	vst v63  }
0x36: {  	_ = 	snop  }
0x37: {  	[tilespmem:s19], [sflag:$0x1] =	stream.linear.gather [hbm4b:s8+s0], $0x80, $0x38;
	[tilespmem:$0x1C200] =	vst v63  }
0x38: {  	s2 =	rddreg [dreg:$0x4]  }
0x39: {  	[tilespmem:s20], [sflag:$0x2] =	stream.linear.gather [hbm4b:s2+s0], $0x80, $0x38;
	[tilespmem:$0x1C200] =	vst v63  }
0x3a: {  	s11 =	rddreg [dreg:$0x5]  }
0x3b: {  	[tilespmem:s21], [sflag:$0x2] =	stream.linear.gather [hbm4b:s11+s0], $0x80, $0x38;
	[tilespmem:$0x1C200] =	vst v63  }
0x3c: {  	[bflag:$0x0] =	sbarrier.arrive $0xFFFF  }
0x3d: {  	_ =	swait.ge [sflag:s22], $0x80  }
0x3e: {  	[sflag:s22] =	ssyncset.done $0x0  }
0x3f: {  	[sflag:s22] =	ssyncadd.s32 $0xFFFFFF80  }
0x40: {  	_ =	swait.ge [sflag:s22], $0x80  }
0x41: {  	[sflag:s22] =	ssyncset.done $0x0  }
0x42: {  	[sflag:s22] =	ssyncadd.s32 $0xFFFFFF80  }
0x43: {  	[tilespmem:s17], [sflag:$0x3] =	stream.indirect.gather [hbm4b:s4+s19], $0x80, s0, s19, $0xb8;
	[tilespmem:$0x1C200] =	vst v63  }
0x44: {  	_ =	swait.ge [sflag:s23], $0x80  }
0x45: {  	[sflag:s23] =	ssyncset.done $0x0  }
0x46: {  	[sflag:s23] =	ssyncadd.s32 $0xFFFFFF80  }
0x47: {  	_ =	swait.ge [sflag:s23], $0x80  }
0x48: {  	[sflag:s23] =	ssyncset.done $0x0  }
0x49: {  	[sflag:s23] =	ssyncadd.s32 $0xFFFFFF80  }
0x4a: {  	[tilespmem:s24], [sflag:$0x4] =	stream.indirect.gather [hbm4b:s4+s19], $0x80, s20, s19, $0xb8;
	[tilespmem:$0x1C200] =	vst v63  }
0x4b: {  	_ =	swait.ge [sflag:s25], $0x4000  }
0x4c: {  	[sflag:s25] =	ssyncset.done $0x0  }
0x4d: {  	[sflag:s25] =	ssyncadd.s32 $0xFFFFC000  }
0x4e: {  	[spmem:s1] =	stream.indirect.scatter.add.f32 [tilespmem:s17], [sflag:$0x5], $0x80, s19, s19, $0xb8;
	[tilespmem:$0x1C200] =	vst v63  }
0x4f: {  	p0 =	sle.u32 s5, $0x2;
	_ =	swait.ge [sflag:s18], $0x4000  }
0x50: {  	s3 =	simm.s32 @!p0 $0x0;
	s0 =	sadd.s32 @!p0 $0x0, s7;
	[sflag:s18] =	ssyncset.done $0x0  }
0x51: {  	s2 =	sadd.s32 @!p0 $0x0, s8;
	s0 =	sadd.s32 @!p0 $0x20, s0;
	[sflag:s18] =	ssyncadd.s32 $0xFFFFC000  }
0x52: {  	[tilespmem:s3], [sflag:$0x1] =	stream.linear.gather @!p0 [hbm4b:s0+s3], $0x80, $0x38;
	[tilespmem:$0x1C200] =	vst v63  }
0x53: {  	s9 =	simm.s32 @!p0 $0x1;
	s0 =	sadd.s32 @!p0 $0x20, s2;
	s2 =	simm.s32 @!p0 $0x80  }
0x54: {  	[tilespmem:s2], [sflag:$0x1] =	stream.linear.gather @!p0 [hbm4b:s0+s3], $0x80, $0x38;
	[tilespmem:$0x1C200] =	vst v63  }
0x55: {  	_ =	swait.ge @!p0 [sflag:s9], $0x80  }
0x56: {  	[sflag:s9] =	ssyncset.done @!p0 $0x0  }
0x57: {  	[sflag:s9] =	ssyncadd.s32 @!p0 $0xFFFFFF80  }
0x58: {  	_ =	swait.ge @!p0 [sflag:s9], $0x80  }
0x59: {  	[sflag:s9] =	ssyncset.done @!p0 $0x0  }
0x5a: {  	s0 =	simm.s32 @!p0 $0x200;
	[sflag:s9] =	ssyncadd.s32 @!p0 $0xFFFFFF80  }
0x5b: {  	[tilespmem:s0], [sflag:$0x3] =	stream.indirect.gather @!p0 [hbm4b:s4+s2], $0x80, s3, s2, $0xb8;
	[tilespmem:$0x1C200] =	vst v63  }
0x5c: {  	_ =	swait.ge [sflag:s26], $0x4000  }
0x5d: {  	[sflag:s26] =	ssyncset.done $0x0  }
0x5e: {  	[sflag:s26] =	ssyncadd.s32 $0xFFFFC000  }
0x5f: {  	[spmem:s1] =	stream.indirect.scatter.add.f32 [tilespmem:s24], [sflag:$0x5], $0x80, s21, s19, $0xb8;
	[tilespmem:$0x1C200] =	vst v63  }
0x60: {  	_ =	swait.ge [sflag:s18], $0x4000  }
0x61: {  	s31 =	rddreg [dreg:$0x3]  }
0x62: {  	p1 =	sne.s32 s31, $0x20  }
.Ltmp1:
0x63: {  	_ = 	snop;
	(pc) =	sbr.rel @!p1 .LBB2_5-.Ltmp1, $4  }
0x64: {  	s29 =	simm.s32 $0x20;
	s30 =	simm.s32 $0x5;
	p0 =	sle.u32 s5, $0x3  }
0x65: {  	s0 =	simm.s32 @!p0 $0x0;
	s9 =	sadd.s32 @!p0 $0x0, s7;
	s2 =	simm.s32 @!p0 $0x100  }
0x66: {  	s10 =	sadd.s32 @!p0 $0x0, s8;
	s3 =	simm.s32 @!p0 $0x180;
	[sflag:s18] =	ssyncset.done $0x0  }
0x67: {  	s9 =	sadd.s32 @!p0 $0x30, s9;
	s10 =	sadd.s32 @!p0 $0x30, s10;
	[sflag:s18] =	ssyncadd.s32 $0xFFFFC000  }
.LBB2_4:
0x68: {  	[tilespmem:s2], [sflag:$0x2] =	stream.linear.gather @!p0 [hbm4b:s9+s0], $0x80, $0x38;
	[tilespmem:$0x1C200] =	vst v63  }
0x69: {  	_ = 	snop  }
0x6a: {  	[tilespmem:s3], [sflag:$0x2] =	stream.linear.gather @!p0 [hbm4b:s10+s0], $0x80, $0x38;
	[tilespmem:$0x1C200] =	vst v63  }
0x6b: {  	_ =	swait.ge [sflag:s23], $0x80  }
0x6c: {  	[sflag:s23] =	ssyncset.done $0x0  }
0x6d: {  	[sflag:s23] =	ssyncadd.s32 $0xFFFFFF80  }
0x6e: {  	_ =	swait.ge [sflag:s23], $0x80  }
0x6f: {  	[sflag:s23] =	ssyncset.done $0x0  }
0x70: {  	[sflag:s23] =	ssyncadd.s32 $0xFFFFFF80  }
0x71: {  	[tilespmem:s24], [sflag:$0x4] =	stream.indirect.gather [hbm4b:s4+s19], $0x80, s20, s19, $0xb8;
	[tilespmem:$0x1C200] =	vst v63  }
0x72: {  	_ =	swait.ge [sflag:s25], $0x4000  }
0x73: {  	[sflag:s25] =	ssyncset.done $0x0  }
0x74: {  	s11 =	sadd.s32 $0xFFFFFFFF, s30;
	[sflag:s25] =	ssyncadd.s32 $0xFFFFC000  }
0x75: {  	[spmem:s1] =	stream.indirect.scatter.add.f32 [tilespmem:s17], [sflag:$0x5], $0x80, s19, s19, $0xb8;
	[tilespmem:$0x1C200] =	vst v63  }
0x76: {  	s31 =	smov.u32 s29;
	p0 =	sge.u32 s11, s5;
	_ =	swait.ge [sflag:s18], $0x4000  }
0x77: {  	s0 =	sadd.s32 @!p0 s31, s7;
	s2 =	sadd.s32 @!p0 s31, s8;
	[sflag:s18] =	ssyncset.done $0x0  }
0x78: {  	s3 =	simm.s32 @!p0 $0x0;
	s0 =	sadd.s32 @!p0 $0x20, s0;
	[sflag:s18] =	ssyncadd.s32 $0xFFFFC000  }
0x79: {  	[tilespmem:s3], [sflag:$0x1] =	stream.linear.gather @!p0 [hbm4b:s0+s3], $0x80, $0x38;
	[tilespmem:$0x1C200] =	vst v63  }
0x7a: {  	s9 =	simm.s32 @!p0 $0x1;
	s0 =	sadd.s32 @!p0 $0x20, s2;
	s2 =	simm.s32 @!p0 $0x80  }
0x7b: {  	[tilespmem:s2], [sflag:$0x1] =	stream.linear.gather @!p0 [hbm4b:s0+s3], $0x80, $0x38;
	[tilespmem:$0x1C200] =	vst v63  }
0x7c: {  	_ =	swait.ge @!p0 [sflag:s9], $0x80  }
0x7d: {  	[sflag:s9] =	ssyncset.done @!p0 $0x0  }
0x7e: {  	[sflag:s9] =	ssyncadd.s32 @!p0 $0xFFFFFF80  }
0x7f: {  	_ =	swait.ge @!p0 [sflag:s9], $0x80  }
0x80: {  	[sflag:s9] =	ssyncset.done @!p0 $0x0  }
0x81: {  	s0 =	simm.s32 @!p0 $0x200;
	[sflag:s9] =	ssyncadd.s32 @!p0 $0xFFFFFF80  }
0x82: {  	[tilespmem:s0], [sflag:$0x3] =	stream.indirect.gather @!p0 [hbm4b:s4+s2], $0x80, s3, s2, $0xb8;
	[tilespmem:$0x1C200] =	vst v63  }
0x83: {  	_ =	swait.ge [sflag:s26], $0x4000  }
0x84: {  	[sflag:s26] =	ssyncset.done $0x0  }
0x85: {  	[sflag:s26] =	ssyncadd.s32 $0xFFFFC000  }
0x86: {  	[spmem:s1] =	stream.indirect.scatter.add.f32 [tilespmem:s24], [sflag:$0x5], $0x80, s21, s19, $0xb8;
	[tilespmem:$0x1C200] =	vst v63  }
0x87: {  	_ =	swait.ge [sflag:s18], $0x4000  }
0x88: {  	s29 =	sadd.s32 $0x20, s29;
	s11 =	rddreg [dreg:$0x3]  }
0x89: {  	p1 =	sne.s32 s11, s29  }
.Ltmp2:
0x8a: {  	_ = 	snop;
	(pc) =	sbr.rel @p1 .LBB2_4-.Ltmp2, $4  }
0x8b: {  	p0 =	sge.u32 s30, s5;
	s30 =	sadd.s32 $0x2, s30  }
0x8c: {  	s0 =	simm.s32 @!p0 $0x0;
	s3 =	sadd.s32 @!p0 s31, s7;
	s2 =	simm.s32 @!p0 $0x100  }
0x8d: {  	s10 =	sadd.s32 @!p0 s31, s8;
	s9 =	sadd.s32 @!p0 $0x30, s3;
	[sflag:s18] =	ssyncset.done $0x0  }
0x8e: {  	s3 =	simm.s32 @!p0 $0x180;
	s10 =	sadd.s32 @!p0 $0x30, s10;
	[sflag:s18] =	ssyncadd.s32 $0xFFFFC000  }
.LBB2_5:
0x8f: {  	[tilespmem:s2], [sflag:$0x2] =	stream.linear.gather @!p0 [hbm4b:s9+s0], $0x80, $0x38;
	[tilespmem:$0x1C200] =	vst v63  }
0x90: {  	_ = 	snop  }
0x91: {  	[tilespmem:s3], [sflag:$0x2] =	stream.linear.gather @!p0 [hbm4b:s10+s0], $0x80, $0x38;
	[tilespmem:$0x1C200] =	vst v63  }
0x92: {  	_ =	swait.ge [sflag:s23], $0x80  }
0x93: {  	[sflag:s23] =	ssyncset.done $0x0  }
0x94: {  	[sflag:s23] =	ssyncadd.s32 $0xFFFFFF80  }
0x95: {  	_ =	swait.ge [sflag:s23], $0x80  }
0x96: {  	[sflag:s23] =	ssyncset.done $0x0  }
0x97: {  	[sflag:s23] =	ssyncadd.s32 $0xFFFFFF80  }
0x98: {  	[tilespmem:s24], [sflag:$0x4] =	stream.indirect.gather [hbm4b:s4+s19], $0x80, s20, s19, $0xb8;
	[tilespmem:$0x1C200] =	vst v63  }
0x99: {  	_ =	swait.ge [sflag:s25], $0x4000  }
0x9a: {  	[sflag:s25] =	ssyncset.done $0x0  }
0x9b: {  	s11 =	sadd.s32 $0xFFFFFFFF, s30;
	[sflag:s25] =	ssyncadd.s32 $0xFFFFC000  }
0x9c: {  	[spmem:s1] =	stream.indirect.scatter.add.f32 [tilespmem:s17], [sflag:$0x5], $0x80, s19, s19, $0xb8;
	[tilespmem:$0x1C200] =	vst v63  }
0x9d: {  	p0 =	sge.u32 s11, s5;
	_ =	swait.ge [sflag:s18], $0x4000  }
0x9e: {  	s0 =	sadd.s32 @!p0 s29, s7;
	[sflag:s18] =	ssyncset.done $0x0  }
0x9f: {  	s2 =	simm.s32 @!p0 $0x0;
	s0 =	sadd.s32 @!p0 $0x20, s0;
	[sflag:s18] =	ssyncadd.s32 $0xFFFFC000  }
0xa0: {  	[tilespmem:s2], [sflag:$0x1] =	stream.linear.gather @!p0 [hbm4b:s0+s2], $0x80, $0x38;
	[tilespmem:$0x1C200] =	vst v63  }
0xa1: {  	s0 =	sadd.s32 @!p0 s29, s8  }
0xa2: {  	s3 =	simm.s32 @!p0 $0x80;
	s0 =	sadd.s32 @!p0 $0x20, s0  }
0xa3: {  	[tilespmem:s3], [sflag:$0x1] =	stream.linear.gather @!p0 [hbm4b:s0+s2], $0x80, $0x38;
	[tilespmem:$0x1C200] =	vst v63  }
0xa4: {  	s0 =	simm.s32 @!p0 $0x1  }
0xa5: {  	_ =	swait.ge @!p0 [sflag:s0], $0x80  }
0xa6: {  	[sflag:s0] =	ssyncset.done @!p0 $0x0  }
0xa7: {  	[sflag:s0] =	ssyncadd.s32 @!p0 $0xFFFFFF80  }
0xa8: {  	_ =	swait.ge @!p0 [sflag:s0], $0x80  }
0xa9: {  	[sflag:s0] =	ssyncset.done @!p0 $0x0  }
0xaa: {  	[sflag:s0] =	ssyncadd.s32 @!p0 $0xFFFFFF80;
	s0 =	simm.s32 @!p0 $0x200  }
0xab: {  	[tilespmem:s0], [sflag:$0x3] =	stream.indirect.gather @!p0 [hbm4b:s4+s3], $0x80, s2, s3, $0xb8;
	[tilespmem:$0x1C200] =	vst v63  }
0xac: {  	_ =	swait.ge [sflag:s26], $0x4000  }
0xad: {  	[sflag:s26] =	ssyncset.done $0x0  }
0xae: {  	[sflag:s26] =	ssyncadd.s32 $0xFFFFC000  }
0xaf: {  	[spmem:s1] =	stream.indirect.scatter.add.f32 [tilespmem:s24], [sflag:$0x5], $0x80, s21, s19, $0xb8;
	[tilespmem:$0x1C200] =	vst v63  }
0xb0: {  	p0 =	sge.u32 s30, s5;
	_ =	swait.ge [sflag:s18], $0x4000  }
0xb1: {  	s0 =	sadd.s32 @!p0 s29, s7;
	s2 =	simm.s32 @!p0 $0x0;
	[sflag:s18] =	ssyncset.done $0x0  }
0xb2: {  	s3 =	simm.s32 @!p0 $0x100;
	s0 =	sadd.s32 @!p0 $0x30, s0;
	[sflag:s18] =	ssyncadd.s32 $0xFFFFC000  }
0xb3: {  	[tilespmem:s3], [sflag:$0x2] =	stream.linear.gather @!p0 [hbm4b:s0+s2], $0x80, $0x38;
	[tilespmem:$0x1C200] =	vst v63  }
0xb4: {  	s28 =	sadd.s32 $0x1, s28;
	s30 =	sshrl.u32 s6, $0x3;
	s0 =	sadd.s32 @!p0 s29, s8  }
0xb5: {  	s3 =	simm.s32 @!p0 $0x180;
	s29 =	stileid.u32;
	s0 =	sadd.s32 @!p0 $0x30, s0  }
0xb6: {  	[tilespmem:s3], [sflag:$0x2] =	stream.linear.gather @!p0 [hbm4b:s0+s2], $0x80, $0x38;
	[tilespmem:$0x1C200] =	vst v63  }
0xb7: {  	s0 =	sshll.u32 s29, $0x6;
	p0 =	sne.s32 s28, s12;
	[bflag:$0x0] =	sbarrier.arrive $0xFFFF  }
.Ltmp3:
0xb8: {  	s0 =	sor.u32 $0x1C05, s0;
	s31 =	rddreg [dreg:$0x6];
	(pc) =	sbr.rel @p0 .LBB2_1-.Ltmp3, $4  }
0xb9: {  	[hbm:s31], [sflag:s0] =	dma.local [spmem:s30], $0x2800  }
0xba: {  	_ =	swait.ge [sflag:s18], $0x2800  }
0xbb: {  	[sflag:s18] =	ssyncset.done $0x0  }
0xbc: {  	[sflag:s18] =	ssyncadd.s32 $0xFFFFD800  }
0xbd: {  	_ =	sfence.sel $0x180000  }
0xbe: {  	[bflag:$0x0] =	sbarrier.arrive $0xFFFF  }
0xbf: {  	_ =	strace $0x9000004A  }
0xc0: {  	s0 =	stileid.u32;
	[bflag:$0x2] =	sbarrier.arrive $0xFFFF  }
0xc1: {  	p0 =	sne.s32 s0, $0x0;
	s0 =	rddreg [dreg:$0x2]  }
0xc2: {  	s0 =	sadd.s32 @!p0 $0x100000, s0  }
0xc3: {  	[sflag:s0] =	ssyncadd.tile.s32 @!p0 $0x1;
	_ =	shalt  }
.Lfunc_end2:
_tile_overlayer_lowered:
.L_overlay_start_2:
0xc4: {  	(tag) =	ssettag $0x2  }
0xc5: {  	s0 =	rddreg [dreg:$0x0];
	s2 =	stileid.u32  }
0xc6: {  	s1 =	rddreg [dreg:$0x1];
	p0 =	sne.s32 s2, $0x0  }
0xc7: {  	s3 =	rddreg [dreg:$0x2];
	[bflag:$0x3] =	sbarrier.arrive $0xFFFF;
	s2 =	simm.s32 @!p0 $0x1C05  }
0xc8: {  	[timem:s3], [sflag:s2] =	dma.local @!p0 [hbm:s0], s1  }
0xc9: {  	s0 =	simm.s32 @!p0 $0x5  }
0xca: {  	_ =	swait.ge @!p0 [sflag:s0], s1  }
0xcb: {  	s1 =	ssub.s32 @!p0 $0x0, s1;
	[sflag:s0] =	ssyncset.done @!p0 $0x0  }
0xcc: {  	[sflag:s0] =	ssyncadd.s32 @!p0 s1  }
0xcd: {  	[bflag:$0x3] =	sbarrier.arrive $0xFFFF  }
0xce: {  	_ =	shalt  }

// kernel: kernel.16.cloned.1.call-start
scs
__scs_entry_jumppad:
0x0: {  	(pc) =	sbr.rel $0x88, $3  }
0x1: {  	(tag) =	ssettag $0x0;
	lr =	simm.s32 $0x1  }
0x2: {  	[smem:$0x3F99] =	sst lr;
	_ =	strace $0xD0000000  }
0x3: {  	_ = 	snop  }
0x4: {  	_ = 	snop  }
0x5: {  	_ = 	snop  }
0x6: {  	_ = 	snop  }
0x7: {  	_ = 	snop  }
__scs_overlays_trampoline_lowered:
0x8: {  	[smem:$0x3FA8] =	sst s0  }
0x9: {  	[smem:$0x3FA9] =	sst s1  }
0xa: {  	[smem:$0x3FAA] =	sst s2  }
0xb: {  	[smem:$0x3FAB] =	sst s3  }
0xc: {  	[smem:$0x3FAC] =	sst s4  }
0xd: {  	[smem:$0x3FAD] =	sst s5  }
0xe: {  	[smem:$0x3FAE] =	sst s6  }
0xf: {  	[smem:$0x3FAF] =	sst s7  }
0x10: {  	[smem:$0x3FB0] =	sst s8  }
0x11: {  	[smem:$0x3FB1] =	sst s9;
	s0 =	simm.s32 @!p0 $0x0  }
0x12: {  	s1 =	sld [smem:$0x3F97];
	s0 =	simm.s32 @p0 $0x1  }
0x13: {  	[smem:$0x3FB2] =	sst s0;
	s0 =	simm.s32 @!p1 $0x0  }
0x14: {  	s2 =	sld [smem:$0x3F96];
	s0 =	simm.s32 @p1 $0x1  }
0x15: {  	[smem:$0x3FB3] =	sst s0;
	s0 =	simm.s32 @!p2 $0x0  }
0x16: {  	s3 =	sld [smem:$0x3FDB];
	s0 =	simm.s32 @p2 $0x1  }
0x17: {  	s4 =	simm.s32 $0x1BF5;
	[smem:$0x3FB5] =	sst s0  }
0x18: {  	s0 =	sld [smem:$0x3F98];
	_ =	swait.ge [sflag:s4], $0x0  }
0x19: {  	s7 =	sld [smem:$0x3F99]  }
0x1a: {  	s8 =	sadd.s32 $0xFFFFE003, lr  }
0x1b: {  	s9 =	sadd.s32 $0xFFFFFEF7, lr;
	s5 =	simm.s32 $0xFFFFFFFF;
	p2 =	slt.u32 s8, $0xFFFFF086  }
0x1c: {  	p1 =	slt.u32 s9, $0xF7A;
	s5 =	simm.s32 @!p2 $0x0  }
0x1d: {  	s5 =	simm.s32 @p1 $0x1;
	p0 =	seq.s32 s7, s2  }
0x1e: {  	s7 =	smul.u32 @!p0 $0xF7A, s2;
	p2 =	seq.s32 @!p0 s5, $0x0  }
0x1f: {  	s9 =	smul.u32 $0xF7A, s1;
	s8 =	simm.s32 @!p0 $0x1BF5;
	p2 =	por !p2, p0  }
0x20: {  	[sflag:s8] =	ssyncset.s32 @!p0 $0xFFFFF086;
	s6 =	sadd.s32 @!p0 s3, s7;
	s7 =	simm.s32 @!p0 $0x108  }
0x21: {  	s3 =	sadd.s32 s3, s9;
	s6 =	sadd.s32 @!p0 $0x88, s6;
	s7 =	simm.s32 @p2 $0x1082  }
0x22: {  	[simem:s7], [sflag:s8] =	dma.local @!p0 [hbm:s6], $0xF7A  }
0x23: {  	s9 =	sor.u32 $0xD0000000, s2;
	s6 =	simm.s32 $0x108;
	_ =	swait.ge @!p0 [sflag:s8], $0x0  }
0x24: {  	s3 =	sadd.s32 $0x88, s3;
	s6 =	simm.s32 @!p1 $0x1082;
	[sflag:s4] =	ssyncset.s32 $0xFFFFF086  }
0x25: {  	[simem:s6], [sflag:s4] =	dma.local [hbm:s3], $0xF7A  }
0x26: {  	[smem:$0x3F99] =	sst s1;
	(tag) =	ssettag s2;
	_ =	strace s9  }
0x27: {  	s1 =	sld [smem:$0x3FA9]  }
0x28: {  	s2 =	sld [smem:$0x3FAA]  }
0x29: {  	s4 =	sld [smem:$0x3FAC]  }
0x2a: {  	p0 =	seq.s32 s5, $0x0;
	s5 =	sld [smem:$0x3FAD]  }
0x2b: {  	s6 =	sld [smem:$0x3FAE]  }
0x2c: {  	s7 =	sld [smem:$0x3FAF]  }
0x2d: {  	s3 =	simm.s32 $0x108;
	s8 =	sld [smem:$0x3FB0]  }
0x2e: {  	s3 =	simm.s32 @!p0 $0x1082;
	s9 =	sld [smem:$0x3FB1]  }
0x2f: {  	lr =	sadd.s32 s0, s3;
	s0 =	sld [smem:$0x3FA8]  }
0x30: {  	s3 =	sld [smem:$0x3FAB]  }
0x31: {  	[smem:$0x3FB4] =	sst s10  }
0x32: {  	s10 =	sld [smem:$0x3FB2];
	_ =	sdelay $0x3  }
0x33: {  	p0 =	seq.s32 s10, $0x1;
	s10 =	sld [smem:$0x3FB4];
	_ =	sdelay $0x3  }
0x34: {  	[smem:$0x3FB4] =	sst s10  }
0x35: {  	s10 =	sld [smem:$0x3FB3];
	_ =	sdelay $0x3  }
0x36: {  	p1 =	seq.s32 s10, $0x1;
	s10 =	sld [smem:$0x3FB4];
	_ =	sdelay $0x3  }
0x37: {  	[smem:$0x3FB4] =	sst s10  }
0x38: {  	s10 =	sld [smem:$0x3FB5]  }
0x39: {  	_ = 	snop;
	(pc) =	sbr.ind lr, $3  }
0x3a: {  	_ = 	snop  }
0x3b: {  	_ = 	snop  }
0x3c: {  	p2 =	seq.s32 s10, $0x1;
	s10 =	sld [smem:$0x3FB4]  }
0x3d: {  	_ =	shalt  }
0x3e: {  	_ =	shalt  }
0x3f: {  	_ =	shalt  }
0x40: {  	_ =	shalt  }
0x41: {  	_ =	shalt  }
0x42: {  	_ =	shalt  }
0x43: {  	_ =	shalt  }
0x44: {  	_ =	shalt  }
0x45: {  	_ =	shalt  }
0x46: {  	_ =	shalt  }
0x47: {  	_ =	shalt  }
0x48: {  	_ =	shalt  }
0x49: {  	_ =	shalt  }
0x4a: {  	_ =	shalt  }
0x4b: {  	_ =	shalt  }
0x4c: {  	_ =	shalt  }
0x4d: {  	_ =	shalt  }
0x4e: {  	_ =	shalt  }
0x4f: {  	_ =	shalt  }
0x50: {  	_ =	shalt  }
0x51: {  	_ =	shalt  }
0x52: {  	_ =	shalt  }
0x53: {  	_ =	shalt  }
0x54: {  	_ =	shalt  }
0x55: {  	_ =	shalt  }
0x56: {  	_ =	shalt  }
0x57: {  	_ =	shalt  }
0x58: {  	_ =	shalt  }
0x59: {  	_ =	shalt  }
0x5a: {  	_ =	shalt  }
0x5b: {  	_ =	shalt  }
0x5c: {  	_ =	shalt  }
0x5d: {  	_ =	shalt  }
0x5e: {  	_ =	shalt  }
0x5f: {  	_ =	shalt  }
0x60: {  	_ =	shalt  }
0x61: {  	_ =	shalt  }
0x62: {  	_ =	shalt  }
0x63: {  	_ =	shalt  }
0x64: {  	_ =	shalt  }
0x65: {  	_ =	shalt  }
0x66: {  	_ =	shalt  }
0x67: {  	_ =	shalt  }
0x68: {  	_ =	shalt  }
0x69: {  	_ =	shalt  }
0x6a: {  	_ =	shalt  }
0x6b: {  	_ =	shalt  }
0x6c: {  	_ =	shalt  }
0x6d: {  	_ =	shalt  }
0x6e: {  	_ =	shalt  }
0x6f: {  	_ =	shalt  }
0x70: {  	_ =	shalt  }
0x71: {  	_ =	shalt  }
0x72: {  	_ =	shalt  }
0x73: {  	_ =	shalt  }
0x74: {  	_ =	shalt  }
0x75: {  	_ =	shalt  }
0x76: {  	_ =	shalt  }
0x77: {  	_ =	shalt  }
0x78: {  	_ =	shalt  }
0x79: {  	_ =	shalt  }
0x7a: {  	_ =	shalt  }
0x7b: {  	_ =	shalt  }
0x7c: {  	_ =	shalt  }
0x7d: {  	_ =	shalt  }
0x7e: {  	_ =	shalt  }
0x7f: {  	_ =	shalt  }
0x80: {  	_ =	shalt  }
0x81: {  	_ =	shalt  }
0x82: {  	_ =	shalt  }
0x83: {  	_ =	shalt  }
0x84: {  	_ =	shalt  }
0x85: {  	_ =	shalt  }
0x86: {  	_ =	shalt  }
0x87: {  	_ =	shalt  }
.Lfunc_end0:
.L_simem_size_0:
called_computation.2_lowered:
.L_overlay_start_0:
0x88: {  	s2 =	sld [smem:$0x3FD9]  }
0x89: {  	s3 =	sld [smem:$0x3FFE];
	_ =	sdelay $0x1  }
0x8a: {  	s1 =	srdreg.scid  }
0x8b: {  	s0 =	sand.u32 $0x1, s1  }
0x8c: {  	s16 =	sshll.u32 s0, $0xA;
	s2 =	sadd.s32 s3, s2  }
0x8d: {  	s2 =	sadd.s32 s2, s16  }
0x8e: {  	[smem:$0x3FC0] =	sst s2  }
0x8f: {  	_ = 	snop  }
0x90: {  	(tm) =	ssettm $0x1  }
0x91: {  	s17 =	sld [smem:$0x3FFB];
	_ =	sdelay $0x3  }
0x92: {  	_ =	strace s17  }
0x93: {  	s2 =	sld [smem:$0x3FFC];
	_ =	sdelay $0x3  }
0x94: {  	_ =	strace s2  }
0x95: {  	s2 =	sld [smem:$0x3FFD];
	_ =	sdelay $0x3  }
0x96: {  	_ =	strace s2  }
0x97: {  	_ =	strace $0x8FFFFFFF  }
0x98: {  	s18 =	sld [smem:$0x3FDB];
	_ =	sdelay $0x1  }
0x99: {  	s19 =	simm.s32 $_scs_section_size  }
0x9a: {  	s4 =	simm.s32 $_size__tile_overlayer_lowered;
	s5 =	simm.s32 $_tile_overlayer_lowered  }
0x9b: {  	s22 =	simm.s32 $0x1BFF;
	s21 =	sshll.u32 s5, $0x1;
	s2 =	sadd.s32 s19, s18  }
0x9c: {  	s6 =	simm.s32 $0x0;
	s20 =	sshll.u32 s4, $0x1;
	s4 =	sadd.s32 s21, s2  }
0x9d: {  	[timem:s6], [sflag:s22] =	dma.local [hbm:s4], s20  }
0x9e: {  	_ =	swait.ge [sflag:s22], s20  }
0x9f: {  	s3 =	ssub.s32 $0x0, s20;
	[sflag:s22] =	ssyncset.done $0x0  }
0xa0: {  	[sflag:s22] =	ssyncadd.s32 s3;
	_ =	sdelay $0x1  }
0xa1: {  	s23 =	simm.s32 $0x1B8B  }
0xa2: {  	_ =	swait.ge [sflag:s23], $0x1  }
0xa3: {  	[sflag:s23] =	ssyncset.done $0x0  }
0xa4: {  	s25 =	simm.s32 $0x1B8E;
	s24 =	sld [smem:$0x3FFE];
	[sflag:s23] =	ssyncadd.s32 $0xFFFFFFFF  }
0xa5: {  	s26 =	simm.s32 $execute0_lowered;
	[smem:$0x3FD2] =	sst s25  }
0xa6: {  	s4 =	sshll.u32 s26, $0x1;
	_ =	strace $0x8000004C;
	[dreg:$0x1] =	wrdreg $0xFFFFFFFF  }
0xa7: {  	s28 =	simm.s32 $_size_execute0_lowered;
	s2 =	sadd.s32 s2, s4;
	[dreg:$0x0] =	wrdreg $0x0  }
0xa8: {  	s4 =	sshll.u32 s28, $0x1;
	[dreg:$0x2] =	wrdreg s2  }
0xa9: {  	[dreg:$0x3] =	wrdreg s4  }
0xaa: {  	[dreg:$0x4] =	wrdreg $0xC0  }
0xab: {  	_ =	task [dreg:s6], $0x5FFFF  }
0xac: {  	[dreg:$0x1] =	wrdreg $0xFFFFFFFF  }
0xad: {  	[dreg:$0x0] =	wrdreg $0x60  }
0xae: {  	[dreg:$0x2] =	wrdreg s24  }
0xaf: {  	[dreg:$0x3] =	wrdreg $0x82000  }
0xb0: {  	[dreg:$0x4] =	wrdreg $0x9  }
0xb1: {  	_ =	task.clear_ibuf [dreg:s6], $0x5FFFF;
	_ =	strace $0x9000004C  }
0xb2: {  	s29 =	simm.s32 $0x9;
	_ =	strace $0x8000004E  }
0xb3: {  	_ =	swait.ge [sflag:s29], $0x1  }
0xb4: {  	[sflag:s29] =	ssyncadd.s32 $0xFFFFFFFF  }
0xb5: {  	_ =	strace $0x9000004E  }
0xb6: {  	_ =	sfence  }
0xb7: {  	s30 =	sld [smem:$0x0];
	_ =	sdelay $0x2  }
0xb8: {  	s31 =	sshll.u32 s1, $0xD;
	s1 =	sshrl.u32 s1, $0x2  }
0xb9: {  	s3 =	sand.u32 $0x4000, s31;
	s1 =	sadd.s32 s1, s30  }
0xba: {  	s0 =	sor.u32 s3, s0;
	s1 =	sshll.u32 s1, $0x11  }
0xbb: {  	s0 =	sor.u32 s1, s0  }
0xbc: {  	s0 =	sadd.s32 $0x8F2B, s0  }
0xbd: {  	[sflag:s0] =	ssyncadd.remote.s32 $0x1  }
0xbe: {  	_ =	sfence.sel $0xFFFF  }
0xbf: {  	[dreg:$0x0] =	wrdreg $0xFFFFFFFF;
	(pc) =	sbr.abs _section_cstart, $3  }
0xc0: {  	[dreg:$0x1] =	wrdreg $0xFFFFFFFF  }
0xc1: {  	_ =	task.clear_ibuf [dreg:s6], $0x2FFFF;
	_ =	strace $0x9FFFFFFF  }
0xc2: {  	(tm) =	ssettm $0x7FFFFFFF  }
0xc3: {  	_ =	shalt  }
tec
execute0_lowered:
.L_overlay_start_1:
0x0: {  	(tag) =	ssettag $0x1  }
0x1: {  	s0 =	rddreg [dreg:$0x0]  }
0x2: {  	s1 =	rddreg [dreg:$0x1];
	s3 =	simm.s32 $0x0;
	s2 =	srdreg.scid  }
0x3: {  	s11 =	stileid.u32;
	s17 =	simm.s32 $0x200;
	s18 =	simm.s32 $0x5  }
0x4: {  	s19 =	simm.s32 $0x80;
	s20 =	simm.s32 $0x100;
	s5 =	smul.u32 $0x14000, s11  }
0x5: {  	s21 =	simm.s32 $0x180;
	s28 =	simm.s32 $0x0;
	s6 =	smul.u32 $0x26, s11  }
0x6: {  	[smem:$0x7FF] =	sst s3;
	s2 =	sand.u32 $0x1, s2;
	s8 =	smul.u32 $0x7A, s11  }
0x7: {  	s9 =	sadd.s32 $0xE600, s0;
	s10 =	sadd.s32 $0x3C00, s0;
	s24 =	smul.u32 $0x50000, s11  }
0x8: {  	s4 =	sadd.s32 $0x18600, s0;
	s22 =	smul.u32 $0x140000, s2;
	s23 =	ssub.s32 $0x2, s2  }
0x9: {  	_ =	strace $0x8000004D;
	p0 =	seq.s32 s2, $0x0;
	s7 =	sshrl.u32 s23, $0x1  }
0xa: {  	s2 =	sadd.s32 $0x7A0, s6;
	s6 =	sshrl.u32 s24, $0x2;
	s24 =	simm.s32 $0x4200  }
0xb: {  	s3 =	sadd.s32 s5, s22;
	s25 =	ssub.s32 s23, s7;
	s2 =	smov.u32 @p0 s8  }
0xc: {  	s5 =	simm.s32 $0x7A;
	s6 =	sadd.s32 s6, s1;
	s22 =	simm.s32 $0x1  }
0xd: {  	s23 =	simm.s32 $0x2;
	s3 =	sshrl.u32 s3, $0x3;
	s2 =	sshll.u32 s2, $0x4  }
0xe: {  	s5 =	simm.s32 @!p0 $0x26;
	s12 =	smax.u32 s25, $0x1;
	s13 =	sadd.s32 $0x4000, s6  }
0xf: {  	s14 =	sadd.s32 $0x8000, s6;
	s15 =	sadd.s32 $0xC000, s6;
	s26 =	sor.u32 $0x10, s2  }
0x10: {  	s16 =	sadd.s32 $0x10000, s6;
	s25 =	simm.s32 $0x3;
	s29 =	sadd.s32 s9, s26  }
0x11: {  	s0 =	sadd.s32 s3, s0;
	s30 =	sadd.s32 s10, s26;
	[dreg:$0x4] =	wrdreg s29  }
0x12: {  	s31 =	sshll.u32 s5, $0x4;
	s0 =	sadd.s32 $0xDC000, s0;
	[dreg:$0x5] =	wrdreg s30  }
0x13: {  	s7 =	sadd.s32 s9, s2;
	[dreg:$0x6] =	wrdreg s0;
	s0 =	sadd.s32 $0xFFFFFFE0, s31  }
0x14: {  	v0 =	vimm.f32 $0.0e+00;
	s8 =	sadd.s32 s10, s2;
	s26 =	simm.s32 $0x4;
	[dreg:$0x3] =	wrdreg s0  }
.LBB2_1:
0x15: {  	s2 =	simm.s32 $0x0  }
0x16: {  	s0 =	sand.u32 $0xFE00, s2  }
0x17: {  	s2 =	sand.u32 $0x70, s2;
	s3 =	sshrl.u32 s0, $0x2  }
0x18: {  	s0 =	simm.s32 $0x40;
	s3 =	sor.u32 s2, s3;
	s2 =	simm.s32 $0x0  }
.LBB2_2:
0x19: {  	p0 =	sne.s32 s0, $0xFFC0  }
0x1a: {  	[tilespmem:s3+$0x200] =	vst v0;
	s2 =	sadd.s32 $0x10, s2;
	s3 =	smov.u32 s0;
	s0 =	sadd.s32 $0x40, s0  }
.Ltmp0:
0x1b: {  	(pc) =	sbr.rel @p0 .LBB2_2-.Ltmp0, $4  }
0x1c: {  	_ = 	snop  }
0x1d: {  	s3 =	sand.u32 $0xFE00, s3  }
0x1e: {  	s9 =	sand.u32 $0x70, s2;
	s3 =	sshrl.u32 s3, $0x2  }
0x1f: {  	s3 =	sor.u32 s9, s3  }
0x20: {  	[tilespmem:s3+$0x200] =	vst v0  }
0x21: {  	[spmem:s6] =	stream.linear.scatter [tilespmem:s17], [sflag:$0x5], $0x4000, $0x38;
	[tilespmem:$0x1C200] =	vst v63  }
0x22: {  	_ =	swait.ge [sflag:s18], $0x4000  }
0x23: {  	[sflag:s18] =	ssyncset.done $0x0  }
0x24: {  	[sflag:s18] =	ssyncadd.s32 $0xFFFFC000  }
0x25: {  	[spmem:s13] =	stream.linear.scatter [tilespmem:s17], [sflag:$0x5], $0x4000, $0x38;
	[tilespmem:$0x1C200] =	vst v63  }
0x26: {  	_ =	swait.ge [sflag:s18], $0x4000  }
0x27: {  	[sflag:s18] =	ssyncset.done $0x0  }
0x28: {  	[sflag:s18] =	ssyncadd.s32 $0xFFFFC000  }
0x29: {  	[spmem:s14] =	stream.linear.scatter [tilespmem:s17], [sflag:$0x5], $0x4000, $0x38;
	[tilespmem:$0x1C200] =	vst v63  }
0x2a: {  	_ =	swait.ge [sflag:s18], $0x4000  }
0x2b: {  	[sflag:s18] =	ssyncset.done $0x0  }
0x2c: {  	[sflag:s18] =	ssyncadd.s32 $0xFFFFC000  }
0x2d: {  	[spmem:s15] =	stream.linear.scatter [tilespmem:s17], [sflag:$0x5], $0x4000, $0x38;
	[tilespmem:$0x1C200] =	vst v63  }
0x2e: {  	_ =	swait.ge [sflag:s18], $0x4000  }
0x2f: {  	[sflag:s18] =	ssyncset.done $0x0  }
0x30: {  	[sflag:s18] =	ssyncadd.s32 $0xFFFFC000  }
0x31: {  	[spmem:s16] =	stream.linear.scatter [tilespmem:s17], [sflag:$0x5], $0x4000, $0x38;
	[tilespmem:$0x1C200] =	vst v63  }
0x32: {  	_ =	swait.ge [sflag:s18], $0x4000  }
0x33: {  	[sflag:s18] =	ssyncset.done $0x0  }
0x34: {  	s0 =	simm.s32 $0x0;
	[sflag:s18] =	ssyncadd.s32 $0xFFFFC000  }
0x35: {  	[tilespmem:s0], [sflag:$0x1] =	stream.linear.gather [hbm4b:s7+s0], $0x80, $0x38;
	[tilespmem:$0x1C200] =	vst v63  }
0x36: {  	_ = 	snop  }
0x37: {  	[tilespmem:s19], [sflag:$0x1] =	stream.linear.gather [hbm4b:s8+s0], $0x80, $0x38;
	[tilespmem:$0x1C200] =	vst v63  }
0x38: {  	s2 =	rddreg [dreg:$0x4]  }
0x39: {  	[tilespmem:s20], [sflag:$0x2] =	stream.linear.gather [hbm4b:s2+s0], $0x80, $0x38;
	[tilespmem:$0x1C200] =	vst v63  }
0x3a: {  	s11 =	rddreg [dreg:$0x5]  }
0x3b: {  	[tilespmem:s21], [sflag:$0x2] =	stream.linear.gather [hbm4b:s11+s0], $0x80, $0x38;
	[tilespmem:$0x1C200] =	vst v63  }
0x3c: {  	[bflag:$0x0] =	sbarrier.arrive $0xFFFF  }
0x3d: {  	_ =	swait.ge [sflag:s22], $0x80  }
0x3e: {  	[sflag:s22] =	ssyncset.done $0x0  }
0x3f: {  	[sflag:s22] =	ssyncadd.s32 $0xFFFFFF80  }
0x40: {  	_ =	swait.ge [sflag:s22], $0x80  }
0x41: {  	[sflag:s22] =	ssyncset.done $0x0  }
0x42: {  	[sflag:s22] =	ssyncadd.s32 $0xFFFFFF80  }
0x43: {  	[tilespmem:s17], [sflag:$0x3] =	stream.indirect.gather [hbm4b:s4+s19], $0x80, s0, s19, $0xb8;
	[tilespmem:$0x1C200] =	vst v63  }
0x44: {  	_ =	swait.ge [sflag:s23], $0x80  }
0x45: {  	[sflag:s23] =	ssyncset.done $0x0  }
0x46: {  	[sflag:s23] =	ssyncadd.s32 $0xFFFFFF80  }
0x47: {  	_ =	swait.ge [sflag:s23], $0x80  }
0x48: {  	[sflag:s23] =	ssyncset.done $0x0  }
0x49: {  	[sflag:s23] =	ssyncadd.s32 $0xFFFFFF80  }
0x4a: {  	[tilespmem:s24], [sflag:$0x4] =	stream.indirect.gather [hbm4b:s4+s19], $0x80, s20, s19, $0xb8;
	[tilespmem:$0x1C200] =	vst v63  }
0x4b: {  	_ =	swait.ge [sflag:s25], $0x4000  }
0x4c: {  	[sflag:s25] =	ssyncset.done $0x0  }
0x4d: {  	[sflag:s25] =	ssyncadd.s32 $0xFFFFC000  }
0x4e: {  	[spmem:s1] =	stream.indirect.scatter.add.f32 [tilespmem:s17], [sflag:$0x5], $0x80, s19, s19, $0xb8;
	[tilespmem:$0x1C200] =	vst v63  }
0x4f: {  	p0 =	sle.u32 s5, $0x2;
	_ =	swait.ge [sflag:s18], $0x4000  }
0x50: {  	s3 =	simm.s32 @!p0 $0x0;
	s0 =	sadd.s32 @!p0 $0x0, s7;
	[sflag:s18] =	ssyncset.done $0x0  }
0x51: {  	s2 =	sadd.s32 @!p0 $0x0, s8;
	s0 =	sadd.s32 @!p0 $0x20, s0;
	[sflag:s18] =	ssyncadd.s32 $0xFFFFC000  }
0x52: {  	[tilespmem:s3], [sflag:$0x1] =	stream.linear.gather @!p0 [hbm4b:s0+s3], $0x80, $0x38;
	[tilespmem:$0x1C200] =	vst v63  }
0x53: {  	s9 =	simm.s32 @!p0 $0x1;
	s0 =	sadd.s32 @!p0 $0x20, s2;
	s2 =	simm.s32 @!p0 $0x80  }
0x54: {  	[tilespmem:s2], [sflag:$0x1] =	stream.linear.gather @!p0 [hbm4b:s0+s3], $0x80, $0x38;
	[tilespmem:$0x1C200] =	vst v63  }
0x55: {  	_ =	swait.ge @!p0 [sflag:s9], $0x80  }
0x56: {  	[sflag:s9] =	ssyncset.done @!p0 $0x0  }
0x57: {  	[sflag:s9] =	ssyncadd.s32 @!p0 $0xFFFFFF80  }
0x58: {  	_ =	swait.ge @!p0 [sflag:s9], $0x80  }
0x59: {  	[sflag:s9] =	ssyncset.done @!p0 $0x0  }
0x5a: {  	s0 =	simm.s32 @!p0 $0x200;
	[sflag:s9] =	ssyncadd.s32 @!p0 $0xFFFFFF80  }
0x5b: {  	[tilespmem:s0], [sflag:$0x3] =	stream.indirect.gather @!p0 [hbm4b:s4+s2], $0x80, s3, s2, $0xb8;
	[tilespmem:$0x1C200] =	vst v63  }
0x5c: {  	_ =	swait.ge [sflag:s26], $0x4000  }
0x5d: {  	[sflag:s26] =	ssyncset.done $0x0  }
0x5e: {  	[sflag:s26] =	ssyncadd.s32 $0xFFFFC000  }
0x5f: {  	[spmem:s1] =	stream.indirect.scatter.add.f32 [tilespmem:s24], [sflag:$0x5], $0x80, s21, s19, $0xb8;
	[tilespmem:$0x1C200] =	vst v63  }
0x60: {  	_ =	swait.ge [sflag:s18], $0x4000  }
0x61: {  	s31 =	rddreg [dreg:$0x3]  }
0x62: {  	p1 =	sne.s32 s31, $0x20  }
.Ltmp1:
0x63: {  	_ = 	snop;
	(pc) =	sbr.rel @!p1 .LBB2_5-.Ltmp1, $4  }
0x64: {  	s29 =	simm.s32 $0x20;
	s30 =	simm.s32 $0x5;
	p0 =	sle.u32 s5, $0x3  }
0x65: {  	s0 =	simm.s32 @!p0 $0x0;
	s9 =	sadd.s32 @!p0 $0x0, s7;
	s2 =	simm.s32 @!p0 $0x100  }
0x66: {  	s10 =	sadd.s32 @!p0 $0x0, s8;
	s3 =	simm.s32 @!p0 $0x180;
	[sflag:s18] =	ssyncset.done $0x0  }
0x67: {  	s9 =	sadd.s32 @!p0 $0x30, s9;
	s10 =	sadd.s32 @!p0 $0x30, s10;
	[sflag:s18] =	ssyncadd.s32 $0xFFFFC000  }
.LBB2_4:
0x68: {  	[tilespmem:s2], [sflag:$0x2] =	stream.linear.gather @!p0 [hbm4b:s9+s0], $0x80, $0x38;
	[tilespmem:$0x1C200] =	vst v63  }
0x69: {  	_ = 	snop  }
0x6a: {  	[tilespmem:s3], [sflag:$0x2] =	stream.linear.gather @!p0 [hbm4b:s10+s0], $0x80, $0x38;
	[tilespmem:$0x1C200] =	vst v63  }
0x6b: {  	_ =	swait.ge [sflag:s23], $0x80  }
0x6c: {  	[sflag:s23] =	ssyncset.done $0x0  }
0x6d: {  	[sflag:s23] =	ssyncadd.s32 $0xFFFFFF80  }
0x6e: {  	_ =	swait.ge [sflag:s23], $0x80  }
0x6f: {  	[sflag:s23] =	ssyncset.done $0x0  }
0x70: {  	[sflag:s23] =	ssyncadd.s32 $0xFFFFFF80  }
0x71: {  	[tilespmem:s24], [sflag:$0x4] =	stream.indirect.gather [hbm4b:s4+s19], $0x80, s20, s19, $0xb8;
	[tilespmem:$0x1C200] =	vst v63  }
0x72: {  	_ =	swait.ge [sflag:s25], $0x4000  }
0x73: {  	[sflag:s25] =	ssyncset.done $0x0  }
0x74: {  	s11 =	sadd.s32 $0xFFFFFFFF, s30;
	[sflag:s25] =	ssyncadd.s32 $0xFFFFC000  }
0x75: {  	[spmem:s1] =	stream.indirect.scatter.add.f32 [tilespmem:s17], [sflag:$0x5], $0x80, s19, s19, $0xb8;
	[tilespmem:$0x1C200] =	vst v63  }
0x76: {  	s31 =	smov.u32 s29;
	p0 =	sge.u32 s11, s5;
	_ =	swait.ge [sflag:s18], $0x4000  }
0x77: {  	s0 =	sadd.s32 @!p0 s31, s7;
	s2 =	sadd.s32 @!p0 s31, s8;
	[sflag:s18] =	ssyncset.done $0x0  }
0x78: {  	s3 =	simm.s32 @!p0 $0x0;
	s0 =	sadd.s32 @!p0 $0x20, s0;
	[sflag:s18] =	ssyncadd.s32 $0xFFFFC000  }
0x79: {  	[tilespmem:s3], [sflag:$0x1] =	stream.linear.gather @!p0 [hbm4b:s0+s3], $0x80, $0x38;
	[tilespmem:$0x1C200] =	vst v63  }
0x7a: {  	s9 =	simm.s32 @!p0 $0x1;
	s0 =	sadd.s32 @!p0 $0x20, s2;
	s2 =	simm.s32 @!p0 $0x80  }
0x7b: {  	[tilespmem:s2], [sflag:$0x1] =	stream.linear.gather @!p0 [hbm4b:s0+s3], $0x80, $0x38;
	[tilespmem:$0x1C200] =	vst v63  }
0x7c: {  	_ =	swait.ge @!p0 [sflag:s9], $0x80  }
0x7d: {  	[sflag:s9] =	ssyncset.done @!p0 $0x0  }
0x7e: {  	[sflag:s9] =	ssyncadd.s32 @!p0 $0xFFFFFF80  }
0x7f: {  	_ =	swait.ge @!p0 [sflag:s9], $0x80  }
0x80: {  	[sflag:s9] =	ssyncset.done @!p0 $0x0  }
0x81: {  	s0 =	simm.s32 @!p0 $0x200;
	[sflag:s9] =	ssyncadd.s32 @!p0 $0xFFFFFF80  }
0x82: {  	[tilespmem:s0], [sflag:$0x3] =	stream.indirect.gather @!p0 [hbm4b:s4+s2], $0x80, s3, s2, $0xb8;
	[tilespmem:$0x1C200] =	vst v63  }
0x83: {  	_ =	swait.ge [sflag:s26], $0x4000  }
0x84: {  	[sflag:s26] =	ssyncset.done $0x0  }
0x85: {  	[sflag:s26] =	ssyncadd.s32 $0xFFFFC000  }
0x86: {  	[spmem:s1] =	stream.indirect.scatter.add.f32 [tilespmem:s24], [sflag:$0x5], $0x80, s21, s19, $0xb8;
	[tilespmem:$0x1C200] =	vst v63  }
0x87: {  	_ =	swait.ge [sflag:s18], $0x4000  }
0x88: {  	s29 =	sadd.s32 $0x20, s29;
	s11 =	rddreg [dreg:$0x3]  }
0x89: {  	p1 =	sne.s32 s11, s29  }
.Ltmp2:
0x8a: {  	_ = 	snop;
	(pc) =	sbr.rel @p1 .LBB2_4-.Ltmp2, $4  }
0x8b: {  	p0 =	sge.u32 s30, s5;
	s30 =	sadd.s32 $0x2, s30  }
0x8c: {  	s0 =	simm.s32 @!p0 $0x0;
	s3 =	sadd.s32 @!p0 s31, s7;
	s2 =	simm.s32 @!p0 $0x100  }
0x8d: {  	s10 =	sadd.s32 @!p0 s31, s8;
	s9 =	sadd.s32 @!p0 $0x30, s3;
	[sflag:s18] =	ssyncset.done $0x0  }
0x8e: {  	s3 =	simm.s32 @!p0 $0x180;
	s10 =	sadd.s32 @!p0 $0x30, s10;
	[sflag:s18] =	ssyncadd.s32 $0xFFFFC000  }
.LBB2_5:
0x8f: {  	[tilespmem:s2], [sflag:$0x2] =	stream.linear.gather @!p0 [hbm4b:s9+s0], $0x80, $0x38;
	[tilespmem:$0x1C200] =	vst v63  }
0x90: {  	_ = 	snop  }
0x91: {  	[tilespmem:s3], [sflag:$0x2] =	stream.linear.gather @!p0 [hbm4b:s10+s0], $0x80, $0x38;
	[tilespmem:$0x1C200] =	vst v63  }
0x92: {  	_ =	swait.ge [sflag:s23], $0x80  }
0x93: {  	[sflag:s23] =	ssyncset.done $0x0  }
0x94: {  	[sflag:s23] =	ssyncadd.s32 $0xFFFFFF80  }
0x95: {  	_ =	swait.ge [sflag:s23], $0x80  }
0x96: {  	[sflag:s23] =	ssyncset.done $0x0  }
0x97: {  	[sflag:s23] =	ssyncadd.s32 $0xFFFFFF80  }
0x98: {  	[tilespmem:s24], [sflag:$0x4] =	stream.indirect.gather [hbm4b:s4+s19], $0x80, s20, s19, $0xb8;
	[tilespmem:$0x1C200] =	vst v63  }
0x99: {  	_ =	swait.ge [sflag:s25], $0x4000  }
0x9a: {  	[sflag:s25] =	ssyncset.done $0x0  }
0x9b: {  	s11 =	sadd.s32 $0xFFFFFFFF, s30;
	[sflag:s25] =	ssyncadd.s32 $0xFFFFC000  }
0x9c: {  	[spmem:s1] =	stream.indirect.scatter.add.f32 [tilespmem:s17], [sflag:$0x5], $0x80, s19, s19, $0xb8;
	[tilespmem:$0x1C200] =	vst v63  }
0x9d: {  	p0 =	sge.u32 s11, s5;
	_ =	swait.ge [sflag:s18], $0x4000  }
0x9e: {  	s0 =	sadd.s32 @!p0 s29, s7;
	[sflag:s18] =	ssyncset.done $0x0  }
0x9f: {  	s2 =	simm.s32 @!p0 $0x0;
	s0 =	sadd.s32 @!p0 $0x20, s0;
	[sflag:s18] =	ssyncadd.s32 $0xFFFFC000  }
0xa0: {  	[tilespmem:s2], [sflag:$0x1] =	stream.linear.gather @!p0 [hbm4b:s0+s2], $0x80, $0x38;
	[tilespmem:$0x1C200] =	vst v63  }
0xa1: {  	s0 =	sadd.s32 @!p0 s29, s8  }
0xa2: {  	s3 =	simm.s32 @!p0 $0x80;
	s0 =	sadd.s32 @!p0 $0x20, s0  }
0xa3: {  	[tilespmem:s3], [sflag:$0x1] =	stream.linear.gather @!p0 [hbm4b:s0+s2], $0x80, $0x38;
	[tilespmem:$0x1C200] =	vst v63  }
0xa4: {  	s0 =	simm.s32 @!p0 $0x1  }
0xa5: {  	_ =	swait.ge @!p0 [sflag:s0], $0x80  }
0xa6: {  	[sflag:s0] =	ssyncset.done @!p0 $0x0  }
0xa7: {  	[sflag:s0] =	ssyncadd.s32 @!p0 $0xFFFFFF80  }
0xa8: {  	_ =	swait.ge @!p0 [sflag:s0], $0x80  }
0xa9: {  	[sflag:s0] =	ssyncset.done @!p0 $0x0  }
0xaa: {  	[sflag:s0] =	ssyncadd.s32 @!p0 $0xFFFFFF80;
	s0 =	simm.s32 @!p0 $0x200  }
0xab: {  	[tilespmem:s0], [sflag:$0x3] =	stream.indirect.gather @!p0 [hbm4b:s4+s3], $0x80, s2, s3, $0xb8;
	[tilespmem:$0x1C200] =	vst v63  }
0xac: {  	_ =	swait.ge [sflag:s26], $0x4000  }
0xad: {  	[sflag:s26] =	ssyncset.done $0x0  }
0xae: {  	[sflag:s26] =	ssyncadd.s32 $0xFFFFC000  }
0xaf: {  	[spmem:s1] =	stream.indirect.scatter.add.f32 [tilespmem:s24], [sflag:$0x5], $0x80, s21, s19, $0xb8;
	[tilespmem:$0x1C200] =	vst v63  }
0xb0: {  	p0 =	sge.u32 s30, s5;
	_ =	swait.ge [sflag:s18], $0x4000  }
0xb1: {  	s0 =	sadd.s32 @!p0 s29, s7;
	s2 =	simm.s32 @!p0 $0x0;
	[sflag:s18] =	ssyncset.done $0x0  }
0xb2: {  	s3 =	simm.s32 @!p0 $0x100;
	s0 =	sadd.s32 @!p0 $0x30, s0;
	[sflag:s18] =	ssyncadd.s32 $0xFFFFC000  }
0xb3: {  	[tilespmem:s3], [sflag:$0x2] =	stream.linear.gather @!p0 [hbm4b:s0+s2], $0x80, $0x38;
	[tilespmem:$0x1C200] =	vst v63  }
0xb4: {  	s28 =	sadd.s32 $0x1, s28;
	s30 =	sshrl.u32 s6, $0x3;
	s0 =	sadd.s32 @!p0 s29, s8  }
0xb5: {  	s3 =	simm.s32 @!p0 $0x180;
	s29 =	stileid.u32;
	s0 =	sadd.s32 @!p0 $0x30, s0  }
0xb6: {  	[tilespmem:s3], [sflag:$0x2] =	stream.linear.gather @!p0 [hbm4b:s0+s2], $0x80, $0x38;
	[tilespmem:$0x1C200] =	vst v63  }
0xb7: {  	s0 =	sshll.u32 s29, $0x6;
	p0 =	sne.s32 s28, s12;
	[bflag:$0x0] =	sbarrier.arrive $0xFFFF  }
.Ltmp3:
0xb8: {  	s0 =	sor.u32 $0x1C05, s0;
	s31 =	rddreg [dreg:$0x6];
	(pc) =	sbr.rel @p0 .LBB2_1-.Ltmp3, $4  }
0xb9: {  	[hbm:s31], [sflag:s0] =	dma.local [spmem:s30], $0x2800  }
0xba: {  	_ =	swait.ge [sflag:s18], $0x2800  }
0xbb: {  	[sflag:s18] =	ssyncset.done $0x0  }
0xbc: {  	[sflag:s18] =	ssyncadd.s32 $0xFFFFD800  }
0xbd: {  	_ =	sfence.sel $0x180000  }
0xbe: {  	[bflag:$0x0] =	sbarrier.arrive $0xFFFF  }
0xbf: {  	_ =	strace $0x9000004D  }
0xc0: {  	s0 =	stileid.u32;
	[bflag:$0x2] =	sbarrier.arrive $0xFFFF  }
0xc1: {  	p0 =	sne.s32 s0, $0x0;
	s0 =	rddreg [dreg:$0x2]  }
0xc2: {  	s0 =	sadd.s32 @!p0 $0x100000, s0  }
0xc3: {  	[sflag:s0] =	ssyncadd.tile.s32 @!p0 $0x1;
	_ =	shalt  }
.Lfunc_end2:
_tile_overlayer_lowered:
.L_overlay_start_2:
0xc4: {  	(tag) =	ssettag $0x2  }
0xc5: {  	s0 =	rddreg [dreg:$0x0];
	s2 =	stileid.u32  }
0xc6: {  	s1 =	rddreg [dreg:$0x1];
	p0 =	sne.s32 s2, $0x0  }
0xc7: {  	s3 =	rddreg [dreg:$0x2];
	[bflag:$0x3] =	sbarrier.arrive $0xFFFF;
	s2 =	simm.s32 @!p0 $0x1C05  }
0xc8: {  	[timem:s3], [sflag:s2] =	dma.local @!p0 [hbm:s0], s1  }
0xc9: {  	s0 =	simm.s32 @!p0 $0x5  }
0xca: {  	_ =	swait.ge @!p0 [sflag:s0], s1  }
0xcb: {  	s1 =	ssub.s32 @!p0 $0x0, s1;
	[sflag:s0] =	ssyncset.done @!p0 $0x0  }
0xcc: {  	[sflag:s0] =	ssyncadd.s32 @!p0 s1  }
0xcd: {  	[bflag:$0x3] =	sbarrier.arrive $0xFFFF  }
0xce: {  	_ =	shalt  }

// kernel: kernel.19.cloned.1.call-start
scs
__scs_entry_jumppad:
0x0: {  	(pc) =	sbr.rel $0x88, $3  }
0x1: {  	(tag) =	ssettag $0x0;
	lr =	simm.s32 $0x1  }
0x2: {  	[smem:$0x3F99] =	sst lr;
	_ =	strace $0xD0000000  }
0x3: {  	_ = 	snop  }
0x4: {  	_ = 	snop  }
0x5: {  	_ = 	snop  }
0x6: {  	_ = 	snop  }
0x7: {  	_ = 	snop  }
__scs_overlays_trampoline_lowered:
0x8: {  	[smem:$0x3FA8] =	sst s0  }
0x9: {  	[smem:$0x3FA9] =	sst s1  }
0xa: {  	[smem:$0x3FAA] =	sst s2  }
0xb: {  	[smem:$0x3FAB] =	sst s3  }
0xc: {  	[smem:$0x3FAC] =	sst s4  }
0xd: {  	[smem:$0x3FAD] =	sst s5  }
0xe: {  	[smem:$0x3FAE] =	sst s6  }
0xf: {  	[smem:$0x3FAF] =	sst s7  }
0x10: {  	[smem:$0x3FB0] =	sst s8  }
0x11: {  	[smem:$0x3FB1] =	sst s9;
	s0 =	simm.s32 @!p0 $0x0  }
0x12: {  	s1 =	sld [smem:$0x3F97];
	s0 =	simm.s32 @p0 $0x1  }
0x13: {  	[smem:$0x3FB2] =	sst s0;
	s0 =	simm.s32 @!p1 $0x0  }
0x14: {  	s2 =	sld [smem:$0x3F96];
	s0 =	simm.s32 @p1 $0x1  }
0x15: {  	[smem:$0x3FB3] =	sst s0;
	s0 =	simm.s32 @!p2 $0x0  }
0x16: {  	s3 =	sld [smem:$0x3FDB];
	s0 =	simm.s32 @p2 $0x1  }
0x17: {  	s4 =	simm.s32 $0x1BF5;
	[smem:$0x3FB5] =	sst s0  }
0x18: {  	s0 =	sld [smem:$0x3F98];
	_ =	swait.ge [sflag:s4], $0x0  }
0x19: {  	s7 =	sld [smem:$0x3F99]  }
0x1a: {  	s8 =	sadd.s32 $0xFFFFE003, lr  }
0x1b: {  	s9 =	sadd.s32 $0xFFFFFEF7, lr;
	s5 =	simm.s32 $0xFFFFFFFF;
	p2 =	slt.u32 s8, $0xFFFFF086  }
0x1c: {  	p1 =	slt.u32 s9, $0xF7A;
	s5 =	simm.s32 @!p2 $0x0  }
0x1d: {  	s5 =	simm.s32 @p1 $0x1;
	p0 =	seq.s32 s7, s2  }
0x1e: {  	s7 =	smul.u32 @!p0 $0xF7A, s2;
	p2 =	seq.s32 @!p0 s5, $0x0  }
0x1f: {  	s9 =	smul.u32 $0xF7A, s1;
	s8 =	simm.s32 @!p0 $0x1BF5;
	p2 =	por !p2, p0  }
0x20: {  	[sflag:s8] =	ssyncset.s32 @!p0 $0xFFFFF086;
	s6 =	sadd.s32 @!p0 s3, s7;
	s7 =	simm.s32 @!p0 $0x108  }
0x21: {  	s3 =	sadd.s32 s3, s9;
	s6 =	sadd.s32 @!p0 $0x88, s6;
	s7 =	simm.s32 @p2 $0x1082  }
0x22: {  	[simem:s7], [sflag:s8] =	dma.local @!p0 [hbm:s6], $0xF7A  }
0x23: {  	s9 =	sor.u32 $0xD0000000, s2;
	s6 =	simm.s32 $0x108;
	_ =	swait.ge @!p0 [sflag:s8], $0x0  }
0x24: {  	s3 =	sadd.s32 $0x88, s3;
	s6 =	simm.s32 @!p1 $0x1082;
	[sflag:s4] =	ssyncset.s32 $0xFFFFF086  }
0x25: {  	[simem:s6], [sflag:s4] =	dma.local [hbm:s3], $0xF7A  }
0x26: {  	[smem:$0x3F99] =	sst s1;
	(tag) =	ssettag s2;
	_ =	strace s9  }
0x27: {  	s1 =	sld [smem:$0x3FA9]  }
0x28: {  	s2 =	sld [smem:$0x3FAA]  }
0x29: {  	s4 =	sld [smem:$0x3FAC]  }
0x2a: {  	p0 =	seq.s32 s5, $0x0;
	s5 =	sld [smem:$0x3FAD]  }
0x2b: {  	s6 =	sld [smem:$0x3FAE]  }
0x2c: {  	s7 =	sld [smem:$0x3FAF]  }
0x2d: {  	s3 =	simm.s32 $0x108;
	s8 =	sld [smem:$0x3FB0]  }
0x2e: {  	s3 =	simm.s32 @!p0 $0x1082;
	s9 =	sld [smem:$0x3FB1]  }
0x2f: {  	lr =	sadd.s32 s0, s3;
	s0 =	sld [smem:$0x3FA8]  }
0x30: {  	s3 =	sld [smem:$0x3FAB]  }
0x31: {  	[smem:$0x3FB4] =	sst s10  }
0x32: {  	s10 =	sld [smem:$0x3FB2];
	_ =	sdelay $0x3  }
0x33: {  	p0 =	seq.s32 s10, $0x1;
	s10 =	sld [smem:$0x3FB4];
	_ =	sdelay $0x3  }
0x34: {  	[smem:$0x3FB4] =	sst s10  }
0x35: {  	s10 =	sld [smem:$0x3FB3];
	_ =	sdelay $0x3  }
0x36: {  	p1 =	seq.s32 s10, $0x1;
	s10 =	sld [smem:$0x3FB4];
	_ =	sdelay $0x3  }
0x37: {  	[smem:$0x3FB4] =	sst s10  }
0x38: {  	s10 =	sld [smem:$0x3FB5]  }
0x39: {  	_ = 	snop;
	(pc) =	sbr.ind lr, $3  }
0x3a: {  	_ = 	snop  }
0x3b: {  	_ = 	snop  }
0x3c: {  	p2 =	seq.s32 s10, $0x1;
	s10 =	sld [smem:$0x3FB4]  }
0x3d: {  	_ =	shalt  }
0x3e: {  	_ =	shalt  }
0x3f: {  	_ =	shalt  }
0x40: {  	_ =	shalt  }
0x41: {  	_ =	shalt  }
0x42: {  	_ =	shalt  }
0x43: {  	_ =	shalt  }
0x44: {  	_ =	shalt  }
0x45: {  	_ =	shalt  }
0x46: {  	_ =	shalt  }
0x47: {  	_ =	shalt  }
0x48: {  	_ =	shalt  }
0x49: {  	_ =	shalt  }
0x4a: {  	_ =	shalt  }
0x4b: {  	_ =	shalt  }
0x4c: {  	_ =	shalt  }
0x4d: {  	_ =	shalt  }
0x4e: {  	_ =	shalt  }
0x4f: {  	_ =	shalt  }
0x50: {  	_ =	shalt  }
0x51: {  	_ =	shalt  }
0x52: {  	_ =	shalt  }
0x53: {  	_ =	shalt  }
0x54: {  	_ =	shalt  }
0x55: {  	_ =	shalt  }
0x56: {  	_ =	shalt  }
0x57: {  	_ =	shalt  }
0x58: {  	_ =	shalt  }
0x59: {  	_ =	shalt  }
0x5a: {  	_ =	shalt  }
0x5b: {  	_ =	shalt  }
0x5c: {  	_ =	shalt  }
0x5d: {  	_ =	shalt  }
0x5e: {  	_ =	shalt  }
0x5f: {  	_ =	shalt  }
0x60: {  	_ =	shalt  }
0x61: {  	_ =	shalt  }
0x62: {  	_ =	shalt  }
0x63: {  	_ =	shalt  }
0x64: {  	_ =	shalt  }
0x65: {  	_ =	shalt  }
0x66: {  	_ =	shalt  }
0x67: {  	_ =	shalt  }
0x68: {  	_ =	shalt  }
0x69: {  	_ =	shalt  }
0x6a: {  	_ =	shalt  }
0x6b: {  	_ =	shalt  }
0x6c: {  	_ =	shalt  }
0x6d: {  	_ =	shalt  }
0x6e: {  	_ =	shalt  }
0x6f: {  	_ =	shalt  }
0x70: {  	_ =	shalt  }
0x71: {  	_ =	shalt  }
0x72: {  	_ =	shalt  }
0x73: {  	_ =	shalt  }
0x74: {  	_ =	shalt  }
0x75: {  	_ =	shalt  }
0x76: {  	_ =	shalt  }
0x77: {  	_ =	shalt  }
0x78: {  	_ =	shalt  }
0x79: {  	_ =	shalt  }
0x7a: {  	_ =	shalt  }
0x7b: {  	_ =	shalt  }
0x7c: {  	_ =	shalt  }
0x7d: {  	_ =	shalt  }
0x7e: {  	_ =	shalt  }
0x7f: {  	_ =	shalt  }
0x80: {  	_ =	shalt  }
0x81: {  	_ =	shalt  }
0x82: {  	_ =	shalt  }
0x83: {  	_ =	shalt  }
0x84: {  	_ =	shalt  }
0x85: {  	_ =	shalt  }
0x86: {  	_ =	shalt  }
0x87: {  	_ =	shalt  }
.Lfunc_end0:
.L_simem_size_0:
called_computation.3_lowered:
.L_overlay_start_0:
0x88: {  	s2 =	sld [smem:$0x3FD9]  }
0x89: {  	s3 =	sld [smem:$0x3FFE];
	_ =	sdelay $0x1  }
0x8a: {  	s1 =	srdreg.scid  }
0x8b: {  	s0 =	sand.u32 $0x1, s1  }
0x8c: {  	s17 =	sshll.u32 s0, $0xA;
	s2 =	sadd.s32 s3, s2  }
0x8d: {  	s2 =	sadd.s32 s2, s17  }
0x8e: {  	[smem:$0x3FC0] =	sst s2  }
0x8f: {  	_ = 	snop  }
0x90: {  	s2 =	sld [smem:$0x3FD0];
	(tm) =	ssettm $0x1  }
0x91: {  	s18 =	sld [smem:$0x3FFB];
	_ =	sdelay $0x3  }
0x92: {  	_ =	strace s18  }
0x93: {  	s3 =	sld [smem:$0x3FFC];
	_ =	sdelay $0x3  }
0x94: {  	_ =	strace s3  }
0x95: {  	s3 =	sld [smem:$0x3FFD];
	_ =	sdelay $0x3  }
0x96: {  	_ =	strace s3  }
0x97: {  	_ =	strace $0x8FFFFFFF  }
0x98: {  	s19 =	sld [smem:$0x3FDB];
	_ =	sdelay $0x1  }
0x99: {  	s4 =	simm.s32 $_scs_section_size  }
0x9a: {  	s5 =	simm.s32 $_size__tile_overlayer_lowered;
	s6 =	simm.s32 $_tile_overlayer_lowered  }
0x9b: {  	s22 =	simm.s32 $0x1BFF;
	s21 =	sshll.u32 s6, $0x1;
	s3 =	sadd.s32 s4, s19  }
0x9c: {  	s7 =	simm.s32 $0x0;
	s20 =	sshll.u32 s5, $0x1;
	s5 =	sadd.s32 s21, s3  }
0x9d: {  	[timem:s7], [sflag:s22] =	dma.local [hbm:s5], s20  }
0x9e: {  	_ =	swait.ge [sflag:s22], s20  }
0x9f: {  	s4 =	ssub.s32 $0x0, s20;
	[sflag:s22] =	ssyncset.done $0x0  }
0xa0: {  	[sflag:s22] =	ssyncadd.s32 s4;
	_ =	sdelay $0x1  }
0xa1: {  	s23 =	simm.s32 $0x1B8B  }
0xa2: {  	_ =	swait.ge [sflag:s23], $0x1  }
0xa3: {  	[sflag:s23] =	ssyncset.done $0x0  }
0xa4: {  	s25 =	simm.s32 $0x1B8E;
	s24 =	sld [smem:$0x3FFE];
	[sflag:s23] =	ssyncadd.s32 $0xFFFFFFFF  }
0xa5: {  	s26 =	simm.s32 $execute0_lowered;
	[smem:$0x3FD2] =	sst s25  }
0xa6: {  	s5 =	sshll.u32 s26, $0x1;
	_ =	strace $0x8000004F;
	[dreg:$0x1] =	wrdreg $0xFFFFFFFF  }
0xa7: {  	s28 =	simm.s32 $_size_execute0_lowered;
	s3 =	sadd.s32 s3, s5;
	[dreg:$0x0] =	wrdreg $0x0  }
0xa8: {  	s5 =	sshll.u32 s28, $0x1;
	[dreg:$0x2] =	wrdreg s3  }
0xa9: {  	[dreg:$0x3] =	wrdreg s5  }
0xaa: {  	[dreg:$0x4] =	wrdreg $0xC0  }
0xab: {  	_ =	task [dreg:s7], $0x5FFFF  }
0xac: {  	[dreg:$0x1] =	wrdreg $0xFFFFFFFF  }
0xad: {  	[dreg:$0x0] =	wrdreg $0x60  }
0xae: {  	[dreg:$0x2] =	wrdreg s24  }
0xaf: {  	[dreg:$0x3] =	wrdreg s2  }
0xb0: {  	[dreg:$0x4] =	wrdreg $0xF4000  }
0xb1: {  	[dreg:$0x5] =	wrdreg $0x9  }
0xb2: {  	_ =	task.clear_ibuf [dreg:s7], $0x6FFFF;
	_ =	strace $0x9000004F  }
0xb3: {  	s29 =	simm.s32 $0x9;
	_ =	strace $0x80000051  }
0xb4: {  	_ =	swait.ge [sflag:s29], $0x1  }
0xb5: {  	[sflag:s29] =	ssyncadd.s32 $0xFFFFFFFF  }
0xb6: {  	_ =	strace $0x90000051  }
0xb7: {  	_ =	sfence  }
0xb8: {  	s30 =	sld [smem:$0x0];
	_ =	sdelay $0x2  }
0xb9: {  	s31 =	sshll.u32 s1, $0xD;
	s1 =	sshrl.u32 s1, $0x2  }
0xba: {  	s3 =	sand.u32 $0x4000, s31;
	s1 =	sadd.s32 s1, s30  }
0xbb: {  	s0 =	sor.u32 s3, s0;
	s1 =	sshll.u32 s1, $0x11  }
0xbc: {  	s0 =	sor.u32 s1, s0  }
0xbd: {  	s0 =	sadd.s32 $0x8F2B, s0  }
0xbe: {  	[sflag:s0] =	ssyncadd.remote.s32 $0x1  }
0xbf: {  	_ =	sfence.sel $0xFFFF  }
0xc0: {  	[dreg:$0x0] =	wrdreg $0xFFFFFFFF;
	(pc) =	sbr.abs _section_cstart, $3  }
0xc1: {  	[dreg:$0x1] =	wrdreg $0xFFFFFFFF  }
0xc2: {  	_ =	task.clear_ibuf [dreg:s7], $0x2FFFF;
	_ =	strace $0x9FFFFFFF  }
0xc3: {  	(tm) =	ssettm $0x7FFFFFFF  }
tec
execute0_lowered:
.L_overlay_start_1:
0x0: {  	(tag) =	ssettag $0x1  }
0x1: {  	s5 =	rddreg [dreg:$0x0]  }
0x2: {  	s2 =	rddreg [dreg:$0x1]  }
0x3: {  	s0 =	srdreg.scid;
	s11 =	rddreg [dreg:$0x2];
	s3 =	simm.s32 $0x0  }
0x4: {  	s15 =	simm.s32 $0x2800;
	s16 =	simm.s32 $0x80;
	s17 =	simm.s32 $0x100  }
0x5: {  	s18 =	simm.s32 $0x5000;
	s19 =	simm.s32 $0x7780;
	s20 =	simm.s32 $0x9F00  }
0x6: {  	s21 =	simm.s32 $0xC700;
	s22 =	simm.s32 $0xEF00;
	s4 =	sand.u32 $0x1, s0  }
0x7: {  	s23 =	simm.s32 $0xF180;
	s0 =	stileid.u32;
	s7 =	smul.u32 $0x5000, s4  }
0x8: {  	s24 =	simm.s32 $0x0;
	[smem:$0x7FF] =	sst s3;
	s12 =	smul.u32 $0x500, s0  }
0x9: {  	s1 =	sshll.u32 s4, $0x4;
	s4 =	ssub.s32 $0x2, s4;
	s8 =	smul.u32 $0x14000, s0  }
0xa: {  	s31 =	smul.u32 $0x1400, s0;
	s1 =	sor.u32 s0, s1;
	s30 =	sshrl.u32 s4, $0x1  }
0xb: {  	s6 =	smul.u32 $0x500, s1;
	s1 =	rddreg [dreg:$0x3];
	_ =	strace $0x80000050  }
0xc: {  	s7 =	sadd.s32 s12, s7;
	s14 =	ssub.s32 s4, s30;
	s9 =	sshrl.u32 s31, $0x2  }
0xd: {  	s8 =	sshrl.u32 s8, $0x2;
	s7 =	sshrl.u32 s7, $0x3;
	s9 =	sadd.s32 s9, s11  }
0xe: {  	s6 =	sadd.s32 s6, s5;
	s13 =	sadd.s32 s7, s5;
	s7 =	sadd.s32 $0x10, s2  }
0xf: {  	s4 =	sadd.s32 $0xE600, s6;
	s5 =	sadd.s32 $0x3C00, s6;
	s6 =	sadd.s32 s8, s11  }
0x10: {  	s10 =	sadd.s32 $0x18600, s13;
	s11 =	sadd.s32 s12, s11;
	s12 =	sadd.s32 $0x18610, s13  }
0x11: {  	v0 =	vimm.f32 $0.0e+00;
	s13 =	smax.u32 s14, $0x1;
	s14 =	simm.s32 $0x1;
	s8 =	sadd.s32 $0x80, s6  }
.LBB2_1:
0x12: {  	[tilespmem:s3], [sflag:$0x1] =	stream.linear.gather [hbm4b:s4+s3], $0x2800, $0x38;
	[tilespmem:$0x14400] =	vst v63  }
0x13: {  	_ =	swait.ge [sflag:s14], $0x2800  }
0x14: {  	[sflag:s14] =	ssyncset.done $0x0  }
0x15: {  	[sflag:s14] =	ssyncadd.s32 $0xFFFFD800  }
0x16: {  	[tilespmem:s15], [sflag:$0x1] =	stream.linear.gather [hbm4b:s5+s3], $0x2800, $0x38;
	[tilespmem:$0x14400] =	vst v63  }
0x17: {  	_ =	swait.ge [sflag:s14], $0x2800  }
0x18: {  	[sflag:s14] =	ssyncset.done $0x0  }
0x19: {  	[sflag:s14] =	ssyncadd.s32 $0xFFFFD800  }
0x1a: {  	[tilespmem:s18], [sflag:$0x1] =	stream.strided.gather [hbm4b:s2+s16], $0x2780, s17, s16, $0x38;
	[tilespmem:$0x14400] =	vst v63  }
0x1b: {  	_ =	swait.ge [sflag:s14], $0x2780  }
0x1c: {  	[sflag:s14] =	ssyncset.done $0x0  }
0x1d: {  	[sflag:s14] =	ssyncadd.s32 $0xFFFFD880  }
0x1e: {  	[tilespmem:s19], [sflag:$0x1] =	stream.strided.gather [hbm4b:s7+s16], $0x2780, s17, s16, $0x38;
	[tilespmem:$0x14400] =	vst v63  }
0x1f: {  	_ =	swait.ge [sflag:s14], $0x2780  }
0x20: {  	[sflag:s14] =	ssyncset.done $0x0  }
0x21: {  	s25 =	simm.s32 $0x40;
	s26 =	simm.s32 $0x0;
	[sflag:s14] =	ssyncadd.s32 $0xFFFFD880  }
.LBB2_2:
0x22: {  	p0 =	sne.s32 s25, $0x9FC0;
	[tilespmem:s26+$0x9F00] =	vst v0;
	s26 =	smov.u32 s25;
	s25 =	sadd.s32 $0x40, s25  }
.Ltmp0:
0x23: {  	(pc) =	sbr.rel @p0 .LBB2_2-.Ltmp0, $2  }
0x24: {  	_ =	sdelay $0x2  }
0x25: {  	s26 =	sshra.s32 s26, $0x2  }
0x26: {  	[tilespmem:s26+$0x9F00] =	vst v0;
	s25 =	simm.s32 $0x40;
	s26 =	simm.s32 $0x0  }
.LBB2_4:
0x27: {  	p0 =	sne.s32 s25, $0x9FC0;
	[tilespmem:s26+$0xC700] =	vst v0;
	s26 =	smov.u32 s25;
	s25 =	sadd.s32 $0x40, s25  }
.Ltmp1:
0x28: {  	(pc) =	sbr.rel @p0 .LBB2_4-.Ltmp1, $2  }
0x29: {  	_ =	sdelay $0x2  }
0x2a: {  	s26 =	sshra.s32 s26, $0x2  }
0x2b: {  	[tilespmem:s26+$0xC700] =	vst v0;
	s25 =	simm.s32 $0x0  }
0x2c: {  	v2 =	vld [tilespmem:s25+$0x0];
	_ =	sdelay $0x4  }
0x2d: {  	v1 =	vld [tilespmem:s25+$0x2800];
	_ =	sdelay $0x2  }
0x2e: {  	v3 =	vld.idx.msk [tilespmem:v2+s18+$0x0], $0xffff;
	_ =	sdelay $0x4  }
0x2f: {  	[tilespmem:v1+s20+$0x0] =	vst.idx.add.f32.msk $0xffff, v3  }
0x30: {  	s26 =	simm.s32 $0x80;
	s25 =	simm.s32 $0x40;
	v2 =	vld.idx.msk [tilespmem:v2+s19+$0x0], $0xffff  }
.LBB2_6:
0x31: {  	_ =	sdelay $0x2  }
0x32: {  	p0 =	sne.s32 s26, $0x9FC0  }
0x33: {  	s28 =	sshra.s32 s25, $0x2;
	s25 =	smov.u32 s26;
	s26 =	sadd.s32 $0x40, s26;
	[tilespmem:v1+s21+$0x0] =	vst.idx.add.f32.msk $0xffff, v2  }
0x34: {  	v2 =	vld [tilespmem:s28+$0x0];
	_ =	sdelay $0x5  }
0x35: {  	v1 =	vld [tilespmem:s28+$0x2800];
	_ =	sdelay $0x1  }
0x36: {  	v3 =	vld.idx.msk [tilespmem:v2+s18+$0x0], $0xffff;
	_ =	sdelay $0x2  }
.Ltmp2:
0x37: {  	(pc) =	sbr.rel @p0 .LBB2_6-.Ltmp2, $3  }
0x38: {  	_ =	sdelay $0x1  }
0x39: {  	[tilespmem:v1+s20+$0x0] =	vst.idx.add.f32.msk $0xffff, v3  }
0x3a: {  	v2 =	vld.idx.msk [tilespmem:v2+s19+$0x0], $0xffff  }
0x3b: {  	_ =	sdelay $0x3  }
0x3c: {  	s25 =	sshra.s32 s25, $0x2;
	[tilespmem:v1+s21+$0x0] =	vst.idx.add.f32.msk $0xffff, v2  }
0x3d: {  	v1 =	vld [tilespmem:s25+$0x0];
	_ =	sdelay $0x4  }
0x3e: {  	v2 =	vld [tilespmem:s25+$0x2800];
	_ =	sdelay $0x2  }
0x3f: {  	v3 =	vld.idx.msk [tilespmem:v1+s18+$0x0], $0xffff;
	_ =	sdelay $0x4  }
0x40: {  	[tilespmem:v2+s20+$0x0] =	vst.idx.add.f32.msk $0xffff, v3  }
0x41: {  	v1 =	vld.idx.msk [tilespmem:v1+s19+$0x0], $0xffff;
	_ =	sdelay $0x4  }
0x42: {  	[tilespmem:v2+s21+$0x0] =	vst.idx.add.f32.msk $0xffff, v1  }
0x43: {  	[spmem:s6] =	stream.strided.scatter [tilespmem:s20], [sflag:$0x1], $0x2800, s17, s16, $0x38;
	[tilespmem:$0x14400] =	vst v63  }
0x44: {  	_ =	swait.ge [sflag:s14], $0x2800  }
0x45: {  	[sflag:s14] =	ssyncset.done $0x0  }
0x46: {  	[sflag:s14] =	ssyncadd.s32 $0xFFFFD800  }
0x47: {  	[spmem:s8] =	stream.strided.scatter [tilespmem:s21], [sflag:$0x1], $0x2800, s17, s16, $0x38;
	[tilespmem:$0x14400] =	vst v63  }
0x48: {  	_ =	swait.ge [sflag:s14], $0x2800  }
0x49: {  	[sflag:s14] =	ssyncset.done $0x0  }
0x4a: {  	[sflag:s14] =	ssyncadd.s32 $0xFFFFD800  }
0x4b: {  	[bflag:$0x0] =	sbarrier.arrive $0xFFFF  }
0x4c: {  	[tilespmem:$0xF180] =	vst v0  }
0x4d: {  	[tilespmem:$0xF190] =	vst v0  }
0x4e: {  	[tilespmem:$0xF1A0] =	vst v0  }
0x4f: {  	[tilespmem:$0xF1B0] =	vst v0  }
0x50: {  	[tilespmem:$0xF1C0] =	vst v0  }
0x51: {  	[tilespmem:$0xF1D0] =	vst v0  }
0x52: {  	[tilespmem:$0xF1E0] =	vst v0  }
0x53: {  	[tilespmem:$0xF1F0] =	vst v0  }
0x54: {  	[tilespmem:$0xF200] =	vst v0  }
0x55: {  	[tilespmem:$0xF210] =	vst v0  }
0x56: {  	[tilespmem:$0xF220] =	vst v0  }
0x57: {  	[tilespmem:$0xF230] =	vst v0  }
0x58: {  	[tilespmem:$0xF240] =	vst v0  }
0x59: {  	[tilespmem:$0xF250] =	vst v0  }
0x5a: {  	[tilespmem:$0xF260] =	vst v0  }
0x5b: {  	[tilespmem:$0xF270] =	vst v0  }
0x5c: {  	[tilespmem:$0xF280] =	vst v0  }
0x5d: {  	[tilespmem:$0xF290] =	vst v0  }
0x5e: {  	[tilespmem:$0xF2A0] =	vst v0  }
0x5f: {  	[tilespmem:$0xF2B0] =	vst v0  }
0x60: {  	[tilespmem:$0xF2C0] =	vst v0  }
0x61: {  	[tilespmem:$0xF2D0] =	vst v0  }
0x62: {  	[tilespmem:$0xF2E0] =	vst v0  }
0x63: {  	[tilespmem:$0xF2F0] =	vst v0  }
0x64: {  	[tilespmem:$0xF300] =	vst v0  }
0x65: {  	[tilespmem:$0xF310] =	vst v0  }
0x66: {  	[tilespmem:$0xF320] =	vst v0  }
0x67: {  	[tilespmem:$0xF330] =	vst v0  }
0x68: {  	[tilespmem:$0xF340] =	vst v0  }
0x69: {  	[tilespmem:$0xF350] =	vst v0  }
0x6a: {  	[tilespmem:$0xF360] =	vst v0  }
0x6b: {  	[tilespmem:$0xF370] =	vst v0  }
0x6c: {  	[tilespmem:$0xF380] =	vst v0  }
0x6d: {  	[tilespmem:$0xF390] =	vst v0  }
0x6e: {  	[tilespmem:$0xF3A0] =	vst v0  }
0x6f: {  	[tilespmem:$0xF3B0] =	vst v0  }
0x70: {  	[tilespmem:$0xF3C0] =	vst v0  }
0x71: {  	[tilespmem:$0xF3D0] =	vst v0  }
0x72: {  	[tilespmem:$0xF3E0] =	vst v0  }
0x73: {  	s25 =	simm.s32 $0x0;
	[tilespmem:$0xF3F0] =	vst v0  }
.LBB2_8:
0x74: {  	s26 =	smul.u32 $0x14000, s25;
	_ =	sdelay $0x1  }
0x75: {  	s26 =	sshra.s32 s26, $0x2  }
0x76: {  	s26 =	sadd.s32 s26, s9  }
0x77: {  	[tilespmem:s22], [sflag:$0x1] =	stream.strided.gather [spmem:s26], $0x280, s17, s16, $0x38;
	[tilespmem:$0x14400] =	vst v63  }
0x78: {  	_ =	swait.ge [sflag:s14], $0x280  }
0x79: {  	[sflag:s14] =	ssyncset.done $0x0  }
0x7a: {  	s26 =	simm.s32 $0x0;
	[sflag:s14] =	ssyncadd.s32 $0xFFFFFD80  }
0x7b: {  	s28 =	simm.s32 $0x40;
	v1 =	vld [tilespmem:s26+$0xEF00]  }
.LBB2_9:
0x7c: {  	p0 =	sne.s32 s28, $0x9C0;
	v2 =	vld [tilespmem:s26+$0xF180];
	_ =	sdelay $0x2  }
.Ltmp3:
0x7d: {  	(pc) =	sbr.rel @p0 .LBB2_9-.Ltmp3, $4  }
0x7e: {  	_ = 	snop  }
0x7f: {  	v2 =	vadd.f32 v1, v2  }
0x80: {  	s29 =	sshra.s32 s28, $0x2  }
0x81: {  	s28 =	sadd.s32 $0x40, s28;
	v1 =	vld [tilespmem:s29+$0xEF00];
	[tilespmem:s26+$0xF180] =	vst v2;
	s26 =	smov.u32 s29  }
0x82: {  	v2 =	vld [tilespmem:s26+$0xF180]  }
0x83: {  	s25 =	sadd.s32 $0x1, s25  }
0x84: {  	p0 =	sne.s32 s25, $0x10  }
.Ltmp4:
0x85: {  	_ = 	snop;
	(pc) =	sbr.rel @p0 .LBB2_8-.Ltmp4, $3  }
0x86: {  	_ = 	snop  }
0x87: {  	v1 =	vadd.f32 v1, v2;
	_ =	sdelay $0x1  }
0x88: {  	[tilespmem:s26+$0xF180] =	vst v1  }
0x89: {  	[hbm4b:s10+s16] =	stream.strided.scatter [tilespmem:s23], [sflag:$0x1], $0x280, s17, s16, $0x38;
	[tilespmem:$0x14400] =	vst v63  }
0x8a: {  	_ =	swait.ge [sflag:s14], $0x280  }
0x8b: {  	[sflag:s14] =	ssyncset.done $0x0  }
0x8c: {  	[sflag:s14] =	ssyncadd.s32 $0xFFFFFD80  }
0x8d: {  	[tilespmem:$0xF180] =	vst v0  }
0x8e: {  	[tilespmem:$0xF190] =	vst v0  }
0x8f: {  	[tilespmem:$0xF1A0] =	vst v0  }
0x90: {  	[tilespmem:$0xF1B0] =	vst v0  }
0x91: {  	[tilespmem:$0xF1C0] =	vst v0  }
0x92: {  	[tilespmem:$0xF1D0] =	vst v0  }
0x93: {  	[tilespmem:$0xF1E0] =	vst v0  }
0x94: {  	[tilespmem:$0xF1F0] =	vst v0  }
0x95: {  	[tilespmem:$0xF200] =	vst v0  }
0x96: {  	[tilespmem:$0xF210] =	vst v0  }
0x97: {  	[tilespmem:$0xF220] =	vst v0  }
0x98: {  	[tilespmem:$0xF230] =	vst v0  }
0x99: {  	[tilespmem:$0xF240] =	vst v0  }
0x9a: {  	[tilespmem:$0xF250] =	vst v0  }
0x9b: {  	[tilespmem:$0xF260] =	vst v0  }
0x9c: {  	[tilespmem:$0xF270] =	vst v0  }
0x9d: {  	[tilespmem:$0xF280] =	vst v0  }
0x9e: {  	[tilespmem:$0xF290] =	vst v0  }
0x9f: {  	[tilespmem:$0xF2A0] =	vst v0  }
0xa0: {  	[tilespmem:$0xF2B0] =	vst v0  }
0xa1: {  	[tilespmem:$0xF2C0] =	vst v0  }
0xa2: {  	[tilespmem:$0xF2D0] =	vst v0  }
0xa3: {  	[tilespmem:$0xF2E0] =	vst v0  }
0xa4: {  	[tilespmem:$0xF2F0] =	vst v0  }
0xa5: {  	[tilespmem:$0xF300] =	vst v0  }
0xa6: {  	[tilespmem:$0xF310] =	vst v0  }
0xa7: {  	[tilespmem:$0xF320] =	vst v0  }
0xa8: {  	[tilespmem:$0xF330] =	vst v0  }
0xa9: {  	[tilespmem:$0xF340] =	vst v0  }
0xaa: {  	[tilespmem:$0xF350] =	vst v0  }
0xab: {  	[tilespmem:$0xF360] =	vst v0  }
0xac: {  	[tilespmem:$0xF370] =	vst v0  }
0xad: {  	[tilespmem:$0xF380] =	vst v0  }
0xae: {  	[tilespmem:$0xF390] =	vst v0  }
0xaf: {  	[tilespmem:$0xF3A0] =	vst v0  }
0xb0: {  	[tilespmem:$0xF3B0] =	vst v0  }
0xb1: {  	[tilespmem:$0xF3C0] =	vst v0  }
0xb2: {  	[tilespmem:$0xF3D0] =	vst v0  }
0xb3: {  	[tilespmem:$0xF3E0] =	vst v0  }
0xb4: {  	s25 =	simm.s32 $0x0;
	[tilespmem:$0xF3F0] =	vst v0  }
.LBB2_12:
0xb5: {  	s26 =	smul.u32 $0x14000, s25;
	_ =	sdelay $0x1  }
0xb6: {  	s26 =	sshra.s32 s26, $0x2  }
0xb7: {  	s26 =	sadd.s32 s26, s11  }
0xb8: {  	s26 =	sadd.s32 $0x80, s26  }
0xb9: {  	[tilespmem:s22], [sflag:$0x1] =	stream.strided.gather [spmem:s26], $0x280, s17, s16, $0x38;
	[tilespmem:$0x14400] =	vst v63  }
0xba: {  	_ =	swait.ge [sflag:s14], $0x280  }
0xbb: {  	[sflag:s14] =	ssyncset.done $0x0  }
0xbc: {  	s26 =	simm.s32 $0x0;
	[sflag:s14] =	ssyncadd.s32 $0xFFFFFD80  }
0xbd: {  	s28 =	simm.s32 $0x40;
	v1 =	vld [tilespmem:s26+$0xEF00]  }
.LBB2_13:
0xbe: {  	p0 =	sne.s32 s28, $0x9C0;
	v2 =	vld [tilespmem:s26+$0xF180];
	_ =	sdelay $0x2  }
.Ltmp5:
0xbf: {  	(pc) =	sbr.rel @p0 .LBB2_13-.Ltmp5, $4  }
0xc0: {  	_ = 	snop  }
0xc1: {  	v2 =	vadd.f32 v1, v2  }
0xc2: {  	s29 =	sshra.s32 s28, $0x2  }
0xc3: {  	s28 =	sadd.s32 $0x40, s28;
	v1 =	vld [tilespmem:s29+$0xEF00];
	[tilespmem:s26+$0xF180] =	vst v2;
	s26 =	smov.u32 s29  }
0xc4: {  	v2 =	vld [tilespmem:s26+$0xF180]  }
0xc5: {  	s25 =	sadd.s32 $0x1, s25  }
0xc6: {  	p0 =	sne.s32 s25, $0x10  }
.Ltmp6:
0xc7: {  	_ = 	snop;
	(pc) =	sbr.rel @p0 .LBB2_12-.Ltmp6, $3  }
0xc8: {  	_ = 	snop  }
0xc9: {  	v1 =	vadd.f32 v1, v2;
	_ =	sdelay $0x1  }
0xca: {  	[tilespmem:s26+$0xF180] =	vst v1  }
0xcb: {  	s24 =	sadd.s32 $0x1, s24  }
0xcc: {  	p0 =	sne.s32 s24, s13  }
.Ltmp7:
0xcd: {  	_ = 	snop;
	(pc) =	sbr.rel @p0 .LBB2_1-.Ltmp7, $4  }
0xce: {  	[hbm4b:s12+s16] =	stream.strided.scatter [tilespmem:s23], [sflag:$0x1], $0x280, s17, s16, $0x38;
	[tilespmem:$0x14400] =	vst v63  }
0xcf: {  	_ =	swait.ge [sflag:s14], $0x280  }
0xd0: {  	[sflag:s14] =	ssyncset.done $0x0  }
0xd1: {  	[sflag:s14] =	ssyncadd.s32 $0xFFFFFD80  }
0xd2: {  	_ =	sfence.sel $0x180000  }
0xd3: {  	[bflag:$0x0] =	sbarrier.arrive $0xFFFF  }
0xd4: {  	p0 =	sne.s32 s0, $0x0;
	_ =	strace $0x90000050  }
0xd5: {  	s0 =	sadd.s32 @!p0 $0x100000, s1;
	[bflag:$0x2] =	sbarrier.arrive $0xFFFF  }
0xd6: {  	[sflag:s0] =	ssyncadd.tile.s32 @!p0 $0x1;
	_ =	shalt  }
.Lfunc_end2:
_tile_overlayer_lowered:
.L_overlay_start_2:
0xd7: {  	(tag) =	ssettag $0x2  }
0xd8: {  	s0 =	rddreg [dreg:$0x0];
	s2 =	stileid.u32  }
0xd9: {  	s1 =	rddreg [dreg:$0x1];
	p0 =	sne.s32 s2, $0x0  }
0xda: {  	s3 =	rddreg [dreg:$0x2];
	[bflag:$0x3] =	sbarrier.arrive $0xFFFF;
	s2 =	simm.s32 @!p0 $0x1C01  }
0xdb: {  	[timem:s3], [sflag:s2] =	dma.local @!p0 [hbm:s0], s1  }
0xdc: {  	s0 =	simm.s32 @!p0 $0x1  }
0xdd: {  	_ =	swait.ge @!p0 [sflag:s0], s1  }
0xde: {  	s1 =	ssub.s32 @!p0 $0x0, s1;
	[sflag:s0] =	ssyncset.done @!p0 $0x0  }
0xdf: {  	[sflag:s0] =	ssyncadd.s32 @!p0 s1  }
0xe0: {  	[bflag:$0x3] =	sbarrier.arrive $0xFFFF  }
0xe1: {  	_ =	shalt  }

</sc_bundles>
